<compile_context>
chip_gen: v7x
topology: tpu7x:2x2x1
jax: 0.10.2.dev20260603
libtpu: 0.0.44.dev20260713+nightly
codegen_flags: <defaults>
</compile_context>

<pallas_src>
import functools

import jax
import jax.numpy as jnp
from jax import lax
from jax.experimental import pallas as pl
from jax.experimental.pallas import tpu as pltpu
from jax.experimental.pallas import tpu_sc as plsc

G = 1024
COMMIT = 0.25

_NC = 2
_NS = 16
_NT = _NC * _NS
_CHUNK = 128
_NCHUNK = 25
_NPAD = _NT * _NCHUNK * _CHUNK
_PAD = G


def _vq_body(x_ref, sc_ref, cb_ref, cr_ref, cmt_ref):
    i = pl.program_id(0)

    @pl.when(i == 0)
    def _init():
        cmt_ref[...] = jnp.zeros_like(cmt_ref)

    x = x_ref[...]
    cb = cb_ref[...]
    K = cb.shape[0]

    x_sq = jnp.sum(x * x, axis=1, keepdims=True)
    cb_sq = jnp.sum(cb * cb, axis=1)[None, :]
    xc = lax.dot_general(x, cb, (((1,), (1,)), ((), ())),
                         preferred_element_type=jnp.float32)
    dist = x_sq - 2.0 * xc + cb_sq

    m = jnp.min(dist, axis=1, keepdims=True)
    cmt_ref[...] += jnp.sum(m).reshape(1, 1)

    onehot_k = (dist == m).astype(jnp.float32)
    q = lax.dot_general(onehot_k, cb, (((1,), (0,)), ((), ())),
                        preferred_element_type=jnp.float32)

    score = sc_ref[...]
    r = x + q
    c = r * score
    cr_ref[...] = jnp.concatenate([c, r], axis=1)


def _cnt_sc_body(idx_hbm, one_hbm, zer_hbm, cnt_hbm, onesb, idxb, cnt_sh):
    cid = lax.axis_index("c")
    sid = lax.axis_index("s")
    wid = cid * _NS + sid

    r0 = sid * 64
    pltpu.sync_copy(zer_hbm, cnt_sh.at[pl.ds(r0, 64)])

    @pl.when(sid == _NS - 1)
    def _pad_row():
        pltpu.sync_copy(zer_hbm.at[pl.ds(0, 1)], cnt_sh.at[pl.ds(G, 1)])

    pltpu.sync_copy(idx_hbm.at[wid], idxb)
    pltpu.sync_copy(one_hbm, onesb)

    plsc.subcore_barrier()

    for t in range(_NCHUNK):
        pltpu.sync_copy(onesb, cnt_sh.at[idxb.at[t]], add=True)

    plsc.subcore_barrier()

    pltpu.sync_copy(cnt_sh.at[pl.ds(r0, 64)], cnt_hbm.at[cid, pl.ds(r0, 64)])


def _pool_sc_body(cr_hbm, idx_hbm, zer_hbm, acc_hbm, buf, idxb, acc_sh):
    cid = lax.axis_index("c")
    sid = lax.axis_index("s")
    wid = cid * _NS + sid

    r0 = sid * 64
    pltpu.sync_copy(zer_hbm, acc_sh.at[pl.ds(r0, 64)])

    @pl.when(sid == _NS - 1)
    def _pad_row():
        pltpu.sync_copy(zer_hbm.at[pl.ds(0, 1)], acc_sh.at[pl.ds(G, 1)])

    pltpu.sync_copy(idx_hbm.at[wid], idxb)

    plsc.subcore_barrier()

    base = wid * (_NCHUNK * _CHUNK)
    for t in range(_NCHUNK):
        row0 = base + t * _CHUNK
        pltpu.sync_copy(cr_hbm.at[pl.ds(row0, _CHUNK)], buf)
        pltpu.sync_copy(buf, acc_sh.at[idxb.at[t]], add=True)

    plsc.subcore_barrier()

    pltpu.sync_copy(acc_sh.at[pl.ds(r0, 64)], acc_hbm.at[cid, pl.ds(r0, 64)])


def _classifier_body(acc_ref, cnt_ref, cmt_ref, w1_ref, b1_ref, g_ref, be_ref,
                     w2_ref, b2_ref, logit_ref, cg_ref, sg_ref, cmt_out_ref,
                     *, n_total, d):
    acc = acc_ref[0] + acc_ref[1]
    denom = jnp.maximum(cnt_ref[0, :, :1] + cnt_ref[1, :, :1], 1.0)
    cg = acc[:, :d] / denom
    rg = acc[:, d:] / denom
    sg = rg - cg
    cg_ref[...] = cg
    sg_ref[...] = sg

    h = lax.dot_general(cg, w1_ref[...], (((1,), (0,)), ((), ())),
                        preferred_element_type=jnp.float32) + b1_ref[...]
    gn = h.shape[0]
    mu = jnp.sum(h, axis=0, keepdims=True) / gn
    var = jnp.sum((h - mu) ** 2, axis=0, keepdims=True) / gn
    hn = (h - mu) / jnp.sqrt(var + 1e-5) * g_ref[...] + be_ref[...]
    hr = jnp.maximum(hn, 0.0)
    logit_ref[...] = lax.dot_general(hr, w2_ref[...], (((1,), (0,)), ((), ())),
                                     preferred_element_type=jnp.float32) + b2_ref[...]

    cmt_out_ref[...] = cmt_ref[...] * (COMMIT / (n_total * d))


def kernel(node_feat, score, codebook, W1, b1, gamma, beta, W2, b2, batch):
    N, D = node_feat.shape
    K = codebook.shape[0]
    H = W1.shape[1]
    D2 = 2 * D

    B = 5000
    n_blocks = N // B

    cr, cmt = pl.pallas_call(
        _vq_body,
        grid=(n_blocks,),
        in_specs=[
            pl.BlockSpec((B, D), lambda i: (i, 0)),
            pl.BlockSpec((B, 1), lambda i: (i, 0)),
            pl.BlockSpec((K, D), lambda i: (0, 0)),
        ],
        out_specs=[
            pl.BlockSpec((B, D2), lambda i: (i, 0)),
            pl.BlockSpec((1, 1), lambda i: (0, 0)),
        ],
        out_shape=[
            jax.ShapeDtypeStruct((_NPAD, D2), jnp.float32),
            jax.ShapeDtypeStruct((1, 1), jnp.float32),
        ],
    )(node_feat, score, codebook)

    idx_pad = jnp.pad(batch.astype(jnp.int32), (0, _NPAD - N),
                      constant_values=_PAD)
    idx_pad = idx_pad.reshape(_NT, _NCHUNK, _CHUNK)
    zer = jnp.zeros((64, D2), jnp.float32)

    mesh = plsc.VectorSubcoreMesh(core_axis_name="c", subcore_axis_name="s")
    pool = pl.kernel(
        _pool_sc_body,
        mesh=mesh,
        out_type=jax.ShapeDtypeStruct((_NC, G, D2), jnp.float32),
        scratch_types=[
            pltpu.VMEM((_CHUNK, D2), jnp.float32),
            pltpu.VMEM((_NCHUNK, _CHUNK), jnp.int32),
            pltpu.VMEM_SHARED((G + 1, D2), jnp.float32),
        ],
    )
    acc_p = pool(cr, idx_pad, zer)

    one_b = jnp.ones((_CHUNK, D2), jnp.float32)
    cntk = pl.kernel(
        _cnt_sc_body,
        mesh=plsc.VectorSubcoreMesh(core_axis_name="c", subcore_axis_name="s"),
        out_type=jax.ShapeDtypeStruct((_NC, G, D2), jnp.float32),
        scratch_types=[
            pltpu.VMEM((_CHUNK, D2), jnp.float32),
            pltpu.VMEM((_NCHUNK, _CHUNK), jnp.int32),
            pltpu.VMEM_SHARED((G + 1, D2), jnp.float32),
        ],
    )
    cnt_p = cntk(idx_pad, one_b, zer)

    logit, cg, sg, cmt_out = pl.pallas_call(
        functools.partial(_classifier_body, n_total=N, d=D),
        in_specs=[
            pl.BlockSpec((_NC, G, D2), lambda: (0, 0, 0)),
            pl.BlockSpec((_NC, G, D2), lambda: (0, 0, 0)),
            pl.BlockSpec((1, 1), lambda: (0, 0)),
            pl.BlockSpec((D, H), lambda: (0, 0)),
            pl.BlockSpec((1, H), lambda: (0, 0)),
            pl.BlockSpec((1, H), lambda: (0, 0)),
            pl.BlockSpec((1, H), lambda: (0, 0)),
            pl.BlockSpec((H, 1), lambda: (0, 0)),
            pl.BlockSpec((1, 1), lambda: (0, 0)),
        ],
        out_specs=[
            pl.BlockSpec((G, 1), lambda: (0, 0)),
            pl.BlockSpec((G, D), lambda: (0, 0)),
            pl.BlockSpec((G, D), lambda: (0, 0)),
            pl.BlockSpec((1, 1), lambda: (0, 0)),
        ],
        out_shape=[
            jax.ShapeDtypeStruct((G, 1), jnp.float32),
            jax.ShapeDtypeStruct((G, D), jnp.float32),
            jax.ShapeDtypeStruct((G, D), jnp.float32),
            jax.ShapeDtypeStruct((1, 1), jnp.float32),
        ],
    )(acc_p, cnt_p, cmt, W1, b1.reshape(1, H), gamma.reshape(1, H),
      beta.reshape(1, H), W2, b2.reshape(1, 1))

    return (logit, cg, sg, cmt_out.reshape(()))

# --- scband reference (transcript-rebuilt; emitter-appended) ---
"""Pipeline reference for scband-discrete-encoder-71227737637137 (READ-ONLY COPY).

The authoritative reference and input builder live on the scoring server;
editing this copy changes nothing except your own understanding.
"""

import jax, jax.numpy as jnp
import numpy as np

N = 100000   # total nodes across batch
D = 64       # emb_dim
K = 512      # num_e (codebook size)
G = 1024     # number of graphs in the batch
H = 2 * D    # classifier hidden dim
COMMIT = 0.25


def setup_inputs(seed: int = 0) -> dict:
    key = jax.random.key(seed)
    ks = jax.random.split(key, 8)
    node_feat = jax.random.normal(ks[0], (N, D), dtype=jnp.float32)
    score = jax.random.uniform(ks[1], (N, 1), dtype=jnp.float32)
    batch = jnp.sort(jax.random.randint(ks[2], (N,), 0, G)).astype(jnp.int64)
    codebook = jax.random.normal(ks[3], (K, D), dtype=jnp.float32) * 0.02
    W1 = jax.random.normal(ks[4], (D, H), dtype=jnp.float32) * (1.0 / np.sqrt(D))
    b1 = jnp.zeros((H,), dtype=jnp.float32)
    gamma = jnp.ones((H,), dtype=jnp.float32)
    beta = jnp.zeros((H,), dtype=jnp.float32)
    W2 = jax.random.normal(ks[5], (H, 1), dtype=jnp.float32) * (1.0 / np.sqrt(H))
    b2 = jnp.zeros((1,), dtype=jnp.float32)
    return {
        'node_feat': node_feat, 'score': score, 'codebook': codebook,
        'W1': W1, 'b1': b1, 'gamma': gamma, 'beta': beta,
        'W2': W2, 'b2': b2, 'batch': batch,
    }


def reference(node_feat, score, codebook, W1, b1, gamma, beta, W2, b2, batch):
    x = node_feat
    # --- VectorQuantize: nearest-codebook lookup with straight-through estimator ---
    x_sq = jnp.sum(x * x, axis=1, keepdims=True)            # [N, 1]
    cb_sq = jnp.sum(codebook * codebook, axis=1)            # [K]
    dist = x_sq - 2.0 * (x @ codebook.T) + cb_sq[None, :]   # [N, K]
    indices = jnp.argmin(dist, axis=1)                      # [N]
    quantize = jnp.take(codebook, indices, axis=0)          # [N, D] gather
    # commitment loss: mse(quantize.detach(), x) * commitment_weight
    cmt_loss = jnp.mean((jax.lax.stop_gradient(quantize) - x) ** 2) * COMMIT
    # straight-through: quantize = x + (quantize - x).detach()
    node_v_feat = x + jax.lax.stop_gradient(quantize - x)
    # --- residual + score split ---
    node_res_feat = x + node_v_feat
    c_node_feat = node_res_feat * score
    s_node_feat = node_res_feat * (1.0 - score)
    # --- global_mean_pool over graph ids (segment mean) ---
    counts = jax.ops.segment_sum(jnp.ones((N,), dtype=jnp.float32), batch, num_segments=G)
    denom = jnp.clip(counts, 1.0)[:, None]
    c_graph_feat = jax.ops.segment_sum(c_node_feat, batch, num_segments=G) / denom
    s_graph_feat = jax.ops.segment_sum(s_node_feat, batch, num_segments=G) / denom
    # --- classifier: Linear -> BatchNorm1d (batch stats) -> ReLU -> (Dropout eval no-op) -> Linear ---
    h = c_graph_feat @ W1 + b1
    mu = jnp.mean(h, axis=0)
    var = jnp.var(h, axis=0)
    hn = (h - mu) / jnp.sqrt(var + 1e-5) * gamma + beta
    hr = jax.nn.relu(hn)
    c_logit = hr @ W2 + b2
    return (c_logit, c_graph_feat, s_graph_feat, cmt_loss)

if __name__ == "__main__":
    import jax
    _d = setup_inputs()
    print(jax.jit(kernel)(*tuple(_d.values())))

</pallas_src>

<mosaic_0001>
#map = affine_map<(d0, d1) -> (0, 0)>
#map1 = affine_map<(d0, d1) -> (0, 0, 0)>
module attributes {stable_mosaic.version = 14 : i64} {
  func.func @_pool_sc_body(%arg0: i32, %arg1: i32, %arg2: memref<102400x128xf32, #tpu.memory_space<hbm>>, %arg3: memref<32x25x128xi32, #tpu.memory_space<hbm>>, %arg4: memref<64x128xf32, #tpu.memory_space<hbm>>, %arg5: memref<2x1024x128xf32, #tpu.memory_space<hbm>>, %arg6: memref<128x128xf32, #tpu.memory_space<vmem>>, %arg7: memref<25x128xi32, #tpu.memory_space<vmem>>, %arg8: memref<1025x128xf32, #tpu.memory_space<vmem_shared>>) attributes {dimension_semantics = [#tpu.dimension_semantics<core_parallel>, #tpu.dimension_semantics<subcore_parallel>], iteration_bounds = array<i64: 2, 16>, scalar_prefetch = 0 : i64, scratch_operands = 3 : i64, tpu.core_type = #tpu.core_type<sc_vector_subcore>, window_params = [{transform_indices = #map}, {transform_indices = #map1}, {transform_indices = #map}, {transform_indices = #map1}]} {
    %mul3A = arith.constant 16 : i32
    %mul3A_0 = arith.muli %arg0, %mul3A : i32
    %add3A = arith.addi %mul3A_0, %arg1 : i32
    %mul3A_1 = arith.constant 64 : i32
    %mul3A_2 = arith.muli %arg1, %mul3A_1 : i32
    "tpu.region"() ({
      %run_scoped3A_82 = tpu.sem_alloc : memref<!tpu.dma_semaphore, #tpu.memory_space<semaphore_mem>>
      %dma_start3A = arith.constant 0 : i32
      %dma_start3A_83 = tpu.memref_slice %arg8[%mul3A_2, %dma_start3A] : memref<1025x128xf32, #tpu.memory_space<vmem_shared>> -> memref<64x128xf32, #tpu.memory_space<vmem_shared>>
      tpu.enqueue_dma source(%arg4 : memref<64x128xf32, #tpu.memory_space<hbm>>) target(%dma_start3A_83 : memref<64x128xf32, #tpu.memory_space<vmem_shared>>) target_semaphore(%run_scoped3A_82 : memref<!tpu.dma_semaphore, #tpu.memory_space<semaphore_mem>>)
      %dma_wait3A = arith.constant 0 : i32
      %dma_wait3A_84 = tpu.memref_slice %arg8[%mul3A_2, %dma_wait3A] : memref<1025x128xf32, #tpu.memory_space<vmem_shared>> -> memref<64x128xf32, #tpu.memory_space<vmem_shared>>
      tpu.wait_dma2 semaphore(%run_scoped3A_82 : memref<!tpu.dma_semaphore, #tpu.memory_space<semaphore_mem>>) src(%arg4 : memref<64x128xf32, #tpu.memory_space<hbm>>) dst(%dma_wait3A_84 : memref<64x128xf32, #tpu.memory_space<vmem_shared>>)
      tpu.yield
    }) : () -> ()
    %eq3A = arith.constant 15 : i32
    %eq3A_3 = arith.cmpi eq, %arg1, %eq3A : i32
    %convert_element_type3A = arith.extui %eq3A_3 : i1 to i32
    %cond3A = arith.constant 0 : i32
    %cond3A_4 = arith.cmpi ne, %convert_element_type3A, %cond3A : i32
    scf.if %cond3A_4 {
      "tpu.region"() ({
        %run_scoped3A_82 = tpu.sem_alloc : memref<!tpu.dma_semaphore, #tpu.memory_space<semaphore_mem>>
        %dma_start3A = arith.constant 1024 : i32
        %dma_start3A_83 = arith.constant 0 : i32
        %dma_start3A_84 = tpu.memref_slice %arg8[%dma_start3A, %dma_start3A_83] : memref<1025x128xf32, #tpu.memory_space<vmem_shared>> -> memref<1x128xf32, #tpu.memory_space<vmem_shared>>
        %dma_start3A_85 = arith.constant 0 : i32
        %dma_start3A_86 = arith.constant 0 : i32
        %dma_start3A_87 = tpu.memref_slice %arg4[%dma_start3A_85, %dma_start3A_86] : memref<64x128xf32, #tpu.memory_space<hbm>> -> memref<1x128xf32, #tpu.memory_space<hbm>>
        tpu.enqueue_dma source(%dma_start3A_87 : memref<1x128xf32, #tpu.memory_space<hbm>>) target(%dma_start3A_84 : memref<1x128xf32, #tpu.memory_space<vmem_shared>>) target_semaphore(%run_scoped3A_82 : memref<!tpu.dma_semaphore, #tpu.memory_space<semaphore_mem>>)
        %dma_wait3A = arith.constant 1024 : i32
        %dma_wait3A_88 = arith.constant 0 : i32
        %dma_wait3A_89 = tpu.memref_slice %arg8[%dma_wait3A, %dma_wait3A_88] : memref<1025x128xf32, #tpu.memory_space<vmem_shared>> -> memref<1x128xf32, #tpu.memory_space<vmem_shared>>
        %dma_wait3A_90 = arith.constant 0 : i32
        %dma_wait3A_91 = arith.constant 0 : i32
        %dma_wait3A_92 = tpu.memref_slice %arg4[%dma_wait3A_90, %dma_wait3A_91] : memref<64x128xf32, #tpu.memory_space<hbm>> -> memref<1x128xf32, #tpu.memory_space<hbm>>
        tpu.wait_dma2 semaphore(%run_scoped3A_82 : memref<!tpu.dma_semaphore, #tpu.memory_space<semaphore_mem>>) src(%dma_wait3A_92 : memref<1x128xf32, #tpu.memory_space<hbm>>) dst(%dma_wait3A_89 : memref<1x128xf32, #tpu.memory_space<vmem_shared>>)
        tpu.yield
      }) : () -> ()
    } else {
    }
    "tpu.region"() ({
      %run_scoped3A_82 = tpu.sem_alloc : memref<!tpu.dma_semaphore, #tpu.memory_space<semaphore_mem>>
      %dma_start3A = arith.constant 0 : i32
      %dma_start3A_83 = arith.constant 0 : i32
      %dma_start3A_84 = tpu.memref_slice %arg3[%add3A, %dma_start3A, %dma_start3A_83] : memref<32x25x128xi32, #tpu.memory_space<hbm>> -> memref<1x25x128xi32, #tpu.memory_space<hbm>>
      %dma_start3A_85 = tpu.memref_squeeze %dma_start3A_84 : memref<1x25x128xi32, #tpu.memory_space<hbm>> -> memref<25x128xi32, #tpu.memory_space<hbm>>
      %dma_start3A_86 = arith.constant 0 : i32
      %dma_start3A_87 = arith.constant 0 : i32
      %dma_start3A_88 = tpu.memref_slice %arg3[%add3A, %dma_start3A_86, %dma_start3A_87] : memref<32x25x128xi32, #tpu.memory_space<hbm>> -> memref<1x25x128xi32, #tpu.memory_space<hbm>>
      %dma_start3A_89 = tpu.memref_squeeze %dma_start3A_88 : memref<1x25x128xi32, #tpu.memory_space<hbm>> -> memref<25x128xi32, #tpu.memory_space<hbm>>
      tpu.enqueue_dma source(%dma_start3A_89 : memref<25x128xi32, #tpu.memory_space<hbm>>) target(%arg7 : memref<25x128xi32, #tpu.memory_space<vmem>>) target_semaphore(%run_scoped3A_82 : memref<!tpu.dma_semaphore, #tpu.memory_space<semaphore_mem>>)
      %dma_wait3A = arith.constant 0 : i32
      %dma_wait3A_90 = arith.constant 0 : i32
      %dma_wait3A_91 = tpu.memref_slice %arg3[%add3A, %dma_wait3A, %dma_wait3A_90] : memref<32x25x128xi32, #tpu.memory_space<hbm>> -> memref<1x25x128xi32, #tpu.memory_space<hbm>>
      %dma_wait3A_92 = tpu.memref_squeeze %dma_wait3A_91 : memref<1x25x128xi32, #tpu.memory_space<hbm>> -> memref<25x128xi32, #tpu.memory_space<hbm>>
      %dma_wait3A_93 = arith.constant 0 : i32
      %dma_wait3A_94 = arith.constant 0 : i32
      %dma_wait3A_95 = tpu.memref_slice %arg3[%add3A, %dma_wait3A_93, %dma_wait3A_94] : memref<32x25x128xi32, #tpu.memory_space<hbm>> -> memref<1x25x128xi32, #tpu.memory_space<hbm>>
      %dma_wait3A_96 = tpu.memref_squeeze %dma_wait3A_95 : memref<1x25x128xi32, #tpu.memory_space<hbm>> -> memref<25x128xi32, #tpu.memory_space<hbm>>
      tpu.wait_dma2 semaphore(%run_scoped3A_82 : memref<!tpu.dma_semaphore, #tpu.memory_space<semaphore_mem>>) src(%dma_wait3A_96 : memref<25x128xi32, #tpu.memory_space<hbm>>) dst(%arg7 : memref<25x128xi32, #tpu.memory_space<vmem>>)
      tpu.yield
    }) : () -> ()
    %barrier3A = arith.constant 0 : index
    tpu.barrier barrier_id(%barrier3A)
    %mul3A_5 = arith.constant 3200 : i32
    %mul3A_6 = arith.muli %add3A, %mul3A_5 : i32
    %add3A_7 = arith.constant 0 : i32
    %add3A_8 = arith.addi %mul3A_6, %add3A_7 : i32
    "tpu.region"() ({
      %run_scoped3A_82 = tpu.sem_alloc : memref<!tpu.dma_semaphore, #tpu.memory_space<semaphore_mem>>
      %dma_start3A = arith.constant 0 : i32
      %dma_start3A_83 = tpu.memref_slice %arg2[%add3A_8, %dma_start3A] : memref<102400x128xf32, #tpu.memory_space<hbm>> -> memref<128x128xf32, #tpu.memory_space<hbm>>
      %dma_start3A_84 = arith.constant 0 : i32
      %dma_start3A_85 = tpu.memref_slice %arg2[%add3A_8, %dma_start3A_84] : memref<102400x128xf32, #tpu.memory_space<hbm>> -> memref<128x128xf32, #tpu.memory_space<hbm>>
      tpu.enqueue_dma source(%dma_start3A_85 : memref<128x128xf32, #tpu.memory_space<hbm>>) target(%arg6 : memref<128x128xf32, #tpu.memory_space<vmem>>) target_semaphore(%run_scoped3A_82 : memref<!tpu.dma_semaphore, #tpu.memory_space<semaphore_mem>>)
      %dma_wait3A = arith.constant 0 : i32
      %dma_wait3A_86 = tpu.memref_slice %arg2[%add3A_8, %dma_wait3A] : memref<102400x128xf32, #tpu.memory_space<hbm>> -> memref<128x128xf32, #tpu.memory_space<hbm>>
      %dma_wait3A_87 = arith.constant 0 : i32
      %dma_wait3A_88 = tpu.memref_slice %arg2[%add3A_8, %dma_wait3A_87] : memref<102400x128xf32, #tpu.memory_space<hbm>> -> memref<128x128xf32, #tpu.memory_space<hbm>>
      tpu.wait_dma2 semaphore(%run_scoped3A_82 : memref<!tpu.dma_semaphore, #tpu.memory_space<semaphore_mem>>) src(%dma_wait3A_88 : memref<128x128xf32, #tpu.memory_space<hbm>>) dst(%arg6 : memref<128x128xf32, #tpu.memory_space<vmem>>)
      tpu.yield
    }) : () -> ()
    %run_scoped3A = arith.constant 0 : i32
    "tpu.region"() ({
      %run_scoped3A_82 = tpu.sem_alloc : memref<!tpu.dma_semaphore, #tpu.memory_space<semaphore_mem>>
      %dma_start3A = arith.constant 0 : i32
      %dma_start3A_83 = tpu.memref_slice %arg7[%run_scoped3A, %dma_start3A] : memref<25x128xi32, #tpu.memory_space<vmem>> -> memref<1x128xi32, #tpu.memory_space<vmem>>
      %dma_start3A_84 = tpu.memref_squeeze %dma_start3A_83 : memref<1x128xi32, #tpu.memory_space<vmem>> -> memref<128xi32, #tpu.memory_space<vmem>>
      %dma_start3A_85 = arith.constant 0 : i32
      %dma_start3A_86 = arith.constant 0 : i32
      %dma_start3A_87 = tpu.memref_slice %arg8[%dma_start3A_85, %dma_start3A_86] : memref<1025x128xf32, #tpu.memory_space<vmem_shared>> -> memref<1025x128xf32, #tpu.memory_space<vmem_shared>>
      tpu.enqueue_indirect_dma source(%arg6 : memref<128x128xf32, #tpu.memory_space<vmem>>) target(%dma_start3A_87 : memref<1025x128xf32, #tpu.memory_space<vmem_shared>>) offsets(%dma_start3A_84 : memref<128xi32, #tpu.memory_space<vmem>>) semaphore(%run_scoped3A_82 : memref<!tpu.dma_semaphore, #tpu.memory_space<semaphore_mem>>) {add = true}
      %dma_wait3A = arith.constant 0 : i32
      %dma_wait3A_88 = tpu.memref_slice %arg7[%run_scoped3A, %dma_wait3A] : memref<25x128xi32, #tpu.memory_space<vmem>> -> memref<1x128xi32, #tpu.memory_space<vmem>>
      %dma_wait3A_89 = tpu.memref_squeeze %dma_wait3A_88 : memref<1x128xi32, #tpu.memory_space<vmem>> -> memref<128xi32, #tpu.memory_space<vmem>>
      %dma_wait3A_90 = arith.constant 0 : i32
      %dma_wait3A_91 = arith.constant 0 : i32
      %dma_wait3A_92 = tpu.memref_slice %arg8[%dma_wait3A_90, %dma_wait3A_91] : memref<1025x128xf32, #tpu.memory_space<vmem_shared>> -> memref<1025x128xf32, #tpu.memory_space<vmem_shared>>
      tpu.wait_indirect_dma semaphore(%run_scoped3A_82 : memref<!tpu.dma_semaphore, #tpu.memory_space<semaphore_mem>>) src(%arg6 : memref<128x128xf32, #tpu.memory_space<vmem>>) dst(%dma_wait3A_92 : memref<1025x128xf32, #tpu.memory_space<vmem_shared>>)
      tpu.yield
    }) : () -> ()
    %add3A_9 = arith.constant 128 : i32
    %add3A_10 = arith.addi %mul3A_6, %add3A_9 : i32
    "tpu.region"() ({
      %run_scoped3A_82 = tpu.sem_alloc : memref<!tpu.dma_semaphore, #tpu.memory_space<semaphore_mem>>
      %dma_start3A = arith.constant 0 : i32
      %dma_start3A_83 = tpu.memref_slice %arg2[%add3A_10, %dma_start3A] : memref<102400x128xf32, #tpu.memory_space<hbm>> -> memref<128x128xf32, #tpu.memory_space<hbm>>
      %dma_start3A_84 = arith.constant 0 : i32
      %dma_start3A_85 = tpu.memref_slice %arg2[%add3A_10, %dma_start3A_84] : memref<102400x128xf32, #tpu.memory_space<hbm>> -> memref<128x128xf32, #tpu.memory_space<hbm>>
      tpu.enqueue_dma source(%dma_start3A_85 : memref<128x128xf32, #tpu.memory_space<hbm>>) target(%arg6 : memref<128x128xf32, #tpu.memory_space<vmem>>) target_semaphore(%run_scoped3A_82 : memref<!tpu.dma_semaphore, #tpu.memory_space<semaphore_mem>>)
      %dma_wait3A = arith.constant 0 : i32
      %dma_wait3A_86 = tpu.memref_slice %arg2[%add3A_10, %dma_wait3A] : memref<102400x128xf32, #tpu.memory_space<hbm>> -> memref<128x128xf32, #tpu.memory_space<hbm>>
      %dma_wait3A_87 = arith.constant 0 : i32
      %dma_wait3A_88 = tpu.memref_slice %arg2[%add3A_10, %dma_wait3A_87] : memref<102400x128xf32, #tpu.memory_space<hbm>> -> memref<128x128xf32, #tpu.memory_space<hbm>>
      tpu.wait_dma2 semaphore(%run_scoped3A_82 : memref<!tpu.dma_semaphore, #tpu.memory_space<semaphore_mem>>) src(%dma_wait3A_88 : memref<128x128xf32, #tpu.memory_space<hbm>>) dst(%arg6 : memref<128x128xf32, #tpu.memory_space<vmem>>)
      tpu.yield
    }) : () -> ()
    %run_scoped3A_11 = arith.constant 1 : i32
    "tpu.region"() ({
      %run_scoped3A_82 = tpu.sem_alloc : memref<!tpu.dma_semaphore, #tpu.memory_space<semaphore_mem>>
      %dma_start3A = arith.constant 0 : i32
      %dma_start3A_83 = tpu.memref_slice %arg7[%run_scoped3A_11, %dma_start3A] : memref<25x128xi32, #tpu.memory_space<vmem>> -> memref<1x128xi32, #tpu.memory_space<vmem>>
      %dma_start3A_84 = tpu.memref_squeeze %dma_start3A_83 : memref<1x128xi32, #tpu.memory_space<vmem>> -> memref<128xi32, #tpu.memory_space<vmem>>
      %dma_start3A_85 = arith.constant 0 : i32
      %dma_start3A_86 = arith.constant 0 : i32
      %dma_start3A_87 = tpu.memref_slice %arg8[%dma_start3A_85, %dma_start3A_86] : memref<1025x128xf32, #tpu.memory_space<vmem_shared>> -> memref<1025x128xf32, #tpu.memory_space<vmem_shared>>
      tpu.enqueue_indirect_dma source(%arg6 : memref<128x128xf32, #tpu.memory_space<vmem>>) target(%dma_start3A_87 : memref<1025x128xf32, #tpu.memory_space<vmem_shared>>) offsets(%dma_start3A_84 : memref<128xi32, #tpu.memory_space<vmem>>) semaphore(%run_scoped3A_82 : memref<!tpu.dma_semaphore, #tpu.memory_space<semaphore_mem>>) {add = true}
      %dma_wait3A = arith.constant 0 : i32
      %dma_wait3A_88 = tpu.memref_slice %arg7[%run_scoped3A_11, %dma_wait3A] : memref<25x128xi32, #tpu.memory_space<vmem>> -> memref<1x128xi32, #tpu.memory_space<vmem>>
      %dma_wait3A_89 = tpu.memref_squeeze %dma_wait3A_88 : memref<1x128xi32, #tpu.memory_space<vmem>> -> memref<128xi32, #tpu.memory_space<vmem>>
      %dma_wait3A_90 = arith.constant 0 : i32
      %dma_wait3A_91 = arith.constant 0 : i32
      %dma_wait3A_92 = tpu.memref_slice %arg8[%dma_wait3A_90, %dma_wait3A_91] : memref<1025x128xf32, #tpu.memory_space<vmem_shared>> -> memref<1025x128xf32, #tpu.memory_space<vmem_shared>>
      tpu.wait_indirect_dma semaphore(%run_scoped3A_82 : memref<!tpu.dma_semaphore, #tpu.memory_space<semaphore_mem>>) src(%arg6 : memref<128x128xf32, #tpu.memory_space<vmem>>) dst(%dma_wait3A_92 : memref<1025x128xf32, #tpu.memory_space<vmem_shared>>)
      tpu.yield
    }) : () -> ()
    %add3A_12 = arith.constant 256 : i32
    %add3A_13 = arith.addi %mul3A_6, %add3A_12 : i32
    "tpu.region"() ({
      %run_scoped3A_82 = tpu.sem_alloc : memref<!tpu.dma_semaphore, #tpu.memory_space<semaphore_mem>>
      %dma_start3A = arith.constant 0 : i32
      %dma_start3A_83 = tpu.memref_slice %arg2[%add3A_13, %dma_start3A] : memref<102400x128xf32, #tpu.memory_space<hbm>> -> memref<128x128xf32, #tpu.memory_space<hbm>>
      %dma_start3A_84 = arith.constant 0 : i32
      %dma_start3A_85 = tpu.memref_slice %arg2[%add3A_13, %dma_start3A_84] : memref<102400x128xf32, #tpu.memory_space<hbm>> -> memref<128x128xf32, #tpu.memory_space<hbm>>
      tpu.enqueue_dma source(%dma_start3A_85 : memref<128x128xf32, #tpu.memory_space<hbm>>) target(%arg6 : memref<128x128xf32, #tpu.memory_space<vmem>>) target_semaphore(%run_scoped3A_82 : memref<!tpu.dma_semaphore, #tpu.memory_space<semaphore_mem>>)
      %dma_wait3A = arith.constant 0 : i32
      %dma_wait3A_86 = tpu.memref_slice %arg2[%add3A_13, %dma_wait3A] : memref<102400x128xf32, #tpu.memory_space<hbm>> -> memref<128x128xf32, #tpu.memory_space<hbm>>
      %dma_wait3A_87 = arith.constant 0 : i32
      %dma_wait3A_88 = tpu.memref_slice %arg2[%add3A_13, %dma_wait3A_87] : memref<102400x128xf32, #tpu.memory_space<hbm>> -> memref<128x128xf32, #tpu.memory_space<hbm>>
      tpu.wait_dma2 semaphore(%run_scoped3A_82 : memref<!tpu.dma_semaphore, #tpu.memory_space<semaphore_mem>>) src(%dma_wait3A_88 : memref<128x128xf32, #tpu.memory_space<hbm>>) dst(%arg6 : memref<128x128xf32, #tpu.memory_space<vmem>>)
      tpu.yield
    }) : () -> ()
    %run_scoped3A_14 = arith.constant 2 : i32
    "tpu.region"() ({
      %run_scoped3A_82 = tpu.sem_alloc : memref<!tpu.dma_semaphore, #tpu.memory_space<semaphore_mem>>
      %dma_start3A = arith.constant 0 : i32
      %dma_start3A_83 = tpu.memref_slice %arg7[%run_scoped3A_14, %dma_start3A] : memref<25x128xi32, #tpu.memory_space<vmem>> -> memref<1x128xi32, #tpu.memory_space<vmem>>
      %dma_start3A_84 = tpu.memref_squeeze %dma_start3A_83 : memref<1x128xi32, #tpu.memory_space<vmem>> -> memref<128xi32, #tpu.memory_space<vmem>>
      %dma_start3A_85 = arith.constant 0 : i32
      %dma_start3A_86 = arith.constant 0 : i32
      %dma_start3A_87 = tpu.memref_slice %arg8[%dma_start3A_85, %dma_start3A_86] : memref<1025x128xf32, #tpu.memory_space<vmem_shared>> -> memref<1025x128xf32, #tpu.memory_space<vmem_shared>>
      tpu.enqueue_indirect_dma source(%arg6 : memref<128x128xf32, #tpu.memory_space<vmem>>) target(%dma_start3A_87 : memref<1025x128xf32, #tpu.memory_space<vmem_shared>>) offsets(%dma_start3A_84 : memref<128xi32, #tpu.memory_space<vmem>>) semaphore(%run_scoped3A_82 : memref<!tpu.dma_semaphore, #tpu.memory_space<semaphore_mem>>) {add = true}
      %dma_wait3A = arith.constant 0 : i32
      %dma_wait3A_88 = tpu.memref_slice %arg7[%run_scoped3A_14, %dma_wait3A] : memref<25x128xi32, #tpu.memory_space<vmem>> -> memref<1x128xi32, #tpu.memory_space<vmem>>
      %dma_wait3A_89 = tpu.memref_squeeze %dma_wait3A_88 : memref<1x128xi32, #tpu.memory_space<vmem>> -> memref<128xi32, #tpu.memory_space<vmem>>
      %dma_wait3A_90 = arith.constant 0 : i32
      %dma_wait3A_91 = arith.constant 0 : i32
      %dma_wait3A_92 = tpu.memref_slice %arg8[%dma_wait3A_90, %dma_wait3A_91] : memref<1025x128xf32, #tpu.memory_space<vmem_shared>> -> memref<1025x128xf32, #tpu.memory_space<vmem_shared>>
      tpu.wait_indirect_dma semaphore(%run_scoped3A_82 : memref<!tpu.dma_semaphore, #tpu.memory_space<semaphore_mem>>) src(%arg6 : memref<128x128xf32, #tpu.memory_space<vmem>>) dst(%dma_wait3A_92 : memref<1025x128xf32, #tpu.memory_space<vmem_shared>>)
      tpu.yield
    }) : () -> ()
    %add3A_15 = arith.constant 384 : i32
    %add3A_16 = arith.addi %mul3A_6, %add3A_15 : i32
    "tpu.region"() ({
      %run_scoped3A_82 = tpu.sem_alloc : memref<!tpu.dma_semaphore, #tpu.memory_space<semaphore_mem>>
      %dma_start3A = arith.constant 0 : i32
      %dma_start3A_83 = tpu.memref_slice %arg2[%add3A_16, %dma_start3A] : memref<102400x128xf32, #tpu.memory_space<hbm>> -> memref<128x128xf32, #tpu.memory_space<hbm>>
      %dma_start3A_84 = arith.constant 0 : i32
      %dma_start3A_85 = tpu.memref_slice %arg2[%add3A_16, %dma_start3A_84] : memref<102400x128xf32, #tpu.memory_space<hbm>> -> memref<128x128xf32, #tpu.memory_space<hbm>>
      tpu.enqueue_dma source(%dma_start3A_85 : memref<128x128xf32, #tpu.memory_space<hbm>>) target(%arg6 : memref<128x128xf32, #tpu.memory_space<vmem>>) target_semaphore(%run_scoped3A_82 : memref<!tpu.dma_semaphore, #tpu.memory_space<semaphore_mem>>)
      %dma_wait3A = arith.constant 0 : i32
      %dma_wait3A_86 = tpu.memref_slice %arg2[%add3A_16, %dma_wait3A] : memref<102400x128xf32, #tpu.memory_space<hbm>> -> memref<128x128xf32, #tpu.memory_space<hbm>>
      %dma_wait3A_87 = arith.constant 0 : i32
      %dma_wait3A_88 = tpu.memref_slice %arg2[%add3A_16, %dma_wait3A_87] : memref<102400x128xf32, #tpu.memory_space<hbm>> -> memref<128x128xf32, #tpu.memory_space<hbm>>
      tpu.wait_dma2 semaphore(%run_scoped3A_82 : memref<!tpu.dma_semaphore, #tpu.memory_space<semaphore_mem>>) src(%dma_wait3A_88 : memref<128x128xf32, #tpu.memory_space<hbm>>) dst(%arg6 : memref<128x128xf32, #tpu.memory_space<vmem>>)
      tpu.yield
    }) : () -> ()
    %run_scoped3A_17 = arith.constant 3 : i32
    "tpu.region"() ({
      %run_scoped3A_82 = tpu.sem_alloc : memref<!tpu.dma_semaphore, #tpu.memory_space<semaphore_mem>>
      %dma_start3A = arith.constant 0 : i32
      %dma_start3A_83 = tpu.memref_slice %arg7[%run_scoped3A_17, %dma_start3A] : memref<25x128xi32, #tpu.memory_space<vmem>> -> memref<1x128xi32, #tpu.memory_space<vmem>>
      %dma_start3A_84 = tpu.memref_squeeze %dma_start3A_83 : memref<1x128xi32, #tpu.memory_space<vmem>> -> memref<128xi32, #tpu.memory_space<vmem>>
      %dma_start3A_85 = arith.constant 0 : i32
      %dma_start3A_86 = arith.constant 0 : i32
      %dma_start3A_87 = tpu.memref_slice %arg8[%dma_start3A_85, %dma_start3A_86] : memref<1025x128xf32, #tpu.memory_space<vmem_shared>> -> memref<1025x128xf32, #tpu.memory_space<vmem_shared>>
      tpu.enqueue_indirect_dma source(%arg6 : memref<128x128xf32, #tpu.memory_space<vmem>>) target(%dma_start3A_87 : memref<1025x128xf32, #tpu.memory_space<vmem_shared>>) offsets(%dma_start3A_84 : memref<128xi32, #tpu.memory_space<vmem>>) semaphore(%run_scoped3A_82 : memref<!tpu.dma_semaphore, #tpu.memory_space<semaphore_mem>>) {add = true}
      %dma_wait3A = arith.constant 0 : i32
      %dma_wait3A_88 = tpu.memref_slice %arg7[%run_scoped3A_17, %dma_wait3A] : memref<25x128xi32, #tpu.memory_space<vmem>> -> memref<1x128xi32, #tpu.memory_space<vmem>>
      %dma_wait3A_89 = tpu.memref_squeeze %dma_wait3A_88 : memref<1x128xi32, #tpu.memory_space<vmem>> -> memref<128xi32, #tpu.memory_space<vmem>>
      %dma_wait3A_90 = arith.constant 0 : i32
      %dma_wait3A_91 = arith.constant 0 : i32
      %dma_wait3A_92 = tpu.memref_slice %arg8[%dma_wait3A_90, %dma_wait3A_91] : memref<1025x128xf32, #tpu.memory_space<vmem_shared>> -> memref<1025x128xf32, #tpu.memory_space<vmem_shared>>
      tpu.wait_indirect_dma semaphore(%run_scoped3A_82 : memref<!tpu.dma_semaphore, #tpu.memory_space<semaphore_mem>>) src(%arg6 : memref<128x128xf32, #tpu.memory_space<vmem>>) dst(%dma_wait3A_92 : memref<1025x128xf32, #tpu.memory_space<vmem_shared>>)
      tpu.yield
    }) : () -> ()
    %add3A_18 = arith.constant 512 : i32
    %add3A_19 = arith.addi %mul3A_6, %add3A_18 : i32
    "tpu.region"() ({
      %run_scoped3A_82 = tpu.sem_alloc : memref<!tpu.dma_semaphore, #tpu.memory_space<semaphore_mem>>
      %dma_start3A = arith.constant 0 : i32
      %dma_start3A_83 = tpu.memref_slice %arg2[%add3A_19, %dma_start3A] : memref<102400x128xf32, #tpu.memory_space<hbm>> -> memref<128x128xf32, #tpu.memory_space<hbm>>
      %dma_start3A_84 = arith.constant 0 : i32
      %dma_start3A_85 = tpu.memref_slice %arg2[%add3A_19, %dma_start3A_84] : memref<102400x128xf32, #tpu.memory_space<hbm>> -> memref<128x128xf32, #tpu.memory_space<hbm>>
      tpu.enqueue_dma source(%dma_start3A_85 : memref<128x128xf32, #tpu.memory_space<hbm>>) target(%arg6 : memref<128x128xf32, #tpu.memory_space<vmem>>) target_semaphore(%run_scoped3A_82 : memref<!tpu.dma_semaphore, #tpu.memory_space<semaphore_mem>>)
      %dma_wait3A = arith.constant 0 : i32
      %dma_wait3A_86 = tpu.memref_slice %arg2[%add3A_19, %dma_wait3A] : memref<102400x128xf32, #tpu.memory_space<hbm>> -> memref<128x128xf32, #tpu.memory_space<hbm>>
      %dma_wait3A_87 = arith.constant 0 : i32
      %dma_wait3A_88 = tpu.memref_slice %arg2[%add3A_19, %dma_wait3A_87] : memref<102400x128xf32, #tpu.memory_space<hbm>> -> memref<128x128xf32, #tpu.memory_space<hbm>>
      tpu.wait_dma2 semaphore(%run_scoped3A_82 : memref<!tpu.dma_semaphore, #tpu.memory_space<semaphore_mem>>) src(%dma_wait3A_88 : memref<128x128xf32, #tpu.memory_space<hbm>>) dst(%arg6 : memref<128x128xf32, #tpu.memory_space<vmem>>)
      tpu.yield
    }) : () -> ()
    %run_scoped3A_20 = arith.constant 4 : i32
    "tpu.region"() ({
      %run_scoped3A_82 = tpu.sem_alloc : memref<!tpu.dma_semaphore, #tpu.memory_space<semaphore_mem>>
      %dma_start3A = arith.constant 0 : i32
      %dma_start3A_83 = tpu.memref_slice %arg7[%run_scoped3A_20, %dma_start3A] : memref<25x128xi32, #tpu.memory_space<vmem>> -> memref<1x128xi32, #tpu.memory_space<vmem>>
      %dma_start3A_84 = tpu.memref_squeeze %dma_start3A_83 : memref<1x128xi32, #tpu.memory_space<vmem>> -> memref<128xi32, #tpu.memory_space<vmem>>
      %dma_start3A_85 = arith.constant 0 : i32
      %dma_start3A_86 = arith.constant 0 : i32
      %dma_start3A_87 = tpu.memref_slice %arg8[%dma_start3A_85, %dma_start3A_86] : memref<1025x128xf32, #tpu.memory_space<vmem_shared>> -> memref<1025x128xf32, #tpu.memory_space<vmem_shared>>
      tpu.enqueue_indirect_dma source(%arg6 : memref<128x128xf32, #tpu.memory_space<vmem>>) target(%dma_start3A_87 : memref<1025x128xf32, #tpu.memory_space<vmem_shared>>) offsets(%dma_start3A_84 : memref<128xi32, #tpu.memory_space<vmem>>) semaphore(%run_scoped3A_82 : memref<!tpu.dma_semaphore, #tpu.memory_space<semaphore_mem>>) {add = true}
      %dma_wait3A = arith.constant 0 : i32
      %dma_wait3A_88 = tpu.memref_slice %arg7[%run_scoped3A_20, %dma_wait3A] : memref<25x128xi32, #tpu.memory_space<vmem>> -> memref<1x128xi32, #tpu.memory_space<vmem>>
      %dma_wait3A_89 = tpu.memref_squeeze %dma_wait3A_88 : memref<1x128xi32, #tpu.memory_space<vmem>> -> memref<128xi32, #tpu.memory_space<vmem>>
      %dma_wait3A_90 = arith.constant 0 : i32
      %dma_wait3A_91 = arith.constant 0 : i32
      %dma_wait3A_92 = tpu.memref_slice %arg8[%dma_wait3A_90, %dma_wait3A_91] : memref<1025x128xf32, #tpu.memory_space<vmem_shared>> -> memref<1025x128xf32, #tpu.memory_space<vmem_shared>>
      tpu.wait_indirect_dma semaphore(%run_scoped3A_82 : memref<!tpu.dma_semaphore, #tpu.memory_space<semaphore_mem>>) src(%arg6 : memref<128x128xf32, #tpu.memory_space<vmem>>) dst(%dma_wait3A_92 : memref<1025x128xf32, #tpu.memory_space<vmem_shared>>)
      tpu.yield
    }) : () -> ()
    %add3A_21 = arith.constant 640 : i32
    %add3A_22 = arith.addi %mul3A_6, %add3A_21 : i32
    "tpu.region"() ({
      %run_scoped3A_82 = tpu.sem_alloc : memref<!tpu.dma_semaphore, #tpu.memory_space<semaphore_mem>>
      %dma_start3A = arith.constant 0 : i32
      %dma_start3A_83 = tpu.memref_slice %arg2[%add3A_22, %dma_start3A] : memref<102400x128xf32, #tpu.memory_space<hbm>> -> memref<128x128xf32, #tpu.memory_space<hbm>>
      %dma_start3A_84 = arith.constant 0 : i32
      %dma_start3A_85 = tpu.memref_slice %arg2[%add3A_22, %dma_start3A_84] : memref<102400x128xf32, #tpu.memory_space<hbm>> -> memref<128x128xf32, #tpu.memory_space<hbm>>
      tpu.enqueue_dma source(%dma_start3A_85 : memref<128x128xf32, #tpu.memory_space<hbm>>) target(%arg6 : memref<128x128xf32, #tpu.memory_space<vmem>>) target_semaphore(%run_scoped3A_82 : memref<!tpu.dma_semaphore, #tpu.memory_space<semaphore_mem>>)
      %dma_wait3A = arith.constant 0 : i32
      %dma_wait3A_86 = tpu.memref_slice %arg2[%add3A_22, %dma_wait3A] : memref<102400x128xf32, #tpu.memory_space<hbm>> -> memref<128x128xf32, #tpu.memory_space<hbm>>
      %dma_wait3A_87 = arith.constant 0 : i32
      %dma_wait3A_88 = tpu.memref_slice %arg2[%add3A_22, %dma_wait3A_87] : memref<102400x128xf32, #tpu.memory_space<hbm>> -> memref<128x128xf32, #tpu.memory_space<hbm>>
      tpu.wait_dma2 semaphore(%run_scoped3A_82 : memref<!tpu.dma_semaphore, #tpu.memory_space<semaphore_mem>>) src(%dma_wait3A_88 : memref<128x128xf32, #tpu.memory_space<hbm>>) dst(%arg6 : memref<128x128xf32, #tpu.memory_space<vmem>>)
      tpu.yield
    }) : () -> ()
    %run_scoped3A_23 = arith.constant 5 : i32
    "tpu.region"() ({
      %run_scoped3A_82 = tpu.sem_alloc : memref<!tpu.dma_semaphore, #tpu.memory_space<semaphore_mem>>
      %dma_start3A = arith.constant 0 : i32
      %dma_start3A_83 = tpu.memref_slice %arg7[%run_scoped3A_23, %dma_start3A] : memref<25x128xi32, #tpu.memory_space<vmem>> -> memref<1x128xi32, #tpu.memory_space<vmem>>
      %dma_start3A_84 = tpu.memref_squeeze %dma_start3A_83 : memref<1x128xi32, #tpu.memory_space<vmem>> -> memref<128xi32, #tpu.memory_space<vmem>>
      %dma_start3A_85 = arith.constant 0 : i32
      %dma_start3A_86 = arith.constant 0 : i32
      %dma_start3A_87 = tpu.memref_slice %arg8[%dma_start3A_85, %dma_start3A_86] : memref<1025x128xf32, #tpu.memory_space<vmem_shared>> -> memref<1025x128xf32, #tpu.memory_space<vmem_shared>>
      tpu.enqueue_indirect_dma source(%arg6 : memref<128x128xf32, #tpu.memory_space<vmem>>) target(%dma_start3A_87 : memref<1025x128xf32, #tpu.memory_space<vmem_shared>>) offsets(%dma_start3A_84 : memref<128xi32, #tpu.memory_space<vmem>>) semaphore(%run_scoped3A_82 : memref<!tpu.dma_semaphore, #tpu.memory_space<semaphore_mem>>) {add = true}
      %dma_wait3A = arith.constant 0 : i32
      %dma_wait3A_88 = tpu.memref_slice %arg7[%run_scoped3A_23, %dma_wait3A] : memref<25x128xi32, #tpu.memory_space<vmem>> -> memref<1x128xi32, #tpu.memory_space<vmem>>
      %dma_wait3A_89 = tpu.memref_squeeze %dma_wait3A_88 : memref<1x128xi32, #tpu.memory_space<vmem>> -> memref<128xi32, #tpu.memory_space<vmem>>
      %dma_wait3A_90 = arith.constant 0 : i32
      %dma_wait3A_91 = arith.constant 0 : i32
      %dma_wait3A_92 = tpu.memref_slice %arg8[%dma_wait3A_90, %dma_wait3A_91] : memref<1025x128xf32, #tpu.memory_space<vmem_shared>> -> memref<1025x128xf32, #tpu.memory_space<vmem_shared>>
      tpu.wait_indirect_dma semaphore(%run_scoped3A_82 : memref<!tpu.dma_semaphore, #tpu.memory_space<semaphore_mem>>) src(%arg6 : memref<128x128xf32, #tpu.memory_space<vmem>>) dst(%dma_wait3A_92 : memref<1025x128xf32, #tpu.memory_space<vmem_shared>>)
      tpu.yield
    }) : () -> ()
    %add3A_24 = arith.constant 768 : i32
    %add3A_25 = arith.addi %mul3A_6, %add3A_24 : i32
    "tpu.region"() ({
      %run_scoped3A_82 = tpu.sem_alloc : memref<!tpu.dma_semaphore, #tpu.memory_space<semaphore_mem>>
      %dma_start3A = arith.constant 0 : i32
      %dma_start3A_83 = tpu.memref_slice %arg2[%add3A_25, %dma_start3A] : memref<102400x128xf32, #tpu.memory_space<hbm>> -> memref<128x128xf32, #tpu.memory_space<hbm>>
      %dma_start3A_84 = arith.constant 0 : i32
      %dma_start3A_85 = tpu.memref_slice %arg2[%add3A_25, %dma_start3A_84] : memref<102400x128xf32, #tpu.memory_space<hbm>> -> memref<128x128xf32, #tpu.memory_space<hbm>>
      tpu.enqueue_dma source(%dma_start3A_85 : memref<128x128xf32, #tpu.memory_space<hbm>>) target(%arg6 : memref<128x128xf32, #tpu.memory_space<vmem>>) target_semaphore(%run_scoped3A_82 : memref<!tpu.dma_semaphore, #tpu.memory_space<semaphore_mem>>)
      %dma_wait3A = arith.constant 0 : i32
      %dma_wait3A_86 = tpu.memref_slice %arg2[%add3A_25, %dma_wait3A] : memref<102400x128xf32, #tpu.memory_space<hbm>> -> memref<128x128xf32, #tpu.memory_space<hbm>>
      %dma_wait3A_87 = arith.constant 0 : i32
      %dma_wait3A_88 = tpu.memref_slice %arg2[%add3A_25, %dma_wait3A_87] : memref<102400x128xf32, #tpu.memory_space<hbm>> -> memref<128x128xf32, #tpu.memory_space<hbm>>
      tpu.wait_dma2 semaphore(%run_scoped3A_82 : memref<!tpu.dma_semaphore, #tpu.memory_space<semaphore_mem>>) src(%dma_wait3A_88 : memref<128x128xf32, #tpu.memory_space<hbm>>) dst(%arg6 : memref<128x128xf32, #tpu.memory_space<vmem>>)
      tpu.yield
    }) : () -> ()
    %run_scoped3A_26 = arith.constant 6 : i32
    "tpu.region"() ({
      %run_scoped3A_82 = tpu.sem_alloc : memref<!tpu.dma_semaphore, #tpu.memory_space<semaphore_mem>>
      %dma_start3A = arith.constant 0 : i32
      %dma_start3A_83 = tpu.memref_slice %arg7[%run_scoped3A_26, %dma_start3A] : memref<25x128xi32, #tpu.memory_space<vmem>> -> memref<1x128xi32, #tpu.memory_space<vmem>>
      %dma_start3A_84 = tpu.memref_squeeze %dma_start3A_83 : memref<1x128xi32, #tpu.memory_space<vmem>> -> memref<128xi32, #tpu.memory_space<vmem>>
      %dma_start3A_85 = arith.constant 0 : i32
      %dma_start3A_86 = arith.constant 0 : i32
      %dma_start3A_87 = tpu.memref_slice %arg8[%dma_start3A_85, %dma_start3A_86] : memref<1025x128xf32, #tpu.memory_space<vmem_shared>> -> memref<1025x128xf32, #tpu.memory_space<vmem_shared>>
      tpu.enqueue_indirect_dma source(%arg6 : memref<128x128xf32, #tpu.memory_space<vmem>>) target(%dma_start3A_87 : memref<1025x128xf32, #tpu.memory_space<vmem_shared>>) offsets(%dma_start3A_84 : memref<128xi32, #tpu.memory_space<vmem>>) semaphore(%run_scoped3A_82 : memref<!tpu.dma_semaphore, #tpu.memory_space<semaphore_mem>>) {add = true}
      %dma_wait3A = arith.constant 0 : i32
      %dma_wait3A_88 = tpu.memref_slice %arg7[%run_scoped3A_26, %dma_wait3A] : memref<25x128xi32, #tpu.memory_space<vmem>> -> memref<1x128xi32, #tpu.memory_space<vmem>>
      %dma_wait3A_89 = tpu.memref_squeeze %dma_wait3A_88 : memref<1x128xi32, #tpu.memory_space<vmem>> -> memref<128xi32, #tpu.memory_space<vmem>>
      %dma_wait3A_90 = arith.constant 0 : i32
      %dma_wait3A_91 = arith.constant 0 : i32
      %dma_wait3A_92 = tpu.memref_slice %arg8[%dma_wait3A_90, %dma_wait3A_91] : memref<1025x128xf32, #tpu.memory_space<vmem_shared>> -> memref<1025x128xf32, #tpu.memory_space<vmem_shared>>
      tpu.wait_indirect_dma semaphore(%run_scoped3A_82 : memref<!tpu.dma_semaphore, #tpu.memory_space<semaphore_mem>>) src(%arg6 : memref<128x128xf32, #tpu.memory_space<vmem>>) dst(%dma_wait3A_92 : memref<1025x128xf32, #tpu.memory_space<vmem_shared>>)
      tpu.yield
    }) : () -> ()
    %add3A_27 = arith.constant 896 : i32
    %add3A_28 = arith.addi %mul3A_6, %add3A_27 : i32
    "tpu.region"() ({
      %run_scoped3A_82 = tpu.sem_alloc : memref<!tpu.dma_semaphore, #tpu.memory_space<semaphore_mem>>
      %dma_start3A = arith.constant 0 : i32
      %dma_start3A_83 = tpu.memref_slice %arg2[%add3A_28, %dma_start3A] : memref<102400x128xf32, #tpu.memory_space<hbm>> -> memref<128x128xf32, #tpu.memory_space<hbm>>
      %dma_start3A_84 = arith.constant 0 : i32
      %dma_start3A_85 = tpu.memref_slice %arg2[%add3A_28, %dma_start3A_84] : memref<102400x128xf32, #tpu.memory_space<hbm>> -> memref<128x128xf32, #tpu.memory_space<hbm>>
      tpu.enqueue_dma source(%dma_start3A_85 : memref<128x128xf32, #tpu.memory_space<hbm>>) target(%arg6 : memref<128x128xf32, #tpu.memory_space<vmem>>) target_semaphore(%run_scoped3A_82 : memref<!tpu.dma_semaphore, #tpu.memory_space<semaphore_mem>>)
      %dma_wait3A = arith.constant 0 : i32
      %dma_wait3A_86 = tpu.memref_slice %arg2[%add3A_28, %dma_wait3A] : memref<102400x128xf32, #tpu.memory_space<hbm>> -> memref<128x128xf32, #tpu.memory_space<hbm>>
      %dma_wait3A_87 = arith.constant 0 : i32
      %dma_wait3A_88 = tpu.memref_slice %arg2[%add3A_28, %dma_wait3A_87] : memref<102400x128xf32, #tpu.memory_space<hbm>> -> memref<128x128xf32, #tpu.memory_space<hbm>>
      tpu.wait_dma2 semaphore(%run_scoped3A_82 : memref<!tpu.dma_semaphore, #tpu.memory_space<semaphore_mem>>) src(%dma_wait3A_88 : memref<128x128xf32, #tpu.memory_space<hbm>>) dst(%arg6 : memref<128x128xf32, #tpu.memory_space<vmem>>)
      tpu.yield
    }) : () -> ()
    %run_scoped3A_29 = arith.constant 7 : i32
    "tpu.region"() ({
      %run_scoped3A_82 = tpu.sem_alloc : memref<!tpu.dma_semaphore, #tpu.memory_space<semaphore_mem>>
      %dma_start3A = arith.constant 0 : i32
      %dma_start3A_83 = tpu.memref_slice %arg7[%run_scoped3A_29, %dma_start3A] : memref<25x128xi32, #tpu.memory_space<vmem>> -> memref<1x128xi32, #tpu.memory_space<vmem>>
      %dma_start3A_84 = tpu.memref_squeeze %dma_start3A_83 : memref<1x128xi32, #tpu.memory_space<vmem>> -> memref<128xi32, #tpu.memory_space<vmem>>
      %dma_start3A_85 = arith.constant 0 : i32
      %dma_start3A_86 = arith.constant 0 : i32
      %dma_start3A_87 = tpu.memref_slice %arg8[%dma_start3A_85, %dma_start3A_86] : memref<1025x128xf32, #tpu.memory_space<vmem_shared>> -> memref<1025x128xf32, #tpu.memory_space<vmem_shared>>
      tpu.enqueue_indirect_dma source(%arg6 : memref<128x128xf32, #tpu.memory_space<vmem>>) target(%dma_start3A_87 : memref<1025x128xf32, #tpu.memory_space<vmem_shared>>) offsets(%dma_start3A_84 : memref<128xi32, #tpu.memory_space<vmem>>) semaphore(%run_scoped3A_82 : memref<!tpu.dma_semaphore, #tpu.memory_space<semaphore_mem>>) {add = true}
      %dma_wait3A = arith.constant 0 : i32
      %dma_wait3A_88 = tpu.memref_slice %arg7[%run_scoped3A_29, %dma_wait3A] : memref<25x128xi32, #tpu.memory_space<vmem>> -> memref<1x128xi32, #tpu.memory_space<vmem>>
      %dma_wait3A_89 = tpu.memref_squeeze %dma_wait3A_88 : memref<1x128xi32, #tpu.memory_space<vmem>> -> memref<128xi32, #tpu.memory_space<vmem>>
      %dma_wait3A_90 = arith.constant 0 : i32
      %dma_wait3A_91 = arith.constant 0 : i32
      %dma_wait3A_92 = tpu.memref_slice %arg8[%dma_wait3A_90, %dma_wait3A_91] : memref<1025x128xf32, #tpu.memory_space<vmem_shared>> -> memref<1025x128xf32, #tpu.memory_space<vmem_shared>>
      tpu.wait_indirect_dma semaphore(%run_scoped3A_82 : memref<!tpu.dma_semaphore, #tpu.memory_space<semaphore_mem>>) src(%arg6 : memref<128x128xf32, #tpu.memory_space<vmem>>) dst(%dma_wait3A_92 : memref<1025x128xf32, #tpu.memory_space<vmem_shared>>)
      tpu.yield
    }) : () -> ()
    %add3A_30 = arith.constant 1024 : i32
    %add3A_31 = arith.addi %mul3A_6, %add3A_30 : i32
    "tpu.region"() ({
      %run_scoped3A_82 = tpu.sem_alloc : memref<!tpu.dma_semaphore, #tpu.memory_space<semaphore_mem>>
      %dma_start3A = arith.constant 0 : i32
      %dma_start3A_83 = tpu.memref_slice %arg2[%add3A_31, %dma_start3A] : memref<102400x128xf32, #tpu.memory_space<hbm>> -> memref<128x128xf32, #tpu.memory_space<hbm>>
      %dma_start3A_84 = arith.constant 0 : i32
      %dma_start3A_85 = tpu.memref_slice %arg2[%add3A_31, %dma_start3A_84] : memref<102400x128xf32, #tpu.memory_space<hbm>> -> memref<128x128xf32, #tpu.memory_space<hbm>>
      tpu.enqueue_dma source(%dma_start3A_85 : memref<128x128xf32, #tpu.memory_space<hbm>>) target(%arg6 : memref<128x128xf32, #tpu.memory_space<vmem>>) target_semaphore(%run_scoped3A_82 : memref<!tpu.dma_semaphore, #tpu.memory_space<semaphore_mem>>)
      %dma_wait3A = arith.constant 0 : i32
      %dma_wait3A_86 = tpu.memref_slice %arg2[%add3A_31, %dma_wait3A] : memref<102400x128xf32, #tpu.memory_space<hbm>> -> memref<128x128xf32, #tpu.memory_space<hbm>>
      %dma_wait3A_87 = arith.constant 0 : i32
      %dma_wait3A_88 = tpu.memref_slice %arg2[%add3A_31, %dma_wait3A_87] : memref<102400x128xf32, #tpu.memory_space<hbm>> -> memref<128x128xf32, #tpu.memory_space<hbm>>
      tpu.wait_dma2 semaphore(%run_scoped3A_82 : memref<!tpu.dma_semaphore, #tpu.memory_space<semaphore_mem>>) src(%dma_wait3A_88 : memref<128x128xf32, #tpu.memory_space<hbm>>) dst(%arg6 : memref<128x128xf32, #tpu.memory_space<vmem>>)
      tpu.yield
    }) : () -> ()
    %run_scoped3A_32 = arith.constant 8 : i32
    "tpu.region"() ({
      %run_scoped3A_82 = tpu.sem_alloc : memref<!tpu.dma_semaphore, #tpu.memory_space<semaphore_mem>>
      %dma_start3A = arith.constant 0 : i32
      %dma_start3A_83 = tpu.memref_slice %arg7[%run_scoped3A_32, %dma_start3A] : memref<25x128xi32, #tpu.memory_space<vmem>> -> memref<1x128xi32, #tpu.memory_space<vmem>>
      %dma_start3A_84 = tpu.memref_squeeze %dma_start3A_83 : memref<1x128xi32, #tpu.memory_space<vmem>> -> memref<128xi32, #tpu.memory_space<vmem>>
      %dma_start3A_85 = arith.constant 0 : i32
      %dma_start3A_86 = arith.constant 0 : i32
      %dma_start3A_87 = tpu.memref_slice %arg8[%dma_start3A_85, %dma_start3A_86] : memref<1025x128xf32, #tpu.memory_space<vmem_shared>> -> memref<1025x128xf32, #tpu.memory_space<vmem_shared>>
      tpu.enqueue_indirect_dma source(%arg6 : memref<128x128xf32, #tpu.memory_space<vmem>>) target(%dma_start3A_87 : memref<1025x128xf32, #tpu.memory_space<vmem_shared>>) offsets(%dma_start3A_84 : memref<128xi32, #tpu.memory_space<vmem>>) semaphore(%run_scoped3A_82 : memref<!tpu.dma_semaphore, #tpu.memory_space<semaphore_mem>>) {add = true}
      %dma_wait3A = arith.constant 0 : i32
      %dma_wait3A_88 = tpu.memref_slice %arg7[%run_scoped3A_32, %dma_wait3A] : memref<25x128xi32, #tpu.memory_space<vmem>> -> memref<1x128xi32, #tpu.memory_space<vmem>>
      %dma_wait3A_89 = tpu.memref_squeeze %dma_wait3A_88 : memref<1x128xi32, #tpu.memory_space<vmem>> -> memref<128xi32, #tpu.memory_space<vmem>>
      %dma_wait3A_90 = arith.constant 0 : i32
      %dma_wait3A_91 = arith.constant 0 : i32
      %dma_wait3A_92 = tpu.memref_slice %arg8[%dma_wait3A_90, %dma_wait3A_91] : memref<1025x128xf32, #tpu.memory_space<vmem_shared>> -> memref<1025x128xf32, #tpu.memory_space<vmem_shared>>
      tpu.wait_indirect_dma semaphore(%run_scoped3A_82 : memref<!tpu.dma_semaphore, #tpu.memory_space<semaphore_mem>>) src(%arg6 : memref<128x128xf32, #tpu.memory_space<vmem>>) dst(%dma_wait3A_92 : memref<1025x128xf32, #tpu.memory_space<vmem_shared>>)
      tpu.yield
    }) : () -> ()
    %add3A_33 = arith.constant 1152 : i32
    %add3A_34 = arith.addi %mul3A_6, %add3A_33 : i32
    "tpu.region"() ({
      %run_scoped3A_82 = tpu.sem_alloc : memref<!tpu.dma_semaphore, #tpu.memory_space<semaphore_mem>>
      %dma_start3A = arith.constant 0 : i32
      %dma_start3A_83 = tpu.memref_slice %arg2[%add3A_34, %dma_start3A] : memref<102400x128xf32, #tpu.memory_space<hbm>> -> memref<128x128xf32, #tpu.memory_space<hbm>>
      %dma_start3A_84 = arith.constant 0 : i32
      %dma_start3A_85 = tpu.memref_slice %arg2[%add3A_34, %dma_start3A_84] : memref<102400x128xf32, #tpu.memory_space<hbm>> -> memref<128x128xf32, #tpu.memory_space<hbm>>
      tpu.enqueue_dma source(%dma_start3A_85 : memref<128x128xf32, #tpu.memory_space<hbm>>) target(%arg6 : memref<128x128xf32, #tpu.memory_space<vmem>>) target_semaphore(%run_scoped3A_82 : memref<!tpu.dma_semaphore, #tpu.memory_space<semaphore_mem>>)
      %dma_wait3A = arith.constant 0 : i32
      %dma_wait3A_86 = tpu.memref_slice %arg2[%add3A_34, %dma_wait3A] : memref<102400x128xf32, #tpu.memory_space<hbm>> -> memref<128x128xf32, #tpu.memory_space<hbm>>
      %dma_wait3A_87 = arith.constant 0 : i32
      %dma_wait3A_88 = tpu.memref_slice %arg2[%add3A_34, %dma_wait3A_87] : memref<102400x128xf32, #tpu.memory_space<hbm>> -> memref<128x128xf32, #tpu.memory_space<hbm>>
      tpu.wait_dma2 semaphore(%run_scoped3A_82 : memref<!tpu.dma_semaphore, #tpu.memory_space<semaphore_mem>>) src(%dma_wait3A_88 : memref<128x128xf32, #tpu.memory_space<hbm>>) dst(%arg6 : memref<128x128xf32, #tpu.memory_space<vmem>>)
      tpu.yield
    }) : () -> ()
    %run_scoped3A_35 = arith.constant 9 : i32
    "tpu.region"() ({
      %run_scoped3A_82 = tpu.sem_alloc : memref<!tpu.dma_semaphore, #tpu.memory_space<semaphore_mem>>
      %dma_start3A = arith.constant 0 : i32
      %dma_start3A_83 = tpu.memref_slice %arg7[%run_scoped3A_35, %dma_start3A] : memref<25x128xi32, #tpu.memory_space<vmem>> -> memref<1x128xi32, #tpu.memory_space<vmem>>
      %dma_start3A_84 = tpu.memref_squeeze %dma_start3A_83 : memref<1x128xi32, #tpu.memory_space<vmem>> -> memref<128xi32, #tpu.memory_space<vmem>>
      %dma_start3A_85 = arith.constant 0 : i32
      %dma_start3A_86 = arith.constant 0 : i32
      %dma_start3A_87 = tpu.memref_slice %arg8[%dma_start3A_85, %dma_start3A_86] : memref<1025x128xf32, #tpu.memory_space<vmem_shared>> -> memref<1025x128xf32, #tpu.memory_space<vmem_shared>>
      tpu.enqueue_indirect_dma source(%arg6 : memref<128x128xf32, #tpu.memory_space<vmem>>) target(%dma_start3A_87 : memref<1025x128xf32, #tpu.memory_space<vmem_shared>>) offsets(%dma_start3A_84 : memref<128xi32, #tpu.memory_space<vmem>>) semaphore(%run_scoped3A_82 : memref<!tpu.dma_semaphore, #tpu.memory_space<semaphore_mem>>) {add = true}
      %dma_wait3A = arith.constant 0 : i32
      %dma_wait3A_88 = tpu.memref_slice %arg7[%run_scoped3A_35, %dma_wait3A] : memref<25x128xi32, #tpu.memory_space<vmem>> -> memref<1x128xi32, #tpu.memory_space<vmem>>
      %dma_wait3A_89 = tpu.memref_squeeze %dma_wait3A_88 : memref<1x128xi32, #tpu.memory_space<vmem>> -> memref<128xi32, #tpu.memory_space<vmem>>
      %dma_wait3A_90 = arith.constant 0 : i32
      %dma_wait3A_91 = arith.constant 0 : i32
      %dma_wait3A_92 = tpu.memref_slice %arg8[%dma_wait3A_90, %dma_wait3A_91] : memref<1025x128xf32, #tpu.memory_space<vmem_shared>> -> memref<1025x128xf32, #tpu.memory_space<vmem_shared>>
      tpu.wait_indirect_dma semaphore(%run_scoped3A_82 : memref<!tpu.dma_semaphore, #tpu.memory_space<semaphore_mem>>) src(%arg6 : memref<128x128xf32, #tpu.memory_space<vmem>>) dst(%dma_wait3A_92 : memref<1025x128xf32, #tpu.memory_space<vmem_shared>>)
      tpu.yield
    }) : () -> ()
    %add3A_36 = arith.constant 1280 : i32
    %add3A_37 = arith.addi %mul3A_6, %add3A_36 : i32
    "tpu.region"() ({
      %run_scoped3A_82 = tpu.sem_alloc : memref<!tpu.dma_semaphore, #tpu.memory_space<semaphore_mem>>
      %dma_start3A = arith.constant 0 : i32
      %dma_start3A_83 = tpu.memref_slice %arg2[%add3A_37, %dma_start3A] : memref<102400x128xf32, #tpu.memory_space<hbm>> -> memref<128x128xf32, #tpu.memory_space<hbm>>
      %dma_start3A_84 = arith.constant 0 : i32
      %dma_start3A_85 = tpu.memref_slice %arg2[%add3A_37, %dma_start3A_84] : memref<102400x128xf32, #tpu.memory_space<hbm>> -> memref<128x128xf32, #tpu.memory_space<hbm>>
      tpu.enqueue_dma source(%dma_start3A_85 : memref<128x128xf32, #tpu.memory_space<hbm>>) target(%arg6 : memref<128x128xf32, #tpu.memory_space<vmem>>) target_semaphore(%run_scoped3A_82 : memref<!tpu.dma_semaphore, #tpu.memory_space<semaphore_mem>>)
      %dma_wait3A = arith.constant 0 : i32
      %dma_wait3A_86 = tpu.memref_slice %arg2[%add3A_37, %dma_wait3A] : memref<102400x128xf32, #tpu.memory_space<hbm>> -> memref<128x128xf32, #tpu.memory_space<hbm>>
      %dma_wait3A_87 = arith.constant 0 : i32
      %dma_wait3A_88 = tpu.memref_slice %arg2[%add3A_37, %dma_wait3A_87] : memref<102400x128xf32, #tpu.memory_space<hbm>> -> memref<128x128xf32, #tpu.memory_space<hbm>>
      tpu.wait_dma2 semaphore(%run_scoped3A_82 : memref<!tpu.dma_semaphore, #tpu.memory_space<semaphore_mem>>) src(%dma_wait3A_88 : memref<128x128xf32, #tpu.memory_space<hbm>>) dst(%arg6 : memref<128x128xf32, #tpu.memory_space<vmem>>)
      tpu.yield
    }) : () -> ()
    %run_scoped3A_38 = arith.constant 10 : i32
    "tpu.region"() ({
      %run_scoped3A_82 = tpu.sem_alloc : memref<!tpu.dma_semaphore, #tpu.memory_space<semaphore_mem>>
      %dma_start3A = arith.constant 0 : i32
      %dma_start3A_83 = tpu.memref_slice %arg7[%run_scoped3A_38, %dma_start3A] : memref<25x128xi32, #tpu.memory_space<vmem>> -> memref<1x128xi32, #tpu.memory_space<vmem>>
      %dma_start3A_84 = tpu.memref_squeeze %dma_start3A_83 : memref<1x128xi32, #tpu.memory_space<vmem>> -> memref<128xi32, #tpu.memory_space<vmem>>
      %dma_start3A_85 = arith.constant 0 : i32
      %dma_start3A_86 = arith.constant 0 : i32
      %dma_start3A_87 = tpu.memref_slice %arg8[%dma_start3A_85, %dma_start3A_86] : memref<1025x128xf32, #tpu.memory_space<vmem_shared>> -> memref<1025x128xf32, #tpu.memory_space<vmem_shared>>
      tpu.enqueue_indirect_dma source(%arg6 : memref<128x128xf32, #tpu.memory_space<vmem>>) target(%dma_start3A_87 : memref<1025x128xf32, #tpu.memory_space<vmem_shared>>) offsets(%dma_start3A_84 : memref<128xi32, #tpu.memory_space<vmem>>) semaphore(%run_scoped3A_82 : memref<!tpu.dma_semaphore, #tpu.memory_space<semaphore_mem>>) {add = true}
      %dma_wait3A = arith.constant 0 : i32
      %dma_wait3A_88 = tpu.memref_slice %arg7[%run_scoped3A_38, %dma_wait3A] : memref<25x128xi32, #tpu.memory_space<vmem>> -> memref<1x128xi32, #tpu.memory_space<vmem>>
      %dma_wait3A_89 = tpu.memref_squeeze %dma_wait3A_88 : memref<1x128xi32, #tpu.memory_space<vmem>> -> memref<128xi32, #tpu.memory_space<vmem>>
      %dma_wait3A_90 = arith.constant 0 : i32
      %dma_wait3A_91 = arith.constant 0 : i32
      %dma_wait3A_92 = tpu.memref_slice %arg8[%dma_wait3A_90, %dma_wait3A_91] : memref<1025x128xf32, #tpu.memory_space<vmem_shared>> -> memref<1025x128xf32, #tpu.memory_space<vmem_shared>>
      tpu.wait_indirect_dma semaphore(%run_scoped3A_82 : memref<!tpu.dma_semaphore, #tpu.memory_space<semaphore_mem>>) src(%arg6 : memref<128x128xf32, #tpu.memory_space<vmem>>) dst(%dma_wait3A_92 : memref<1025x128xf32, #tpu.memory_space<vmem_shared>>)
      tpu.yield
    }) : () -> ()
    %add3A_39 = arith.constant 1408 : i32
    %add3A_40 = arith.addi %mul3A_6, %add3A_39 : i32
    "tpu.region"() ({
      %run_scoped3A_82 = tpu.sem_alloc : memref<!tpu.dma_semaphore, #tpu.memory_space<semaphore_mem>>
      %dma_start3A = arith.constant 0 : i32
      %dma_start3A_83 = tpu.memref_slice %arg2[%add3A_40, %dma_start3A] : memref<102400x128xf32, #tpu.memory_space<hbm>> -> memref<128x128xf32, #tpu.memory_space<hbm>>
      %dma_start3A_84 = arith.constant 0 : i32
      %dma_start3A_85 = tpu.memref_slice %arg2[%add3A_40, %dma_start3A_84] : memref<102400x128xf32, #tpu.memory_space<hbm>> -> memref<128x128xf32, #tpu.memory_space<hbm>>
      tpu.enqueue_dma source(%dma_start3A_85 : memref<128x128xf32, #tpu.memory_space<hbm>>) target(%arg6 : memref<128x128xf32, #tpu.memory_space<vmem>>) target_semaphore(%run_scoped3A_82 : memref<!tpu.dma_semaphore, #tpu.memory_space<semaphore_mem>>)
      %dma_wait3A = arith.constant 0 : i32
      %dma_wait3A_86 = tpu.memref_slice %arg2[%add3A_40, %dma_wait3A] : memref<102400x128xf32, #tpu.memory_space<hbm>> -> memref<128x128xf32, #tpu.memory_space<hbm>>
      %dma_wait3A_87 = arith.constant 0 : i32
      %dma_wait3A_88 = tpu.memref_slice %arg2[%add3A_40, %dma_wait3A_87] : memref<102400x128xf32, #tpu.memory_space<hbm>> -> memref<128x128xf32, #tpu.memory_space<hbm>>
      tpu.wait_dma2 semaphore(%run_scoped3A_82 : memref<!tpu.dma_semaphore, #tpu.memory_space<semaphore_mem>>) src(%dma_wait3A_88 : memref<128x128xf32, #tpu.memory_space<hbm>>) dst(%arg6 : memref<128x128xf32, #tpu.memory_space<vmem>>)
      tpu.yield
    }) : () -> ()
    %run_scoped3A_41 = arith.constant 11 : i32
    "tpu.region"() ({
      %run_scoped3A_82 = tpu.sem_alloc : memref<!tpu.dma_semaphore, #tpu.memory_space<semaphore_mem>>
      %dma_start3A = arith.constant 0 : i32
      %dma_start3A_83 = tpu.memref_slice %arg7[%run_scoped3A_41, %dma_start3A] : memref<25x128xi32, #tpu.memory_space<vmem>> -> memref<1x128xi32, #tpu.memory_space<vmem>>
      %dma_start3A_84 = tpu.memref_squeeze %dma_start3A_83 : memref<1x128xi32, #tpu.memory_space<vmem>> -> memref<128xi32, #tpu.memory_space<vmem>>
      %dma_start3A_85 = arith.constant 0 : i32
      %dma_start3A_86 = arith.constant 0 : i32
      %dma_start3A_87 = tpu.memref_slice %arg8[%dma_start3A_85, %dma_start3A_86] : memref<1025x128xf32, #tpu.memory_space<vmem_shared>> -> memref<1025x128xf32, #tpu.memory_space<vmem_shared>>
      tpu.enqueue_indirect_dma source(%arg6 : memref<128x128xf32, #tpu.memory_space<vmem>>) target(%dma_start3A_87 : memref<1025x128xf32, #tpu.memory_space<vmem_shared>>) offsets(%dma_start3A_84 : memref<128xi32, #tpu.memory_space<vmem>>) semaphore(%run_scoped3A_82 : memref<!tpu.dma_semaphore, #tpu.memory_space<semaphore_mem>>) {add = true}
      %dma_wait3A = arith.constant 0 : i32
      %dma_wait3A_88 = tpu.memref_slice %arg7[%run_scoped3A_41, %dma_wait3A] : memref<25x128xi32, #tpu.memory_space<vmem>> -> memref<1x128xi32, #tpu.memory_space<vmem>>
      %dma_wait3A_89 = tpu.memref_squeeze %dma_wait3A_88 : memref<1x128xi32, #tpu.memory_space<vmem>> -> memref<128xi32, #tpu.memory_space<vmem>>
      %dma_wait3A_90 = arith.constant 0 : i32
      %dma_wait3A_91 = arith.constant 0 : i32
      %dma_wait3A_92 = tpu.memref_slice %arg8[%dma_wait3A_90, %dma_wait3A_91] : memref<1025x128xf32, #tpu.memory_space<vmem_shared>> -> memref<1025x128xf32, #tpu.memory_space<vmem_shared>>
      tpu.wait_indirect_dma semaphore(%run_scoped3A_82 : memref<!tpu.dma_semaphore, #tpu.memory_space<semaphore_mem>>) src(%arg6 : memref<128x128xf32, #tpu.memory_space<vmem>>) dst(%dma_wait3A_92 : memref<1025x128xf32, #tpu.memory_space<vmem_shared>>)
      tpu.yield
    }) : () -> ()
    %add3A_42 = arith.constant 1536 : i32
    %add3A_43 = arith.addi %mul3A_6, %add3A_42 : i32
    "tpu.region"() ({
      %run_scoped3A_82 = tpu.sem_alloc : memref<!tpu.dma_semaphore, #tpu.memory_space<semaphore_mem>>
      %dma_start3A = arith.constant 0 : i32
      %dma_start3A_83 = tpu.memref_slice %arg2[%add3A_43, %dma_start3A] : memref<102400x128xf32, #tpu.memory_space<hbm>> -> memref<128x128xf32, #tpu.memory_space<hbm>>
      %dma_start3A_84 = arith.constant 0 : i32
      %dma_start3A_85 = tpu.memref_slice %arg2[%add3A_43, %dma_start3A_84] : memref<102400x128xf32, #tpu.memory_space<hbm>> -> memref<128x128xf32, #tpu.memory_space<hbm>>
      tpu.enqueue_dma source(%dma_start3A_85 : memref<128x128xf32, #tpu.memory_space<hbm>>) target(%arg6 : memref<128x128xf32, #tpu.memory_space<vmem>>) target_semaphore(%run_scoped3A_82 : memref<!tpu.dma_semaphore, #tpu.memory_space<semaphore_mem>>)
      %dma_wait3A = arith.constant 0 : i32
      %dma_wait3A_86 = tpu.memref_slice %arg2[%add3A_43, %dma_wait3A] : memref<102400x128xf32, #tpu.memory_space<hbm>> -> memref<128x128xf32, #tpu.memory_space<hbm>>
      %dma_wait3A_87 = arith.constant 0 : i32
      %dma_wait3A_88 = tpu.memref_slice %arg2[%add3A_43, %dma_wait3A_87] : memref<102400x128xf32, #tpu.memory_space<hbm>> -> memref<128x128xf32, #tpu.memory_space<hbm>>
      tpu.wait_dma2 semaphore(%run_scoped3A_82 : memref<!tpu.dma_semaphore, #tpu.memory_space<semaphore_mem>>) src(%dma_wait3A_88 : memref<128x128xf32, #tpu.memory_space<hbm>>) dst(%arg6 : memref<128x128xf32, #tpu.memory_space<vmem>>)
      tpu.yield
    }) : () -> ()
    %run_scoped3A_44 = arith.constant 12 : i32
    "tpu.region"() ({
      %run_scoped3A_82 = tpu.sem_alloc : memref<!tpu.dma_semaphore, #tpu.memory_space<semaphore_mem>>
      %dma_start3A = arith.constant 0 : i32
      %dma_start3A_83 = tpu.memref_slice %arg7[%run_scoped3A_44, %dma_start3A] : memref<25x128xi32, #tpu.memory_space<vmem>> -> memref<1x128xi32, #tpu.memory_space<vmem>>
      %dma_start3A_84 = tpu.memref_squeeze %dma_start3A_83 : memref<1x128xi32, #tpu.memory_space<vmem>> -> memref<128xi32, #tpu.memory_space<vmem>>
      %dma_start3A_85 = arith.constant 0 : i32
      %dma_start3A_86 = arith.constant 0 : i32
      %dma_start3A_87 = tpu.memref_slice %arg8[%dma_start3A_85, %dma_start3A_86] : memref<1025x128xf32, #tpu.memory_space<vmem_shared>> -> memref<1025x128xf32, #tpu.memory_space<vmem_shared>>
      tpu.enqueue_indirect_dma source(%arg6 : memref<128x128xf32, #tpu.memory_space<vmem>>) target(%dma_start3A_87 : memref<1025x128xf32, #tpu.memory_space<vmem_shared>>) offsets(%dma_start3A_84 : memref<128xi32, #tpu.memory_space<vmem>>) semaphore(%run_scoped3A_82 : memref<!tpu.dma_semaphore, #tpu.memory_space<semaphore_mem>>) {add = true}
      %dma_wait3A = arith.constant 0 : i32
      %dma_wait3A_88 = tpu.memref_slice %arg7[%run_scoped3A_44, %dma_wait3A] : memref<25x128xi32, #tpu.memory_space<vmem>> -> memref<1x128xi32, #tpu.memory_space<vmem>>
      %dma_wait3A_89 = tpu.memref_squeeze %dma_wait3A_88 : memref<1x128xi32, #tpu.memory_space<vmem>> -> memref<128xi32, #tpu.memory_space<vmem>>
      %dma_wait3A_90 = arith.constant 0 : i32
      %dma_wait3A_91 = arith.constant 0 : i32
      %dma_wait3A_92 = tpu.memref_slice %arg8[%dma_wait3A_90, %dma_wait3A_91] : memref<1025x128xf32, #tpu.memory_space<vmem_shared>> -> memref<1025x128xf32, #tpu.memory_space<vmem_shared>>
      tpu.wait_indirect_dma semaphore(%run_scoped3A_82 : memref<!tpu.dma_semaphore, #tpu.memory_space<semaphore_mem>>) src(%arg6 : memref<128x128xf32, #tpu.memory_space<vmem>>) dst(%dma_wait3A_92 : memref<1025x128xf32, #tpu.memory_space<vmem_shared>>)
      tpu.yield
    }) : () -> ()
    %add3A_45 = arith.constant 1664 : i32
    %add3A_46 = arith.addi %mul3A_6, %add3A_45 : i32
    "tpu.region"() ({
      %run_scoped3A_82 = tpu.sem_alloc : memref<!tpu.dma_semaphore, #tpu.memory_space<semaphore_mem>>
      %dma_start3A = arith.constant 0 : i32
      %dma_start3A_83 = tpu.memref_slice %arg2[%add3A_46, %dma_start3A] : memref<102400x128xf32, #tpu.memory_space<hbm>> -> memref<128x128xf32, #tpu.memory_space<hbm>>
      %dma_start3A_84 = arith.constant 0 : i32
      %dma_start3A_85 = tpu.memref_slice %arg2[%add3A_46, %dma_start3A_84] : memref<102400x128xf32, #tpu.memory_space<hbm>> -> memref<128x128xf32, #tpu.memory_space<hbm>>
      tpu.enqueue_dma source(%dma_start3A_85 : memref<128x128xf32, #tpu.memory_space<hbm>>) target(%arg6 : memref<128x128xf32, #tpu.memory_space<vmem>>) target_semaphore(%run_scoped3A_82 : memref<!tpu.dma_semaphore, #tpu.memory_space<semaphore_mem>>)
      %dma_wait3A = arith.constant 0 : i32
      %dma_wait3A_86 = tpu.memref_slice %arg2[%add3A_46, %dma_wait3A] : memref<102400x128xf32, #tpu.memory_space<hbm>> -> memref<128x128xf32, #tpu.memory_space<hbm>>
      %dma_wait3A_87 = arith.constant 0 : i32
      %dma_wait3A_88 = tpu.memref_slice %arg2[%add3A_46, %dma_wait3A_87] : memref<102400x128xf32, #tpu.memory_space<hbm>> -> memref<128x128xf32, #tpu.memory_space<hbm>>
      tpu.wait_dma2 semaphore(%run_scoped3A_82 : memref<!tpu.dma_semaphore, #tpu.memory_space<semaphore_mem>>) src(%dma_wait3A_88 : memref<128x128xf32, #tpu.memory_space<hbm>>) dst(%arg6 : memref<128x128xf32, #tpu.memory_space<vmem>>)
      tpu.yield
    }) : () -> ()
    %run_scoped3A_47 = arith.constant 13 : i32
    "tpu.region"() ({
      %run_scoped3A_82 = tpu.sem_alloc : memref<!tpu.dma_semaphore, #tpu.memory_space<semaphore_mem>>
      %dma_start3A = arith.constant 0 : i32
      %dma_start3A_83 = tpu.memref_slice %arg7[%run_scoped3A_47, %dma_start3A] : memref<25x128xi32, #tpu.memory_space<vmem>> -> memref<1x128xi32, #tpu.memory_space<vmem>>
      %dma_start3A_84 = tpu.memref_squeeze %dma_start3A_83 : memref<1x128xi32, #tpu.memory_space<vmem>> -> memref<128xi32, #tpu.memory_space<vmem>>
      %dma_start3A_85 = arith.constant 0 : i32
      %dma_start3A_86 = arith.constant 0 : i32
      %dma_start3A_87 = tpu.memref_slice %arg8[%dma_start3A_85, %dma_start3A_86] : memref<1025x128xf32, #tpu.memory_space<vmem_shared>> -> memref<1025x128xf32, #tpu.memory_space<vmem_shared>>
      tpu.enqueue_indirect_dma source(%arg6 : memref<128x128xf32, #tpu.memory_space<vmem>>) target(%dma_start3A_87 : memref<1025x128xf32, #tpu.memory_space<vmem_shared>>) offsets(%dma_start3A_84 : memref<128xi32, #tpu.memory_space<vmem>>) semaphore(%run_scoped3A_82 : memref<!tpu.dma_semaphore, #tpu.memory_space<semaphore_mem>>) {add = true}
      %dma_wait3A = arith.constant 0 : i32
      %dma_wait3A_88 = tpu.memref_slice %arg7[%run_scoped3A_47, %dma_wait3A] : memref<25x128xi32, #tpu.memory_space<vmem>> -> memref<1x128xi32, #tpu.memory_space<vmem>>
      %dma_wait3A_89 = tpu.memref_squeeze %dma_wait3A_88 : memref<1x128xi32, #tpu.memory_space<vmem>> -> memref<128xi32, #tpu.memory_space<vmem>>
      %dma_wait3A_90 = arith.constant 0 : i32
      %dma_wait3A_91 = arith.constant 0 : i32
      %dma_wait3A_92 = tpu.memref_slice %arg8[%dma_wait3A_90, %dma_wait3A_91] : memref<1025x128xf32, #tpu.memory_space<vmem_shared>> -> memref<1025x128xf32, #tpu.memory_space<vmem_shared>>
      tpu.wait_indirect_dma semaphore(%run_scoped3A_82 : memref<!tpu.dma_semaphore, #tpu.memory_space<semaphore_mem>>) src(%arg6 : memref<128x128xf32, #tpu.memory_space<vmem>>) dst(%dma_wait3A_92 : memref<1025x128xf32, #tpu.memory_space<vmem_shared>>)
      tpu.yield
    }) : () -> ()
    %add3A_48 = arith.constant 1792 : i32
    %add3A_49 = arith.addi %mul3A_6, %add3A_48 : i32
    "tpu.region"() ({
      %run_scoped3A_82 = tpu.sem_alloc : memref<!tpu.dma_semaphore, #tpu.memory_space<semaphore_mem>>
      %dma_start3A = arith.constant 0 : i32
      %dma_start3A_83 = tpu.memref_slice %arg2[%add3A_49, %dma_start3A] : memref<102400x128xf32, #tpu.memory_space<hbm>> -> memref<128x128xf32, #tpu.memory_space<hbm>>
      %dma_start3A_84 = arith.constant 0 : i32
      %dma_start3A_85 = tpu.memref_slice %arg2[%add3A_49, %dma_start3A_84] : memref<102400x128xf32, #tpu.memory_space<hbm>> -> memref<128x128xf32, #tpu.memory_space<hbm>>
      tpu.enqueue_dma source(%dma_start3A_85 : memref<128x128xf32, #tpu.memory_space<hbm>>) target(%arg6 : memref<128x128xf32, #tpu.memory_space<vmem>>) target_semaphore(%run_scoped3A_82 : memref<!tpu.dma_semaphore, #tpu.memory_space<semaphore_mem>>)
      %dma_wait3A = arith.constant 0 : i32
      %dma_wait3A_86 = tpu.memref_slice %arg2[%add3A_49, %dma_wait3A] : memref<102400x128xf32, #tpu.memory_space<hbm>> -> memref<128x128xf32, #tpu.memory_space<hbm>>
      %dma_wait3A_87 = arith.constant 0 : i32
      %dma_wait3A_88 = tpu.memref_slice %arg2[%add3A_49, %dma_wait3A_87] : memref<102400x128xf32, #tpu.memory_space<hbm>> -> memref<128x128xf32, #tpu.memory_space<hbm>>
      tpu.wait_dma2 semaphore(%run_scoped3A_82 : memref<!tpu.dma_semaphore, #tpu.memory_space<semaphore_mem>>) src(%dma_wait3A_88 : memref<128x128xf32, #tpu.memory_space<hbm>>) dst(%arg6 : memref<128x128xf32, #tpu.memory_space<vmem>>)
      tpu.yield
    }) : () -> ()
    %run_scoped3A_50 = arith.constant 14 : i32
    "tpu.region"() ({
      %run_scoped3A_82 = tpu.sem_alloc : memref<!tpu.dma_semaphore, #tpu.memory_space<semaphore_mem>>
      %dma_start3A = arith.constant 0 : i32
      %dma_start3A_83 = tpu.memref_slice %arg7[%run_scoped3A_50, %dma_start3A] : memref<25x128xi32, #tpu.memory_space<vmem>> -> memref<1x128xi32, #tpu.memory_space<vmem>>
      %dma_start3A_84 = tpu.memref_squeeze %dma_start3A_83 : memref<1x128xi32, #tpu.memory_space<vmem>> -> memref<128xi32, #tpu.memory_space<vmem>>
      %dma_start3A_85 = arith.constant 0 : i32
      %dma_start3A_86 = arith.constant 0 : i32
      %dma_start3A_87 = tpu.memref_slice %arg8[%dma_start3A_85, %dma_start3A_86] : memref<1025x128xf32, #tpu.memory_space<vmem_shared>> -> memref<1025x128xf32, #tpu.memory_space<vmem_shared>>
      tpu.enqueue_indirect_dma source(%arg6 : memref<128x128xf32, #tpu.memory_space<vmem>>) target(%dma_start3A_87 : memref<1025x128xf32, #tpu.memory_space<vmem_shared>>) offsets(%dma_start3A_84 : memref<128xi32, #tpu.memory_space<vmem>>) semaphore(%run_scoped3A_82 : memref<!tpu.dma_semaphore, #tpu.memory_space<semaphore_mem>>) {add = true}
      %dma_wait3A = arith.constant 0 : i32
      %dma_wait3A_88 = tpu.memref_slice %arg7[%run_scoped3A_50, %dma_wait3A] : memref<25x128xi32, #tpu.memory_space<vmem>> -> memref<1x128xi32, #tpu.memory_space<vmem>>
      %dma_wait3A_89 = tpu.memref_squeeze %dma_wait3A_88 : memref<1x128xi32, #tpu.memory_space<vmem>> -> memref<128xi32, #tpu.memory_space<vmem>>
      %dma_wait3A_90 = arith.constant 0 : i32
      %dma_wait3A_91 = arith.constant 0 : i32
      %dma_wait3A_92 = tpu.memref_slice %arg8[%dma_wait3A_90, %dma_wait3A_91] : memref<1025x128xf32, #tpu.memory_space<vmem_shared>> -> memref<1025x128xf32, #tpu.memory_space<vmem_shared>>
      tpu.wait_indirect_dma semaphore(%run_scoped3A_82 : memref<!tpu.dma_semaphore, #tpu.memory_space<semaphore_mem>>) src(%arg6 : memref<128x128xf32, #tpu.memory_space<vmem>>) dst(%dma_wait3A_92 : memref<1025x128xf32, #tpu.memory_space<vmem_shared>>)
      tpu.yield
    }) : () -> ()
    %add3A_51 = arith.constant 1920 : i32
    %add3A_52 = arith.addi %mul3A_6, %add3A_51 : i32
    "tpu.region"() ({
      %run_scoped3A_82 = tpu.sem_alloc : memref<!tpu.dma_semaphore, #tpu.memory_space<semaphore_mem>>
      %dma_start3A = arith.constant 0 : i32
      %dma_start3A_83 = tpu.memref_slice %arg2[%add3A_52, %dma_start3A] : memref<102400x128xf32, #tpu.memory_space<hbm>> -> memref<128x128xf32, #tpu.memory_space<hbm>>
      %dma_start3A_84 = arith.constant 0 : i32
      %dma_start3A_85 = tpu.memref_slice %arg2[%add3A_52, %dma_start3A_84] : memref<102400x128xf32, #tpu.memory_space<hbm>> -> memref<128x128xf32, #tpu.memory_space<hbm>>
      tpu.enqueue_dma source(%dma_start3A_85 : memref<128x128xf32, #tpu.memory_space<hbm>>) target(%arg6 : memref<128x128xf32, #tpu.memory_space<vmem>>) target_semaphore(%run_scoped3A_82 : memref<!tpu.dma_semaphore, #tpu.memory_space<semaphore_mem>>)
      %dma_wait3A = arith.constant 0 : i32
      %dma_wait3A_86 = tpu.memref_slice %arg2[%add3A_52, %dma_wait3A] : memref<102400x128xf32, #tpu.memory_space<hbm>> -> memref<128x128xf32, #tpu.memory_space<hbm>>
      %dma_wait3A_87 = arith.constant 0 : i32
      %dma_wait3A_88 = tpu.memref_slice %arg2[%add3A_52, %dma_wait3A_87] : memref<102400x128xf32, #tpu.memory_space<hbm>> -> memref<128x128xf32, #tpu.memory_space<hbm>>
      tpu.wait_dma2 semaphore(%run_scoped3A_82 : memref<!tpu.dma_semaphore, #tpu.memory_space<semaphore_mem>>) src(%dma_wait3A_88 : memref<128x128xf32, #tpu.memory_space<hbm>>) dst(%arg6 : memref<128x128xf32, #tpu.memory_space<vmem>>)
      tpu.yield
    }) : () -> ()
    %run_scoped3A_53 = arith.constant 15 : i32
    "tpu.region"() ({
      %run_scoped3A_82 = tpu.sem_alloc : memref<!tpu.dma_semaphore, #tpu.memory_space<semaphore_mem>>
      %dma_start3A = arith.constant 0 : i32
      %dma_start3A_83 = tpu.memref_slice %arg7[%run_scoped3A_53, %dma_start3A] : memref<25x128xi32, #tpu.memory_space<vmem>> -> memref<1x128xi32, #tpu.memory_space<vmem>>
      %dma_start3A_84 = tpu.memref_squeeze %dma_start3A_83 : memref<1x128xi32, #tpu.memory_space<vmem>> -> memref<128xi32, #tpu.memory_space<vmem>>
      %dma_start3A_85 = arith.constant 0 : i32
      %dma_start3A_86 = arith.constant 0 : i32
      %dma_start3A_87 = tpu.memref_slice %arg8[%dma_start3A_85, %dma_start3A_86] : memref<1025x128xf32, #tpu.memory_space<vmem_shared>> -> memref<1025x128xf32, #tpu.memory_space<vmem_shared>>
      tpu.enqueue_indirect_dma source(%arg6 : memref<128x128xf32, #tpu.memory_space<vmem>>) target(%dma_start3A_87 : memref<1025x128xf32, #tpu.memory_space<vmem_shared>>) offsets(%dma_start3A_84 : memref<128xi32, #tpu.memory_space<vmem>>) semaphore(%run_scoped3A_82 : memref<!tpu.dma_semaphore, #tpu.memory_space<semaphore_mem>>) {add = true}
      %dma_wait3A = arith.constant 0 : i32
      %dma_wait3A_88 = tpu.memref_slice %arg7[%run_scoped3A_53, %dma_wait3A] : memref<25x128xi32, #tpu.memory_space<vmem>> -> memref<1x128xi32, #tpu.memory_space<vmem>>
      %dma_wait3A_89 = tpu.memref_squeeze %dma_wait3A_88 : memref<1x128xi32, #tpu.memory_space<vmem>> -> memref<128xi32, #tpu.memory_space<vmem>>
      %dma_wait3A_90 = arith.constant 0 : i32
      %dma_wait3A_91 = arith.constant 0 : i32
      %dma_wait3A_92 = tpu.memref_slice %arg8[%dma_wait3A_90, %dma_wait3A_91] : memref<1025x128xf32, #tpu.memory_space<vmem_shared>> -> memref<1025x128xf32, #tpu.memory_space<vmem_shared>>
      tpu.wait_indirect_dma semaphore(%run_scoped3A_82 : memref<!tpu.dma_semaphore, #tpu.memory_space<semaphore_mem>>) src(%arg6 : memref<128x128xf32, #tpu.memory_space<vmem>>) dst(%dma_wait3A_92 : memref<1025x128xf32, #tpu.memory_space<vmem_shared>>)
      tpu.yield
    }) : () -> ()
    %add3A_54 = arith.constant 2048 : i32
    %add3A_55 = arith.addi %mul3A_6, %add3A_54 : i32
    "tpu.region"() ({
      %run_scoped3A_82 = tpu.sem_alloc : memref<!tpu.dma_semaphore, #tpu.memory_space<semaphore_mem>>
      %dma_start3A = arith.constant 0 : i32
      %dma_start3A_83 = tpu.memref_slice %arg2[%add3A_55, %dma_start3A] : memref<102400x128xf32, #tpu.memory_space<hbm>> -> memref<128x128xf32, #tpu.memory_space<hbm>>
      %dma_start3A_84 = arith.constant 0 : i32
      %dma_start3A_85 = tpu.memref_slice %arg2[%add3A_55, %dma_start3A_84] : memref<102400x128xf32, #tpu.memory_space<hbm>> -> memref<128x128xf32, #tpu.memory_space<hbm>>
      tpu.enqueue_dma source(%dma_start3A_85 : memref<128x128xf32, #tpu.memory_space<hbm>>) target(%arg6 : memref<128x128xf32, #tpu.memory_space<vmem>>) target_semaphore(%run_scoped3A_82 : memref<!tpu.dma_semaphore, #tpu.memory_space<semaphore_mem>>)
      %dma_wait3A = arith.constant 0 : i32
      %dma_wait3A_86 = tpu.memref_slice %arg2[%add3A_55, %dma_wait3A] : memref<102400x128xf32, #tpu.memory_space<hbm>> -> memref<128x128xf32, #tpu.memory_space<hbm>>
      %dma_wait3A_87 = arith.constant 0 : i32
      %dma_wait3A_88 = tpu.memref_slice %arg2[%add3A_55, %dma_wait3A_87] : memref<102400x128xf32, #tpu.memory_space<hbm>> -> memref<128x128xf32, #tpu.memory_space<hbm>>
      tpu.wait_dma2 semaphore(%run_scoped3A_82 : memref<!tpu.dma_semaphore, #tpu.memory_space<semaphore_mem>>) src(%dma_wait3A_88 : memref<128x128xf32, #tpu.memory_space<hbm>>) dst(%arg6 : memref<128x128xf32, #tpu.memory_space<vmem>>)
      tpu.yield
    }) : () -> ()
    %run_scoped3A_56 = arith.constant 16 : i32
    "tpu.region"() ({
      %run_scoped3A_82 = tpu.sem_alloc : memref<!tpu.dma_semaphore, #tpu.memory_space<semaphore_mem>>
      %dma_start3A = arith.constant 0 : i32
      %dma_start3A_83 = tpu.memref_slice %arg7[%run_scoped3A_56, %dma_start3A] : memref<25x128xi32, #tpu.memory_space<vmem>> -> memref<1x128xi32, #tpu.memory_space<vmem>>
      %dma_start3A_84 = tpu.memref_squeeze %dma_start3A_83 : memref<1x128xi32, #tpu.memory_space<vmem>> -> memref<128xi32, #tpu.memory_space<vmem>>
      %dma_start3A_85 = arith.constant 0 : i32
      %dma_start3A_86 = arith.constant 0 : i32
      %dma_start3A_87 = tpu.memref_slice %arg8[%dma_start3A_85, %dma_start3A_86] : memref<1025x128xf32, #tpu.memory_space<vmem_shared>> -> memref<1025x128xf32, #tpu.memory_space<vmem_shared>>
      tpu.enqueue_indirect_dma source(%arg6 : memref<128x128xf32, #tpu.memory_space<vmem>>) target(%dma_start3A_87 : memref<1025x128xf32, #tpu.memory_space<vmem_shared>>) offsets(%dma_start3A_84 : memref<128xi32, #tpu.memory_space<vmem>>) semaphore(%run_scoped3A_82 : memref<!tpu.dma_semaphore, #tpu.memory_space<semaphore_mem>>) {add = true}
      %dma_wait3A = arith.constant 0 : i32
      %dma_wait3A_88 = tpu.memref_slice %arg7[%run_scoped3A_56, %dma_wait3A] : memref<25x128xi32, #tpu.memory_space<vmem>> -> memref<1x128xi32, #tpu.memory_space<vmem>>
      %dma_wait3A_89 = tpu.memref_squeeze %dma_wait3A_88 : memref<1x128xi32, #tpu.memory_space<vmem>> -> memref<128xi32, #tpu.memory_space<vmem>>
      %dma_wait3A_90 = arith.constant 0 : i32
      %dma_wait3A_91 = arith.constant 0 : i32
      %dma_wait3A_92 = tpu.memref_slice %arg8[%dma_wait3A_90, %dma_wait3A_91] : memref<1025x128xf32, #tpu.memory_space<vmem_shared>> -> memref<1025x128xf32, #tpu.memory_space<vmem_shared>>
      tpu.wait_indirect_dma semaphore(%run_scoped3A_82 : memref<!tpu.dma_semaphore, #tpu.memory_space<semaphore_mem>>) src(%arg6 : memref<128x128xf32, #tpu.memory_space<vmem>>) dst(%dma_wait3A_92 : memref<1025x128xf32, #tpu.memory_space<vmem_shared>>)
      tpu.yield
    }) : () -> ()
    %add3A_57 = arith.constant 2176 : i32
    %add3A_58 = arith.addi %mul3A_6, %add3A_57 : i32
    "tpu.region"() ({
      %run_scoped3A_82 = tpu.sem_alloc : memref<!tpu.dma_semaphore, #tpu.memory_space<semaphore_mem>>
      %dma_start3A = arith.constant 0 : i32
      %dma_start3A_83 = tpu.memref_slice %arg2[%add3A_58, %dma_start3A] : memref<102400x128xf32, #tpu.memory_space<hbm>> -> memref<128x128xf32, #tpu.memory_space<hbm>>
      %dma_start3A_84 = arith.constant 0 : i32
      %dma_start3A_85 = tpu.memref_slice %arg2[%add3A_58, %dma_start3A_84] : memref<102400x128xf32, #tpu.memory_space<hbm>> -> memref<128x128xf32, #tpu.memory_space<hbm>>
      tpu.enqueue_dma source(%dma_start3A_85 : memref<128x128xf32, #tpu.memory_space<hbm>>) target(%arg6 : memref<128x128xf32, #tpu.memory_space<vmem>>) target_semaphore(%run_scoped3A_82 : memref<!tpu.dma_semaphore, #tpu.memory_space<semaphore_mem>>)
      %dma_wait3A = arith.constant 0 : i32
      %dma_wait3A_86 = tpu.memref_slice %arg2[%add3A_58, %dma_wait3A] : memref<102400x128xf32, #tpu.memory_space<hbm>> -> memref<128x128xf32, #tpu.memory_space<hbm>>
      %dma_wait3A_87 = arith.constant 0 : i32
      %dma_wait3A_88 = tpu.memref_slice %arg2[%add3A_58, %dma_wait3A_87] : memref<102400x128xf32, #tpu.memory_space<hbm>> -> memref<128x128xf32, #tpu.memory_space<hbm>>
      tpu.wait_dma2 semaphore(%run_scoped3A_82 : memref<!tpu.dma_semaphore, #tpu.memory_space<semaphore_mem>>) src(%dma_wait3A_88 : memref<128x128xf32, #tpu.memory_space<hbm>>) dst(%arg6 : memref<128x128xf32, #tpu.memory_space<vmem>>)
      tpu.yield
    }) : () -> ()
    %run_scoped3A_59 = arith.constant 17 : i32
    "tpu.region"() ({
      %run_scoped3A_82 = tpu.sem_alloc : memref<!tpu.dma_semaphore, #tpu.memory_space<semaphore_mem>>
      %dma_start3A = arith.constant 0 : i32
      %dma_start3A_83 = tpu.memref_slice %arg7[%run_scoped3A_59, %dma_start3A] : memref<25x128xi32, #tpu.memory_space<vmem>> -> memref<1x128xi32, #tpu.memory_space<vmem>>
      %dma_start3A_84 = tpu.memref_squeeze %dma_start3A_83 : memref<1x128xi32, #tpu.memory_space<vmem>> -> memref<128xi32, #tpu.memory_space<vmem>>
      %dma_start3A_85 = arith.constant 0 : i32
      %dma_start3A_86 = arith.constant 0 : i32
      %dma_start3A_87 = tpu.memref_slice %arg8[%dma_start3A_85, %dma_start3A_86] : memref<1025x128xf32, #tpu.memory_space<vmem_shared>> -> memref<1025x128xf32, #tpu.memory_space<vmem_shared>>
      tpu.enqueue_indirect_dma source(%arg6 : memref<128x128xf32, #tpu.memory_space<vmem>>) target(%dma_start3A_87 : memref<1025x128xf32, #tpu.memory_space<vmem_shared>>) offsets(%dma_start3A_84 : memref<128xi32, #tpu.memory_space<vmem>>) semaphore(%run_scoped3A_82 : memref<!tpu.dma_semaphore, #tpu.memory_space<semaphore_mem>>) {add = true}
      %dma_wait3A = arith.constant 0 : i32
      %dma_wait3A_88 = tpu.memref_slice %arg7[%run_scoped3A_59, %dma_wait3A] : memref<25x128xi32, #tpu.memory_space<vmem>> -> memref<1x128xi32, #tpu.memory_space<vmem>>
      %dma_wait3A_89 = tpu.memref_squeeze %dma_wait3A_88 : memref<1x128xi32, #tpu.memory_space<vmem>> -> memref<128xi32, #tpu.memory_space<vmem>>
      %dma_wait3A_90 = arith.constant 0 : i32
      %dma_wait3A_91 = arith.constant 0 : i32
      %dma_wait3A_92 = tpu.memref_slice %arg8[%dma_wait3A_90, %dma_wait3A_91] : memref<1025x128xf32, #tpu.memory_space<vmem_shared>> -> memref<1025x128xf32, #tpu.memory_space<vmem_shared>>
      tpu.wait_indirect_dma semaphore(%run_scoped3A_82 : memref<!tpu.dma_semaphore, #tpu.memory_space<semaphore_mem>>) src(%arg6 : memref<128x128xf32, #tpu.memory_space<vmem>>) dst(%dma_wait3A_92 : memref<1025x128xf32, #tpu.memory_space<vmem_shared>>)
      tpu.yield
    }) : () -> ()
    %add3A_60 = arith.constant 2304 : i32
    %add3A_61 = arith.addi %mul3A_6, %add3A_60 : i32
    "tpu.region"() ({
      %run_scoped3A_82 = tpu.sem_alloc : memref<!tpu.dma_semaphore, #tpu.memory_space<semaphore_mem>>
      %dma_start3A = arith.constant 0 : i32
      %dma_start3A_83 = tpu.memref_slice %arg2[%add3A_61, %dma_start3A] : memref<102400x128xf32, #tpu.memory_space<hbm>> -> memref<128x128xf32, #tpu.memory_space<hbm>>
      %dma_start3A_84 = arith.constant 0 : i32
      %dma_start3A_85 = tpu.memref_slice %arg2[%add3A_61, %dma_start3A_84] : memref<102400x128xf32, #tpu.memory_space<hbm>> -> memref<128x128xf32, #tpu.memory_space<hbm>>
      tpu.enqueue_dma source(%dma_start3A_85 : memref<128x128xf32, #tpu.memory_space<hbm>>) target(%arg6 : memref<128x128xf32, #tpu.memory_space<vmem>>) target_semaphore(%run_scoped3A_82 : memref<!tpu.dma_semaphore, #tpu.memory_space<semaphore_mem>>)
      %dma_wait3A = arith.constant 0 : i32
      %dma_wait3A_86 = tpu.memref_slice %arg2[%add3A_61, %dma_wait3A] : memref<102400x128xf32, #tpu.memory_space<hbm>> -> memref<128x128xf32, #tpu.memory_space<hbm>>
      %dma_wait3A_87 = arith.constant 0 : i32
      %dma_wait3A_88 = tpu.memref_slice %arg2[%add3A_61, %dma_wait3A_87] : memref<102400x128xf32, #tpu.memory_space<hbm>> -> memref<128x128xf32, #tpu.memory_space<hbm>>
      tpu.wait_dma2 semaphore(%run_scoped3A_82 : memref<!tpu.dma_semaphore, #tpu.memory_space<semaphore_mem>>) src(%dma_wait3A_88 : memref<128x128xf32, #tpu.memory_space<hbm>>) dst(%arg6 : memref<128x128xf32, #tpu.memory_space<vmem>>)
      tpu.yield
    }) : () -> ()
    %run_scoped3A_62 = arith.constant 18 : i32
    "tpu.region"() ({
      %run_scoped3A_82 = tpu.sem_alloc : memref<!tpu.dma_semaphore, #tpu.memory_space<semaphore_mem>>
      %dma_start3A = arith.constant 0 : i32
      %dma_start3A_83 = tpu.memref_slice %arg7[%run_scoped3A_62, %dma_start3A] : memref<25x128xi32, #tpu.memory_space<vmem>> -> memref<1x128xi32, #tpu.memory_space<vmem>>
      %dma_start3A_84 = tpu.memref_squeeze %dma_start3A_83 : memref<1x128xi32, #tpu.memory_space<vmem>> -> memref<128xi32, #tpu.memory_space<vmem>>
      %dma_start3A_85 = arith.constant 0 : i32
      %dma_start3A_86 = arith.constant 0 : i32
      %dma_start3A_87 = tpu.memref_slice %arg8[%dma_start3A_85, %dma_start3A_86] : memref<1025x128xf32, #tpu.memory_space<vmem_shared>> -> memref<1025x128xf32, #tpu.memory_space<vmem_shared>>
      tpu.enqueue_indirect_dma source(%arg6 : memref<128x128xf32, #tpu.memory_space<vmem>>) target(%dma_start3A_87 : memref<1025x128xf32, #tpu.memory_space<vmem_shared>>) offsets(%dma_start3A_84 : memref<128xi32, #tpu.memory_space<vmem>>) semaphore(%run_scoped3A_82 : memref<!tpu.dma_semaphore, #tpu.memory_space<semaphore_mem>>) {add = true}
      %dma_wait3A = arith.constant 0 : i32
      %dma_wait3A_88 = tpu.memref_slice %arg7[%run_scoped3A_62, %dma_wait3A] : memref<25x128xi32, #tpu.memory_space<vmem>> -> memref<1x128xi32, #tpu.memory_space<vmem>>
      %dma_wait3A_89 = tpu.memref_squeeze %dma_wait3A_88 : memref<1x128xi32, #tpu.memory_space<vmem>> -> memref<128xi32, #tpu.memory_space<vmem>>
      %dma_wait3A_90 = arith.constant 0 : i32
      %dma_wait3A_91 = arith.constant 0 : i32
      %dma_wait3A_92 = tpu.memref_slice %arg8[%dma_wait3A_90, %dma_wait3A_91] : memref<1025x128xf32, #tpu.memory_space<vmem_shared>> -> memref<1025x128xf32, #tpu.memory_space<vmem_shared>>
      tpu.wait_indirect_dma semaphore(%run_scoped3A_82 : memref<!tpu.dma_semaphore, #tpu.memory_space<semaphore_mem>>) src(%arg6 : memref<128x128xf32, #tpu.memory_space<vmem>>) dst(%dma_wait3A_92 : memref<1025x128xf32, #tpu.memory_space<vmem_shared>>)
      tpu.yield
    }) : () -> ()
    %add3A_63 = arith.constant 2432 : i32
    %add3A_64 = arith.addi %mul3A_6, %add3A_63 : i32
    "tpu.region"() ({
      %run_scoped3A_82 = tpu.sem_alloc : memref<!tpu.dma_semaphore, #tpu.memory_space<semaphore_mem>>
      %dma_start3A = arith.constant 0 : i32
      %dma_start3A_83 = tpu.memref_slice %arg2[%add3A_64, %dma_start3A] : memref<102400x128xf32, #tpu.memory_space<hbm>> -> memref<128x128xf32, #tpu.memory_space<hbm>>
      %dma_start3A_84 = arith.constant 0 : i32
      %dma_start3A_85 = tpu.memref_slice %arg2[%add3A_64, %dma_start3A_84] : memref<102400x128xf32, #tpu.memory_space<hbm>> -> memref<128x128xf32, #tpu.memory_space<hbm>>
      tpu.enqueue_dma source(%dma_start3A_85 : memref<128x128xf32, #tpu.memory_space<hbm>>) target(%arg6 : memref<128x128xf32, #tpu.memory_space<vmem>>) target_semaphore(%run_scoped3A_82 : memref<!tpu.dma_semaphore, #tpu.memory_space<semaphore_mem>>)
      %dma_wait3A = arith.constant 0 : i32
      %dma_wait3A_86 = tpu.memref_slice %arg2[%add3A_64, %dma_wait3A] : memref<102400x128xf32, #tpu.memory_space<hbm>> -> memref<128x128xf32, #tpu.memory_space<hbm>>
      %dma_wait3A_87 = arith.constant 0 : i32
      %dma_wait3A_88 = tpu.memref_slice %arg2[%add3A_64, %dma_wait3A_87] : memref<102400x128xf32, #tpu.memory_space<hbm>> -> memref<128x128xf32, #tpu.memory_space<hbm>>
      tpu.wait_dma2 semaphore(%run_scoped3A_82 : memref<!tpu.dma_semaphore, #tpu.memory_space<semaphore_mem>>) src(%dma_wait3A_88 : memref<128x128xf32, #tpu.memory_space<hbm>>) dst(%arg6 : memref<128x128xf32, #tpu.memory_space<vmem>>)
      tpu.yield
    }) : () -> ()
    %run_scoped3A_65 = arith.constant 19 : i32
    "tpu.region"() ({
      %run_scoped3A_82 = tpu.sem_alloc : memref<!tpu.dma_semaphore, #tpu.memory_space<semaphore_mem>>
      %dma_start3A = arith.constant 0 : i32
      %dma_start3A_83 = tpu.memref_slice %arg7[%run_scoped3A_65, %dma_start3A] : memref<25x128xi32, #tpu.memory_space<vmem>> -> memref<1x128xi32, #tpu.memory_space<vmem>>
      %dma_start3A_84 = tpu.memref_squeeze %dma_start3A_83 : memref<1x128xi32, #tpu.memory_space<vmem>> -> memref<128xi32, #tpu.memory_space<vmem>>
      %dma_start3A_85 = arith.constant 0 : i32
      %dma_start3A_86 = arith.constant 0 : i32
      %dma_start3A_87 = tpu.memref_slice %arg8[%dma_start3A_85, %dma_start3A_86] : memref<1025x128xf32, #tpu.memory_space<vmem_shared>> -> memref<1025x128xf32, #tpu.memory_space<vmem_shared>>
      tpu.enqueue_indirect_dma source(%arg6 : memref<128x128xf32, #tpu.memory_space<vmem>>) target(%dma_start3A_87 : memref<1025x128xf32, #tpu.memory_space<vmem_shared>>) offsets(%dma_start3A_84 : memref<128xi32, #tpu.memory_space<vmem>>) semaphore(%run_scoped3A_82 : memref<!tpu.dma_semaphore, #tpu.memory_space<semaphore_mem>>) {add = true}
      %dma_wait3A = arith.constant 0 : i32
      %dma_wait3A_88 = tpu.memref_slice %arg7[%run_scoped3A_65, %dma_wait3A] : memref<25x128xi32, #tpu.memory_space<vmem>> -> memref<1x128xi32, #tpu.memory_space<vmem>>
      %dma_wait3A_89 = tpu.memref_squeeze %dma_wait3A_88 : memref<1x128xi32, #tpu.memory_space<vmem>> -> memref<128xi32, #tpu.memory_space<vmem>>
      %dma_wait3A_90 = arith.constant 0 : i32
      %dma_wait3A_91 = arith.constant 0 : i32
      %dma_wait3A_92 = tpu.memref_slice %arg8[%dma_wait3A_90, %dma_wait3A_91] : memref<1025x128xf32, #tpu.memory_space<vmem_shared>> -> memref<1025x128xf32, #tpu.memory_space<vmem_shared>>
      tpu.wait_indirect_dma semaphore(%run_scoped3A_82 : memref<!tpu.dma_semaphore, #tpu.memory_space<semaphore_mem>>) src(%arg6 : memref<128x128xf32, #tpu.memory_space<vmem>>) dst(%dma_wait3A_92 : memref<1025x128xf32, #tpu.memory_space<vmem_shared>>)
      tpu.yield
    }) : () -> ()
    %add3A_66 = arith.constant 2560 : i32
    %add3A_67 = arith.addi %mul3A_6, %add3A_66 : i32
    "tpu.region"() ({
      %run_scoped3A_82 = tpu.sem_alloc : memref<!tpu.dma_semaphore, #tpu.memory_space<semaphore_mem>>
      %dma_start3A = arith.constant 0 : i32
      %dma_start3A_83 = tpu.memref_slice %arg2[%add3A_67, %dma_start3A] : memref<102400x128xf32, #tpu.memory_space<hbm>> -> memref<128x128xf32, #tpu.memory_space<hbm>>
      %dma_start3A_84 = arith.constant 0 : i32
      %dma_start3A_85 = tpu.memref_slice %arg2[%add3A_67, %dma_start3A_84] : memref<102400x128xf32, #tpu.memory_space<hbm>> -> memref<128x128xf32, #tpu.memory_space<hbm>>
      tpu.enqueue_dma source(%dma_start3A_85 : memref<128x128xf32, #tpu.memory_space<hbm>>) target(%arg6 : memref<128x128xf32, #tpu.memory_space<vmem>>) target_semaphore(%run_scoped3A_82 : memref<!tpu.dma_semaphore, #tpu.memory_space<semaphore_mem>>)
      %dma_wait3A = arith.constant 0 : i32
      %dma_wait3A_86 = tpu.memref_slice %arg2[%add3A_67, %dma_wait3A] : memref<102400x128xf32, #tpu.memory_space<hbm>> -> memref<128x128xf32, #tpu.memory_space<hbm>>
      %dma_wait3A_87 = arith.constant 0 : i32
      %dma_wait3A_88 = tpu.memref_slice %arg2[%add3A_67, %dma_wait3A_87] : memref<102400x128xf32, #tpu.memory_space<hbm>> -> memref<128x128xf32, #tpu.memory_space<hbm>>
      tpu.wait_dma2 semaphore(%run_scoped3A_82 : memref<!tpu.dma_semaphore, #tpu.memory_space<semaphore_mem>>) src(%dma_wait3A_88 : memref<128x128xf32, #tpu.memory_space<hbm>>) dst(%arg6 : memref<128x128xf32, #tpu.memory_space<vmem>>)
      tpu.yield
    }) : () -> ()
    %run_scoped3A_68 = arith.constant 20 : i32
    "tpu.region"() ({
      %run_scoped3A_82 = tpu.sem_alloc : memref<!tpu.dma_semaphore, #tpu.memory_space<semaphore_mem>>
      %dma_start3A = arith.constant 0 : i32
      %dma_start3A_83 = tpu.memref_slice %arg7[%run_scoped3A_68, %dma_start3A] : memref<25x128xi32, #tpu.memory_space<vmem>> -> memref<1x128xi32, #tpu.memory_space<vmem>>
      %dma_start3A_84 = tpu.memref_squeeze %dma_start3A_83 : memref<1x128xi32, #tpu.memory_space<vmem>> -> memref<128xi32, #tpu.memory_space<vmem>>
      %dma_start3A_85 = arith.constant 0 : i32
      %dma_start3A_86 = arith.constant 0 : i32
      %dma_start3A_87 = tpu.memref_slice %arg8[%dma_start3A_85, %dma_start3A_86] : memref<1025x128xf32, #tpu.memory_space<vmem_shared>> -> memref<1025x128xf32, #tpu.memory_space<vmem_shared>>
      tpu.enqueue_indirect_dma source(%arg6 : memref<128x128xf32, #tpu.memory_space<vmem>>) target(%dma_start3A_87 : memref<1025x128xf32, #tpu.memory_space<vmem_shared>>) offsets(%dma_start3A_84 : memref<128xi32, #tpu.memory_space<vmem>>) semaphore(%run_scoped3A_82 : memref<!tpu.dma_semaphore, #tpu.memory_space<semaphore_mem>>) {add = true}
      %dma_wait3A = arith.constant 0 : i32
      %dma_wait3A_88 = tpu.memref_slice %arg7[%run_scoped3A_68, %dma_wait3A] : memref<25x128xi32, #tpu.memory_space<vmem>> -> memref<1x128xi32, #tpu.memory_space<vmem>>
      %dma_wait3A_89 = tpu.memref_squeeze %dma_wait3A_88 : memref<1x128xi32, #tpu.memory_space<vmem>> -> memref<128xi32, #tpu.memory_space<vmem>>
      %dma_wait3A_90 = arith.constant 0 : i32
      %dma_wait3A_91 = arith.constant 0 : i32
      %dma_wait3A_92 = tpu.memref_slice %arg8[%dma_wait3A_90, %dma_wait3A_91] : memref<1025x128xf32, #tpu.memory_space<vmem_shared>> -> memref<1025x128xf32, #tpu.memory_space<vmem_shared>>
      tpu.wait_indirect_dma semaphore(%run_scoped3A_82 : memref<!tpu.dma_semaphore, #tpu.memory_space<semaphore_mem>>) src(%arg6 : memref<128x128xf32, #tpu.memory_space<vmem>>) dst(%dma_wait3A_92 : memref<1025x128xf32, #tpu.memory_space<vmem_shared>>)
      tpu.yield
    }) : () -> ()
    %add3A_69 = arith.constant 2688 : i32
    %add3A_70 = arith.addi %mul3A_6, %add3A_69 : i32
    "tpu.region"() ({
      %run_scoped3A_82 = tpu.sem_alloc : memref<!tpu.dma_semaphore, #tpu.memory_space<semaphore_mem>>
      %dma_start3A = arith.constant 0 : i32
      %dma_start3A_83 = tpu.memref_slice %arg2[%add3A_70, %dma_start3A] : memref<102400x128xf32, #tpu.memory_space<hbm>> -> memref<128x128xf32, #tpu.memory_space<hbm>>
      %dma_start3A_84 = arith.constant 0 : i32
      %dma_start3A_85 = tpu.memref_slice %arg2[%add3A_70, %dma_start3A_84] : memref<102400x128xf32, #tpu.memory_space<hbm>> -> memref<128x128xf32, #tpu.memory_space<hbm>>
      tpu.enqueue_dma source(%dma_start3A_85 : memref<128x128xf32, #tpu.memory_space<hbm>>) target(%arg6 : memref<128x128xf32, #tpu.memory_space<vmem>>) target_semaphore(%run_scoped3A_82 : memref<!tpu.dma_semaphore, #tpu.memory_space<semaphore_mem>>)
      %dma_wait3A = arith.constant 0 : i32
      %dma_wait3A_86 = tpu.memref_slice %arg2[%add3A_70, %dma_wait3A] : memref<102400x128xf32, #tpu.memory_space<hbm>> -> memref<128x128xf32, #tpu.memory_space<hbm>>
      %dma_wait3A_87 = arith.constant 0 : i32
      %dma_wait3A_88 = tpu.memref_slice %arg2[%add3A_70, %dma_wait3A_87] : memref<102400x128xf32, #tpu.memory_space<hbm>> -> memref<128x128xf32, #tpu.memory_space<hbm>>
      tpu.wait_dma2 semaphore(%run_scoped3A_82 : memref<!tpu.dma_semaphore, #tpu.memory_space<semaphore_mem>>) src(%dma_wait3A_88 : memref<128x128xf32, #tpu.memory_space<hbm>>) dst(%arg6 : memref<128x128xf32, #tpu.memory_space<vmem>>)
      tpu.yield
    }) : () -> ()
    %run_scoped3A_71 = arith.constant 21 : i32
    "tpu.region"() ({
      %run_scoped3A_82 = tpu.sem_alloc : memref<!tpu.dma_semaphore, #tpu.memory_space<semaphore_mem>>
      %dma_start3A = arith.constant 0 : i32
      %dma_start3A_83 = tpu.memref_slice %arg7[%run_scoped3A_71, %dma_start3A] : memref<25x128xi32, #tpu.memory_space<vmem>> -> memref<1x128xi32, #tpu.memory_space<vmem>>
      %dma_start3A_84 = tpu.memref_squeeze %dma_start3A_83 : memref<1x128xi32, #tpu.memory_space<vmem>> -> memref<128xi32, #tpu.memory_space<vmem>>
      %dma_start3A_85 = arith.constant 0 : i32
      %dma_start3A_86 = arith.constant 0 : i32
      %dma_start3A_87 = tpu.memref_slice %arg8[%dma_start3A_85, %dma_start3A_86] : memref<1025x128xf32, #tpu.memory_space<vmem_shared>> -> memref<1025x128xf32, #tpu.memory_space<vmem_shared>>
      tpu.enqueue_indirect_dma source(%arg6 : memref<128x128xf32, #tpu.memory_space<vmem>>) target(%dma_start3A_87 : memref<1025x128xf32, #tpu.memory_space<vmem_shared>>) offsets(%dma_start3A_84 : memref<128xi32, #tpu.memory_space<vmem>>) semaphore(%run_scoped3A_82 : memref<!tpu.dma_semaphore, #tpu.memory_space<semaphore_mem>>) {add = true}
      %dma_wait3A = arith.constant 0 : i32
      %dma_wait3A_88 = tpu.memref_slice %arg7[%run_scoped3A_71, %dma_wait3A] : memref<25x128xi32, #tpu.memory_space<vmem>> -> memref<1x128xi32, #tpu.memory_space<vmem>>
      %dma_wait3A_89 = tpu.memref_squeeze %dma_wait3A_88 : memref<1x128xi32, #tpu.memory_space<vmem>> -> memref<128xi32, #tpu.memory_space<vmem>>
      %dma_wait3A_90 = arith.constant 0 : i32
      %dma_wait3A_91 = arith.constant 0 : i32
      %dma_wait3A_92 = tpu.memref_slice %arg8[%dma_wait3A_90, %dma_wait3A_91] : memref<1025x128xf32, #tpu.memory_space<vmem_shared>> -> memref<1025x128xf32, #tpu.memory_space<vmem_shared>>
      tpu.wait_indirect_dma semaphore(%run_scoped3A_82 : memref<!tpu.dma_semaphore, #tpu.memory_space<semaphore_mem>>) src(%arg6 : memref<128x128xf32, #tpu.memory_space<vmem>>) dst(%dma_wait3A_92 : memref<1025x128xf32, #tpu.memory_space<vmem_shared>>)
      tpu.yield
    }) : () -> ()
    %add3A_72 = arith.constant 2816 : i32
    %add3A_73 = arith.addi %mul3A_6, %add3A_72 : i32
    "tpu.region"() ({
      %run_scoped3A_82 = tpu.sem_alloc : memref<!tpu.dma_semaphore, #tpu.memory_space<semaphore_mem>>
      %dma_start3A = arith.constant 0 : i32
      %dma_start3A_83 = tpu.memref_slice %arg2[%add3A_73, %dma_start3A] : memref<102400x128xf32, #tpu.memory_space<hbm>> -> memref<128x128xf32, #tpu.memory_space<hbm>>
      %dma_start3A_84 = arith.constant 0 : i32
      %dma_start3A_85 = tpu.memref_slice %arg2[%add3A_73, %dma_start3A_84] : memref<102400x128xf32, #tpu.memory_space<hbm>> -> memref<128x128xf32, #tpu.memory_space<hbm>>
      tpu.enqueue_dma source(%dma_start3A_85 : memref<128x128xf32, #tpu.memory_space<hbm>>) target(%arg6 : memref<128x128xf32, #tpu.memory_space<vmem>>) target_semaphore(%run_scoped3A_82 : memref<!tpu.dma_semaphore, #tpu.memory_space<semaphore_mem>>)
      %dma_wait3A = arith.constant 0 : i32
      %dma_wait3A_86 = tpu.memref_slice %arg2[%add3A_73, %dma_wait3A] : memref<102400x128xf32, #tpu.memory_space<hbm>> -> memref<128x128xf32, #tpu.memory_space<hbm>>
      %dma_wait3A_87 = arith.constant 0 : i32
      %dma_wait3A_88 = tpu.memref_slice %arg2[%add3A_73, %dma_wait3A_87] : memref<102400x128xf32, #tpu.memory_space<hbm>> -> memref<128x128xf32, #tpu.memory_space<hbm>>
      tpu.wait_dma2 semaphore(%run_scoped3A_82 : memref<!tpu.dma_semaphore, #tpu.memory_space<semaphore_mem>>) src(%dma_wait3A_88 : memref<128x128xf32, #tpu.memory_space<hbm>>) dst(%arg6 : memref<128x128xf32, #tpu.memory_space<vmem>>)
      tpu.yield
    }) : () -> ()
    %run_scoped3A_74 = arith.constant 22 : i32
    "tpu.region"() ({
      %run_scoped3A_82 = tpu.sem_alloc : memref<!tpu.dma_semaphore, #tpu.memory_space<semaphore_mem>>
      %dma_start3A = arith.constant 0 : i32
      %dma_start3A_83 = tpu.memref_slice %arg7[%run_scoped3A_74, %dma_start3A] : memref<25x128xi32, #tpu.memory_space<vmem>> -> memref<1x128xi32, #tpu.memory_space<vmem>>
      %dma_start3A_84 = tpu.memref_squeeze %dma_start3A_83 : memref<1x128xi32, #tpu.memory_space<vmem>> -> memref<128xi32, #tpu.memory_space<vmem>>
      %dma_start3A_85 = arith.constant 0 : i32
      %dma_start3A_86 = arith.constant 0 : i32
      %dma_start3A_87 = tpu.memref_slice %arg8[%dma_start3A_85, %dma_start3A_86] : memref<1025x128xf32, #tpu.memory_space<vmem_shared>> -> memref<1025x128xf32, #tpu.memory_space<vmem_shared>>
      tpu.enqueue_indirect_dma source(%arg6 : memref<128x128xf32, #tpu.memory_space<vmem>>) target(%dma_start3A_87 : memref<1025x128xf32, #tpu.memory_space<vmem_shared>>) offsets(%dma_start3A_84 : memref<128xi32, #tpu.memory_space<vmem>>) semaphore(%run_scoped3A_82 : memref<!tpu.dma_semaphore, #tpu.memory_space<semaphore_mem>>) {add = true}
      %dma_wait3A = arith.constant 0 : i32
      %dma_wait3A_88 = tpu.memref_slice %arg7[%run_scoped3A_74, %dma_wait3A] : memref<25x128xi32, #tpu.memory_space<vmem>> -> memref<1x128xi32, #tpu.memory_space<vmem>>
      %dma_wait3A_89 = tpu.memref_squeeze %dma_wait3A_88 : memref<1x128xi32, #tpu.memory_space<vmem>> -> memref<128xi32, #tpu.memory_space<vmem>>
      %dma_wait3A_90 = arith.constant 0 : i32
      %dma_wait3A_91 = arith.constant 0 : i32
      %dma_wait3A_92 = tpu.memref_slice %arg8[%dma_wait3A_90, %dma_wait3A_91] : memref<1025x128xf32, #tpu.memory_space<vmem_shared>> -> memref<1025x128xf32, #tpu.memory_space<vmem_shared>>
      tpu.wait_indirect_dma semaphore(%run_scoped3A_82 : memref<!tpu.dma_semaphore, #tpu.memory_space<semaphore_mem>>) src(%arg6 : memref<128x128xf32, #tpu.memory_space<vmem>>) dst(%dma_wait3A_92 : memref<1025x128xf32, #tpu.memory_space<vmem_shared>>)
      tpu.yield
    }) : () -> ()
    %add3A_75 = arith.constant 2944 : i32
    %add3A_76 = arith.addi %mul3A_6, %add3A_75 : i32
    "tpu.region"() ({
      %run_scoped3A_82 = tpu.sem_alloc : memref<!tpu.dma_semaphore, #tpu.memory_space<semaphore_mem>>
      %dma_start3A = arith.constant 0 : i32
      %dma_start3A_83 = tpu.memref_slice %arg2[%add3A_76, %dma_start3A] : memref<102400x128xf32, #tpu.memory_space<hbm>> -> memref<128x128xf32, #tpu.memory_space<hbm>>
      %dma_start3A_84 = arith.constant 0 : i32
      %dma_start3A_85 = tpu.memref_slice %arg2[%add3A_76, %dma_start3A_84] : memref<102400x128xf32, #tpu.memory_space<hbm>> -> memref<128x128xf32, #tpu.memory_space<hbm>>
      tpu.enqueue_dma source(%dma_start3A_85 : memref<128x128xf32, #tpu.memory_space<hbm>>) target(%arg6 : memref<128x128xf32, #tpu.memory_space<vmem>>) target_semaphore(%run_scoped3A_82 : memref<!tpu.dma_semaphore, #tpu.memory_space<semaphore_mem>>)
      %dma_wait3A = arith.constant 0 : i32
      %dma_wait3A_86 = tpu.memref_slice %arg2[%add3A_76, %dma_wait3A] : memref<102400x128xf32, #tpu.memory_space<hbm>> -> memref<128x128xf32, #tpu.memory_space<hbm>>
      %dma_wait3A_87 = arith.constant 0 : i32
      %dma_wait3A_88 = tpu.memref_slice %arg2[%add3A_76, %dma_wait3A_87] : memref<102400x128xf32, #tpu.memory_space<hbm>> -> memref<128x128xf32, #tpu.memory_space<hbm>>
      tpu.wait_dma2 semaphore(%run_scoped3A_82 : memref<!tpu.dma_semaphore, #tpu.memory_space<semaphore_mem>>) src(%dma_wait3A_88 : memref<128x128xf32, #tpu.memory_space<hbm>>) dst(%arg6 : memref<128x128xf32, #tpu.memory_space<vmem>>)
      tpu.yield
    }) : () -> ()
    %run_scoped3A_77 = arith.constant 23 : i32
    "tpu.region"() ({
      %run_scoped3A_82 = tpu.sem_alloc : memref<!tpu.dma_semaphore, #tpu.memory_space<semaphore_mem>>
      %dma_start3A = arith.constant 0 : i32
      %dma_start3A_83 = tpu.memref_slice %arg7[%run_scoped3A_77, %dma_start3A] : memref<25x128xi32, #tpu.memory_space<vmem>> -> memref<1x128xi32, #tpu.memory_space<vmem>>
      %dma_start3A_84 = tpu.memref_squeeze %dma_start3A_83 : memref<1x128xi32, #tpu.memory_space<vmem>> -> memref<128xi32, #tpu.memory_space<vmem>>
      %dma_start3A_85 = arith.constant 0 : i32
      %dma_start3A_86 = arith.constant 0 : i32
      %dma_start3A_87 = tpu.memref_slice %arg8[%dma_start3A_85, %dma_start3A_86] : memref<1025x128xf32, #tpu.memory_space<vmem_shared>> -> memref<1025x128xf32, #tpu.memory_space<vmem_shared>>
      tpu.enqueue_indirect_dma source(%arg6 : memref<128x128xf32, #tpu.memory_space<vmem>>) target(%dma_start3A_87 : memref<1025x128xf32, #tpu.memory_space<vmem_shared>>) offsets(%dma_start3A_84 : memref<128xi32, #tpu.memory_space<vmem>>) semaphore(%run_scoped3A_82 : memref<!tpu.dma_semaphore, #tpu.memory_space<semaphore_mem>>) {add = true}
      %dma_wait3A = arith.constant 0 : i32
      %dma_wait3A_88 = tpu.memref_slice %arg7[%run_scoped3A_77, %dma_wait3A] : memref<25x128xi32, #tpu.memory_space<vmem>> -> memref<1x128xi32, #tpu.memory_space<vmem>>
      %dma_wait3A_89 = tpu.memref_squeeze %dma_wait3A_88 : memref<1x128xi32, #tpu.memory_space<vmem>> -> memref<128xi32, #tpu.memory_space<vmem>>
      %dma_wait3A_90 = arith.constant 0 : i32
      %dma_wait3A_91 = arith.constant 0 : i32
      %dma_wait3A_92 = tpu.memref_slice %arg8[%dma_wait3A_90, %dma_wait3A_91] : memref<1025x128xf32, #tpu.memory_space<vmem_shared>> -> memref<1025x128xf32, #tpu.memory_space<vmem_shared>>
      tpu.wait_indirect_dma semaphore(%run_scoped3A_82 : memref<!tpu.dma_semaphore, #tpu.memory_space<semaphore_mem>>) src(%arg6 : memref<128x128xf32, #tpu.memory_space<vmem>>) dst(%dma_wait3A_92 : memref<1025x128xf32, #tpu.memory_space<vmem_shared>>)
      tpu.yield
    }) : () -> ()
    %add3A_78 = arith.constant 3072 : i32
    %add3A_79 = arith.addi %mul3A_6, %add3A_78 : i32
    "tpu.region"() ({
      %run_scoped3A_82 = tpu.sem_alloc : memref<!tpu.dma_semaphore, #tpu.memory_space<semaphore_mem>>
      %dma_start3A = arith.constant 0 : i32
      %dma_start3A_83 = tpu.memref_slice %arg2[%add3A_79, %dma_start3A] : memref<102400x128xf32, #tpu.memory_space<hbm>> -> memref<128x128xf32, #tpu.memory_space<hbm>>
      %dma_start3A_84 = arith.constant 0 : i32
      %dma_start3A_85 = tpu.memref_slice %arg2[%add3A_79, %dma_start3A_84] : memref<102400x128xf32, #tpu.memory_space<hbm>> -> memref<128x128xf32, #tpu.memory_space<hbm>>
      tpu.enqueue_dma source(%dma_start3A_85 : memref<128x128xf32, #tpu.memory_space<hbm>>) target(%arg6 : memref<128x128xf32, #tpu.memory_space<vmem>>) target_semaphore(%run_scoped3A_82 : memref<!tpu.dma_semaphore, #tpu.memory_space<semaphore_mem>>)
      %dma_wait3A = arith.constant 0 : i32
      %dma_wait3A_86 = tpu.memref_slice %arg2[%add3A_79, %dma_wait3A] : memref<102400x128xf32, #tpu.memory_space<hbm>> -> memref<128x128xf32, #tpu.memory_space<hbm>>
      %dma_wait3A_87 = arith.constant 0 : i32
      %dma_wait3A_88 = tpu.memref_slice %arg2[%add3A_79, %dma_wait3A_87] : memref<102400x128xf32, #tpu.memory_space<hbm>> -> memref<128x128xf32, #tpu.memory_space<hbm>>
      tpu.wait_dma2 semaphore(%run_scoped3A_82 : memref<!tpu.dma_semaphore, #tpu.memory_space<semaphore_mem>>) src(%dma_wait3A_88 : memref<128x128xf32, #tpu.memory_space<hbm>>) dst(%arg6 : memref<128x128xf32, #tpu.memory_space<vmem>>)
      tpu.yield
    }) : () -> ()
    %run_scoped3A_80 = arith.constant 24 : i32
    "tpu.region"() ({
      %run_scoped3A_82 = tpu.sem_alloc : memref<!tpu.dma_semaphore, #tpu.memory_space<semaphore_mem>>
      %dma_start3A = arith.constant 0 : i32
      %dma_start3A_83 = tpu.memref_slice %arg7[%run_scoped3A_80, %dma_start3A] : memref<25x128xi32, #tpu.memory_space<vmem>> -> memref<1x128xi32, #tpu.memory_space<vmem>>
      %dma_start3A_84 = tpu.memref_squeeze %dma_start3A_83 : memref<1x128xi32, #tpu.memory_space<vmem>> -> memref<128xi32, #tpu.memory_space<vmem>>
      %dma_start3A_85 = arith.constant 0 : i32
      %dma_start3A_86 = arith.constant 0 : i32
      %dma_start3A_87 = tpu.memref_slice %arg8[%dma_start3A_85, %dma_start3A_86] : memref<1025x128xf32, #tpu.memory_space<vmem_shared>> -> memref<1025x128xf32, #tpu.memory_space<vmem_shared>>
      tpu.enqueue_indirect_dma source(%arg6 : memref<128x128xf32, #tpu.memory_space<vmem>>) target(%dma_start3A_87 : memref<1025x128xf32, #tpu.memory_space<vmem_shared>>) offsets(%dma_start3A_84 : memref<128xi32, #tpu.memory_space<vmem>>) semaphore(%run_scoped3A_82 : memref<!tpu.dma_semaphore, #tpu.memory_space<semaphore_mem>>) {add = true}
      %dma_wait3A = arith.constant 0 : i32
      %dma_wait3A_88 = tpu.memref_slice %arg7[%run_scoped3A_80, %dma_wait3A] : memref<25x128xi32, #tpu.memory_space<vmem>> -> memref<1x128xi32, #tpu.memory_space<vmem>>
      %dma_wait3A_89 = tpu.memref_squeeze %dma_wait3A_88 : memref<1x128xi32, #tpu.memory_space<vmem>> -> memref<128xi32, #tpu.memory_space<vmem>>
      %dma_wait3A_90 = arith.constant 0 : i32
      %dma_wait3A_91 = arith.constant 0 : i32
      %dma_wait3A_92 = tpu.memref_slice %arg8[%dma_wait3A_90, %dma_wait3A_91] : memref<1025x128xf32, #tpu.memory_space<vmem_shared>> -> memref<1025x128xf32, #tpu.memory_space<vmem_shared>>
      tpu.wait_indirect_dma semaphore(%run_scoped3A_82 : memref<!tpu.dma_semaphore, #tpu.memory_space<semaphore_mem>>) src(%arg6 : memref<128x128xf32, #tpu.memory_space<vmem>>) dst(%dma_wait3A_92 : memref<1025x128xf32, #tpu.memory_space<vmem_shared>>)
      tpu.yield
    }) : () -> ()
    %barrier3A_81 = arith.constant 0 : index
    tpu.barrier barrier_id(%barrier3A_81)
    "tpu.region"() ({
      %run_scoped3A_82 = tpu.sem_alloc : memref<!tpu.dma_semaphore, #tpu.memory_space<semaphore_mem>>
      %dma_start3A = arith.constant 0 : i32
      %dma_start3A_83 = tpu.memref_slice %arg5[%arg0, %mul3A_2, %dma_start3A] : memref<2x1024x128xf32, #tpu.memory_space<hbm>> -> memref<1x64x128xf32, #tpu.memory_space<hbm>>
      %dma_start3A_84 = tpu.memref_squeeze %dma_start3A_83 : memref<1x64x128xf32, #tpu.memory_space<hbm>> -> memref<64x128xf32, #tpu.memory_space<hbm>>
      %dma_start3A_85 = arith.constant 0 : i32
      %dma_start3A_86 = tpu.memref_slice %arg8[%mul3A_2, %dma_start3A_85] : memref<1025x128xf32, #tpu.memory_space<vmem_shared>> -> memref<64x128xf32, #tpu.memory_space<vmem_shared>>
      tpu.enqueue_dma source(%dma_start3A_86 : memref<64x128xf32, #tpu.memory_space<vmem_shared>>) target(%dma_start3A_84 : memref<64x128xf32, #tpu.memory_space<hbm>>) target_semaphore(%run_scoped3A_82 : memref<!tpu.dma_semaphore, #tpu.memory_space<semaphore_mem>>)
      %dma_wait3A = arith.constant 0 : i32
      %dma_wait3A_87 = tpu.memref_slice %arg5[%arg0, %mul3A_2, %dma_wait3A] : memref<2x1024x128xf32, #tpu.memory_space<hbm>> -> memref<1x64x128xf32, #tpu.memory_space<hbm>>
      %dma_wait3A_88 = tpu.memref_squeeze %dma_wait3A_87 : memref<1x64x128xf32, #tpu.memory_space<hbm>> -> memref<64x128xf32, #tpu.memory_space<hbm>>
      %dma_wait3A_89 = arith.constant 0 : i32
      %dma_wait3A_90 = tpu.memref_slice %arg8[%mul3A_2, %dma_wait3A_89] : memref<1025x128xf32, #tpu.memory_space<vmem_shared>> -> memref<64x128xf32, #tpu.memory_space<vmem_shared>>
      tpu.wait_dma2 semaphore(%run_scoped3A_82 : memref<!tpu.dma_semaphore, #tpu.memory_space<semaphore_mem>>) src(%dma_wait3A_90 : memref<64x128xf32, #tpu.memory_space<vmem_shared>>) dst(%dma_wait3A_88 : memref<64x128xf32, #tpu.memory_space<hbm>>)
      tpu.yield
    }) : () -> ()
    return
  }
}

#map = affine_map<(d0, d1) -> (0, 0, 0)>
#map1 = affine_map<(d0, d1) -> (0, 0)>
module attributes {stable_mosaic.version = 14 : i64} {
  func.func @_cnt_sc_body(%arg0: i32, %arg1: i32, %arg2: memref<32x25x128xi32, #tpu.memory_space<hbm>>, %arg3: memref<128x128xf32, #tpu.memory_space<hbm>>, %arg4: memref<64x128xf32, #tpu.memory_space<hbm>>, %arg5: memref<2x1024x128xf32, #tpu.memory_space<hbm>>, %arg6: memref<128x128xf32, #tpu.memory_space<vmem>>, %arg7: memref<25x128xi32, #tpu.memory_space<vmem>>, %arg8: memref<1025x128xf32, #tpu.memory_space<vmem_shared>>) attributes {dimension_semantics = [#tpu.dimension_semantics<core_parallel>, #tpu.dimension_semantics<subcore_parallel>], iteration_bounds = array<i64: 2, 16>, scalar_prefetch = 0 : i64, scratch_operands = 3 : i64, tpu.core_type = #tpu.core_type<sc_vector_subcore>, window_params = [{transform_indices = #map}, {transform_indices = #map1}, {transform_indices = #map1}, {transform_indices = #map}]} {
    %mul3A = arith.constant 16 : i32
    %mul3A_0 = arith.muli %arg0, %mul3A : i32
    %add3A = arith.addi %mul3A_0, %arg1 : i32
    %mul3A_1 = arith.constant 64 : i32
    %mul3A_2 = arith.muli %arg1, %mul3A_1 : i32
    "tpu.region"() ({
      %run_scoped3A_30 = tpu.sem_alloc : memref<!tpu.dma_semaphore, #tpu.memory_space<semaphore_mem>>
      %dma_start3A = arith.constant 0 : i32
      %dma_start3A_31 = tpu.memref_slice %arg8[%mul3A_2, %dma_start3A] : memref<1025x128xf32, #tpu.memory_space<vmem_shared>> -> memref<64x128xf32, #tpu.memory_space<vmem_shared>>
      tpu.enqueue_dma source(%arg4 : memref<64x128xf32, #tpu.memory_space<hbm>>) target(%dma_start3A_31 : memref<64x128xf32, #tpu.memory_space<vmem_shared>>) target_semaphore(%run_scoped3A_30 : memref<!tpu.dma_semaphore, #tpu.memory_space<semaphore_mem>>)
      %dma_wait3A = arith.constant 0 : i32
      %dma_wait3A_32 = tpu.memref_slice %arg8[%mul3A_2, %dma_wait3A] : memref<1025x128xf32, #tpu.memory_space<vmem_shared>> -> memref<64x128xf32, #tpu.memory_space<vmem_shared>>
      tpu.wait_dma2 semaphore(%run_scoped3A_30 : memref<!tpu.dma_semaphore, #tpu.memory_space<semaphore_mem>>) src(%arg4 : memref<64x128xf32, #tpu.memory_space<hbm>>) dst(%dma_wait3A_32 : memref<64x128xf32, #tpu.memory_space<vmem_shared>>)
      tpu.yield
    }) : () -> ()
    %eq3A = arith.constant 15 : i32
    %eq3A_3 = arith.cmpi eq, %arg1, %eq3A : i32
    %convert_element_type3A = arith.extui %eq3A_3 : i1 to i32
    %cond3A = arith.constant 0 : i32
    %cond3A_4 = arith.cmpi ne, %convert_element_type3A, %cond3A : i32
    scf.if %cond3A_4 {
      "tpu.region"() ({
        %run_scoped3A_30 = tpu.sem_alloc : memref<!tpu.dma_semaphore, #tpu.memory_space<semaphore_mem>>
        %dma_start3A = arith.constant 1024 : i32
        %dma_start3A_31 = arith.constant 0 : i32
        %dma_start3A_32 = tpu.memref_slice %arg8[%dma_start3A, %dma_start3A_31] : memref<1025x128xf32, #tpu.memory_space<vmem_shared>> -> memref<1x128xf32, #tpu.memory_space<vmem_shared>>
        %dma_start3A_33 = arith.constant 0 : i32
        %dma_start3A_34 = arith.constant 0 : i32
        %dma_start3A_35 = tpu.memref_slice %arg4[%dma_start3A_33, %dma_start3A_34] : memref<64x128xf32, #tpu.memory_space<hbm>> -> memref<1x128xf32, #tpu.memory_space<hbm>>
        tpu.enqueue_dma source(%dma_start3A_35 : memref<1x128xf32, #tpu.memory_space<hbm>>) target(%dma_start3A_32 : memref<1x128xf32, #tpu.memory_space<vmem_shared>>) target_semaphore(%run_scoped3A_30 : memref<!tpu.dma_semaphore, #tpu.memory_space<semaphore_mem>>)
        %dma_wait3A = arith.constant 1024 : i32
        %dma_wait3A_36 = arith.constant 0 : i32
        %dma_wait3A_37 = tpu.memref_slice %arg8[%dma_wait3A, %dma_wait3A_36] : memref<1025x128xf32, #tpu.memory_space<vmem_shared>> -> memref<1x128xf32, #tpu.memory_space<vmem_shared>>
        %dma_wait3A_38 = arith.constant 0 : i32
        %dma_wait3A_39 = arith.constant 0 : i32
        %dma_wait3A_40 = tpu.memref_slice %arg4[%dma_wait3A_38, %dma_wait3A_39] : memref<64x128xf32, #tpu.memory_space<hbm>> -> memref<1x128xf32, #tpu.memory_space<hbm>>
        tpu.wait_dma2 semaphore(%run_scoped3A_30 : memref<!tpu.dma_semaphore, #tpu.memory_space<semaphore_mem>>) src(%dma_wait3A_40 : memref<1x128xf32, #tpu.memory_space<hbm>>) dst(%dma_wait3A_37 : memref<1x128xf32, #tpu.memory_space<vmem_shared>>)
        tpu.yield
      }) : () -> ()
    } else {
    }
    "tpu.region"() ({
      %run_scoped3A_30 = tpu.sem_alloc : memref<!tpu.dma_semaphore, #tpu.memory_space<semaphore_mem>>
      %dma_start3A = arith.constant 0 : i32
      %dma_start3A_31 = arith.constant 0 : i32
      %dma_start3A_32 = tpu.memref_slice %arg2[%add3A, %dma_start3A, %dma_start3A_31] : memref<32x25x128xi32, #tpu.memory_space<hbm>> -> memref<1x25x128xi32, #tpu.memory_space<hbm>>
      %dma_start3A_33 = tpu.memref_squeeze %dma_start3A_32 : memref<1x25x128xi32, #tpu.memory_space<hbm>> -> memref<25x128xi32, #tpu.memory_space<hbm>>
      %dma_start3A_34 = arith.constant 0 : i32
      %dma_start3A_35 = arith.constant 0 : i32
      %dma_start3A_36 = tpu.memref_slice %arg2[%add3A, %dma_start3A_34, %dma_start3A_35] : memref<32x25x128xi32, #tpu.memory_space<hbm>> -> memref<1x25x128xi32, #tpu.memory_space<hbm>>
      %dma_start3A_37 = tpu.memref_squeeze %dma_start3A_36 : memref<1x25x128xi32, #tpu.memory_space<hbm>> -> memref<25x128xi32, #tpu.memory_space<hbm>>
      tpu.enqueue_dma source(%dma_start3A_37 : memref<25x128xi32, #tpu.memory_space<hbm>>) target(%arg7 : memref<25x128xi32, #tpu.memory_space<vmem>>) target_semaphore(%run_scoped3A_30 : memref<!tpu.dma_semaphore, #tpu.memory_space<semaphore_mem>>)
      %dma_wait3A = arith.constant 0 : i32
      %dma_wait3A_38 = arith.constant 0 : i32
      %dma_wait3A_39 = tpu.memref_slice %arg2[%add3A, %dma_wait3A, %dma_wait3A_38] : memref<32x25x128xi32, #tpu.memory_space<hbm>> -> memref<1x25x128xi32, #tpu.memory_space<hbm>>
      %dma_wait3A_40 = tpu.memref_squeeze %dma_wait3A_39 : memref<1x25x128xi32, #tpu.memory_space<hbm>> -> memref<25x128xi32, #tpu.memory_space<hbm>>
      %dma_wait3A_41 = arith.constant 0 : i32
      %dma_wait3A_42 = arith.constant 0 : i32
      %dma_wait3A_43 = tpu.memref_slice %arg2[%add3A, %dma_wait3A_41, %dma_wait3A_42] : memref<32x25x128xi32, #tpu.memory_space<hbm>> -> memref<1x25x128xi32, #tpu.memory_space<hbm>>
      %dma_wait3A_44 = tpu.memref_squeeze %dma_wait3A_43 : memref<1x25x128xi32, #tpu.memory_space<hbm>> -> memref<25x128xi32, #tpu.memory_space<hbm>>
      tpu.wait_dma2 semaphore(%run_scoped3A_30 : memref<!tpu.dma_semaphore, #tpu.memory_space<semaphore_mem>>) src(%dma_wait3A_44 : memref<25x128xi32, #tpu.memory_space<hbm>>) dst(%arg7 : memref<25x128xi32, #tpu.memory_space<vmem>>)
      tpu.yield
    }) : () -> ()
    "tpu.region"() ({
      %run_scoped3A_30 = tpu.sem_alloc : memref<!tpu.dma_semaphore, #tpu.memory_space<semaphore_mem>>
      tpu.enqueue_dma source(%arg3 : memref<128x128xf32, #tpu.memory_space<hbm>>) target(%arg6 : memref<128x128xf32, #tpu.memory_space<vmem>>) target_semaphore(%run_scoped3A_30 : memref<!tpu.dma_semaphore, #tpu.memory_space<semaphore_mem>>)
      tpu.wait_dma2 semaphore(%run_scoped3A_30 : memref<!tpu.dma_semaphore, #tpu.memory_space<semaphore_mem>>) src(%arg3 : memref<128x128xf32, #tpu.memory_space<hbm>>) dst(%arg6 : memref<128x128xf32, #tpu.memory_space<vmem>>)
      tpu.yield
    }) : () -> ()
    %barrier3A = arith.constant 0 : index
    tpu.barrier barrier_id(%barrier3A)
    %run_scoped3A = arith.constant 0 : i32
    "tpu.region"() ({
      %run_scoped3A_30 = tpu.sem_alloc : memref<!tpu.dma_semaphore, #tpu.memory_space<semaphore_mem>>
      %dma_start3A = arith.constant 0 : i32
      %dma_start3A_31 = tpu.memref_slice %arg7[%run_scoped3A, %dma_start3A] : memref<25x128xi32, #tpu.memory_space<vmem>> -> memref<1x128xi32, #tpu.memory_space<vmem>>
      %dma_start3A_32 = tpu.memref_squeeze %dma_start3A_31 : memref<1x128xi32, #tpu.memory_space<vmem>> -> memref<128xi32, #tpu.memory_space<vmem>>
      %dma_start3A_33 = arith.constant 0 : i32
      %dma_start3A_34 = arith.constant 0 : i32
      %dma_start3A_35 = tpu.memref_slice %arg8[%dma_start3A_33, %dma_start3A_34] : memref<1025x128xf32, #tpu.memory_space<vmem_shared>> -> memref<1025x128xf32, #tpu.memory_space<vmem_shared>>
      tpu.enqueue_indirect_dma source(%arg6 : memref<128x128xf32, #tpu.memory_space<vmem>>) target(%dma_start3A_35 : memref<1025x128xf32, #tpu.memory_space<vmem_shared>>) offsets(%dma_start3A_32 : memref<128xi32, #tpu.memory_space<vmem>>) semaphore(%run_scoped3A_30 : memref<!tpu.dma_semaphore, #tpu.memory_space<semaphore_mem>>) {add = true}
      %dma_wait3A = arith.constant 0 : i32
      %dma_wait3A_36 = tpu.memref_slice %arg7[%run_scoped3A, %dma_wait3A] : memref<25x128xi32, #tpu.memory_space<vmem>> -> memref<1x128xi32, #tpu.memory_space<vmem>>
      %dma_wait3A_37 = tpu.memref_squeeze %dma_wait3A_36 : memref<1x128xi32, #tpu.memory_space<vmem>> -> memref<128xi32, #tpu.memory_space<vmem>>
      %dma_wait3A_38 = arith.constant 0 : i32
      %dma_wait3A_39 = arith.constant 0 : i32
      %dma_wait3A_40 = tpu.memref_slice %arg8[%dma_wait3A_38, %dma_wait3A_39] : memref<1025x128xf32, #tpu.memory_space<vmem_shared>> -> memref<1025x128xf32, #tpu.memory_space<vmem_shared>>
      tpu.wait_indirect_dma semaphore(%run_scoped3A_30 : memref<!tpu.dma_semaphore, #tpu.memory_space<semaphore_mem>>) src(%arg6 : memref<128x128xf32, #tpu.memory_space<vmem>>) dst(%dma_wait3A_40 : memref<1025x128xf32, #tpu.memory_space<vmem_shared>>)
      tpu.yield
    }) : () -> ()
    %run_scoped3A_5 = arith.constant 1 : i32
    "tpu.region"() ({
      %run_scoped3A_30 = tpu.sem_alloc : memref<!tpu.dma_semaphore, #tpu.memory_space<semaphore_mem>>
      %dma_start3A = arith.constant 0 : i32
      %dma_start3A_31 = tpu.memref_slice %arg7[%run_scoped3A_5, %dma_start3A] : memref<25x128xi32, #tpu.memory_space<vmem>> -> memref<1x128xi32, #tpu.memory_space<vmem>>
      %dma_start3A_32 = tpu.memref_squeeze %dma_start3A_31 : memref<1x128xi32, #tpu.memory_space<vmem>> -> memref<128xi32, #tpu.memory_space<vmem>>
      %dma_start3A_33 = arith.constant 0 : i32
      %dma_start3A_34 = arith.constant 0 : i32
      %dma_start3A_35 = tpu.memref_slice %arg8[%dma_start3A_33, %dma_start3A_34] : memref<1025x128xf32, #tpu.memory_space<vmem_shared>> -> memref<1025x128xf32, #tpu.memory_space<vmem_shared>>
      tpu.enqueue_indirect_dma source(%arg6 : memref<128x128xf32, #tpu.memory_space<vmem>>) target(%dma_start3A_35 : memref<1025x128xf32, #tpu.memory_space<vmem_shared>>) offsets(%dma_start3A_32 : memref<128xi32, #tpu.memory_space<vmem>>) semaphore(%run_scoped3A_30 : memref<!tpu.dma_semaphore, #tpu.memory_space<semaphore_mem>>) {add = true}
      %dma_wait3A = arith.constant 0 : i32
      %dma_wait3A_36 = tpu.memref_slice %arg7[%run_scoped3A_5, %dma_wait3A] : memref<25x128xi32, #tpu.memory_space<vmem>> -> memref<1x128xi32, #tpu.memory_space<vmem>>
      %dma_wait3A_37 = tpu.memref_squeeze %dma_wait3A_36 : memref<1x128xi32, #tpu.memory_space<vmem>> -> memref<128xi32, #tpu.memory_space<vmem>>
      %dma_wait3A_38 = arith.constant 0 : i32
      %dma_wait3A_39 = arith.constant 0 : i32
      %dma_wait3A_40 = tpu.memref_slice %arg8[%dma_wait3A_38, %dma_wait3A_39] : memref<1025x128xf32, #tpu.memory_space<vmem_shared>> -> memref<1025x128xf32, #tpu.memory_space<vmem_shared>>
      tpu.wait_indirect_dma semaphore(%run_scoped3A_30 : memref<!tpu.dma_semaphore, #tpu.memory_space<semaphore_mem>>) src(%arg6 : memref<128x128xf32, #tpu.memory_space<vmem>>) dst(%dma_wait3A_40 : memref<1025x128xf32, #tpu.memory_space<vmem_shared>>)
      tpu.yield
    }) : () -> ()
    %run_scoped3A_6 = arith.constant 2 : i32
    "tpu.region"() ({
      %run_scoped3A_30 = tpu.sem_alloc : memref<!tpu.dma_semaphore, #tpu.memory_space<semaphore_mem>>
      %dma_start3A = arith.constant 0 : i32
      %dma_start3A_31 = tpu.memref_slice %arg7[%run_scoped3A_6, %dma_start3A] : memref<25x128xi32, #tpu.memory_space<vmem>> -> memref<1x128xi32, #tpu.memory_space<vmem>>
      %dma_start3A_32 = tpu.memref_squeeze %dma_start3A_31 : memref<1x128xi32, #tpu.memory_space<vmem>> -> memref<128xi32, #tpu.memory_space<vmem>>
      %dma_start3A_33 = arith.constant 0 : i32
      %dma_start3A_34 = arith.constant 0 : i32
      %dma_start3A_35 = tpu.memref_slice %arg8[%dma_start3A_33, %dma_start3A_34] : memref<1025x128xf32, #tpu.memory_space<vmem_shared>> -> memref<1025x128xf32, #tpu.memory_space<vmem_shared>>
      tpu.enqueue_indirect_dma source(%arg6 : memref<128x128xf32, #tpu.memory_space<vmem>>) target(%dma_start3A_35 : memref<1025x128xf32, #tpu.memory_space<vmem_shared>>) offsets(%dma_start3A_32 : memref<128xi32, #tpu.memory_space<vmem>>) semaphore(%run_scoped3A_30 : memref<!tpu.dma_semaphore, #tpu.memory_space<semaphore_mem>>) {add = true}
      %dma_wait3A = arith.constant 0 : i32
      %dma_wait3A_36 = tpu.memref_slice %arg7[%run_scoped3A_6, %dma_wait3A] : memref<25x128xi32, #tpu.memory_space<vmem>> -> memref<1x128xi32, #tpu.memory_space<vmem>>
      %dma_wait3A_37 = tpu.memref_squeeze %dma_wait3A_36 : memref<1x128xi32, #tpu.memory_space<vmem>> -> memref<128xi32, #tpu.memory_space<vmem>>
      %dma_wait3A_38 = arith.constant 0 : i32
      %dma_wait3A_39 = arith.constant 0 : i32
      %dma_wait3A_40 = tpu.memref_slice %arg8[%dma_wait3A_38, %dma_wait3A_39] : memref<1025x128xf32, #tpu.memory_space<vmem_shared>> -> memref<1025x128xf32, #tpu.memory_space<vmem_shared>>
      tpu.wait_indirect_dma semaphore(%run_scoped3A_30 : memref<!tpu.dma_semaphore, #tpu.memory_space<semaphore_mem>>) src(%arg6 : memref<128x128xf32, #tpu.memory_space<vmem>>) dst(%dma_wait3A_40 : memref<1025x128xf32, #tpu.memory_space<vmem_shared>>)
      tpu.yield
    }) : () -> ()
    %run_scoped3A_7 = arith.constant 3 : i32
    "tpu.region"() ({
      %run_scoped3A_30 = tpu.sem_alloc : memref<!tpu.dma_semaphore, #tpu.memory_space<semaphore_mem>>
      %dma_start3A = arith.constant 0 : i32
      %dma_start3A_31 = tpu.memref_slice %arg7[%run_scoped3A_7, %dma_start3A] : memref<25x128xi32, #tpu.memory_space<vmem>> -> memref<1x128xi32, #tpu.memory_space<vmem>>
      %dma_start3A_32 = tpu.memref_squeeze %dma_start3A_31 : memref<1x128xi32, #tpu.memory_space<vmem>> -> memref<128xi32, #tpu.memory_space<vmem>>
      %dma_start3A_33 = arith.constant 0 : i32
      %dma_start3A_34 = arith.constant 0 : i32
      %dma_start3A_35 = tpu.memref_slice %arg8[%dma_start3A_33, %dma_start3A_34] : memref<1025x128xf32, #tpu.memory_space<vmem_shared>> -> memref<1025x128xf32, #tpu.memory_space<vmem_shared>>
      tpu.enqueue_indirect_dma source(%arg6 : memref<128x128xf32, #tpu.memory_space<vmem>>) target(%dma_start3A_35 : memref<1025x128xf32, #tpu.memory_space<vmem_shared>>) offsets(%dma_start3A_32 : memref<128xi32, #tpu.memory_space<vmem>>) semaphore(%run_scoped3A_30 : memref<!tpu.dma_semaphore, #tpu.memory_space<semaphore_mem>>) {add = true}
      %dma_wait3A = arith.constant 0 : i32
      %dma_wait3A_36 = tpu.memref_slice %arg7[%run_scoped3A_7, %dma_wait3A] : memref<25x128xi32, #tpu.memory_space<vmem>> -> memref<1x128xi32, #tpu.memory_space<vmem>>
      %dma_wait3A_37 = tpu.memref_squeeze %dma_wait3A_36 : memref<1x128xi32, #tpu.memory_space<vmem>> -> memref<128xi32, #tpu.memory_space<vmem>>
      %dma_wait3A_38 = arith.constant 0 : i32
      %dma_wait3A_39 = arith.constant 0 : i32
      %dma_wait3A_40 = tpu.memref_slice %arg8[%dma_wait3A_38, %dma_wait3A_39] : memref<1025x128xf32, #tpu.memory_space<vmem_shared>> -> memref<1025x128xf32, #tpu.memory_space<vmem_shared>>
      tpu.wait_indirect_dma semaphore(%run_scoped3A_30 : memref<!tpu.dma_semaphore, #tpu.memory_space<semaphore_mem>>) src(%arg6 : memref<128x128xf32, #tpu.memory_space<vmem>>) dst(%dma_wait3A_40 : memref<1025x128xf32, #tpu.memory_space<vmem_shared>>)
      tpu.yield
    }) : () -> ()
    %run_scoped3A_8 = arith.constant 4 : i32
    "tpu.region"() ({
      %run_scoped3A_30 = tpu.sem_alloc : memref<!tpu.dma_semaphore, #tpu.memory_space<semaphore_mem>>
      %dma_start3A = arith.constant 0 : i32
      %dma_start3A_31 = tpu.memref_slice %arg7[%run_scoped3A_8, %dma_start3A] : memref<25x128xi32, #tpu.memory_space<vmem>> -> memref<1x128xi32, #tpu.memory_space<vmem>>
      %dma_start3A_32 = tpu.memref_squeeze %dma_start3A_31 : memref<1x128xi32, #tpu.memory_space<vmem>> -> memref<128xi32, #tpu.memory_space<vmem>>
      %dma_start3A_33 = arith.constant 0 : i32
      %dma_start3A_34 = arith.constant 0 : i32
      %dma_start3A_35 = tpu.memref_slice %arg8[%dma_start3A_33, %dma_start3A_34] : memref<1025x128xf32, #tpu.memory_space<vmem_shared>> -> memref<1025x128xf32, #tpu.memory_space<vmem_shared>>
      tpu.enqueue_indirect_dma source(%arg6 : memref<128x128xf32, #tpu.memory_space<vmem>>) target(%dma_start3A_35 : memref<1025x128xf32, #tpu.memory_space<vmem_shared>>) offsets(%dma_start3A_32 : memref<128xi32, #tpu.memory_space<vmem>>) semaphore(%run_scoped3A_30 : memref<!tpu.dma_semaphore, #tpu.memory_space<semaphore_mem>>) {add = true}
      %dma_wait3A = arith.constant 0 : i32
      %dma_wait3A_36 = tpu.memref_slice %arg7[%run_scoped3A_8, %dma_wait3A] : memref<25x128xi32, #tpu.memory_space<vmem>> -> memref<1x128xi32, #tpu.memory_space<vmem>>
      %dma_wait3A_37 = tpu.memref_squeeze %dma_wait3A_36 : memref<1x128xi32, #tpu.memory_space<vmem>> -> memref<128xi32, #tpu.memory_space<vmem>>
      %dma_wait3A_38 = arith.constant 0 : i32
      %dma_wait3A_39 = arith.constant 0 : i32
      %dma_wait3A_40 = tpu.memref_slice %arg8[%dma_wait3A_38, %dma_wait3A_39] : memref<1025x128xf32, #tpu.memory_space<vmem_shared>> -> memref<1025x128xf32, #tpu.memory_space<vmem_shared>>
      tpu.wait_indirect_dma semaphore(%run_scoped3A_30 : memref<!tpu.dma_semaphore, #tpu.memory_space<semaphore_mem>>) src(%arg6 : memref<128x128xf32, #tpu.memory_space<vmem>>) dst(%dma_wait3A_40 : memref<1025x128xf32, #tpu.memory_space<vmem_shared>>)
      tpu.yield
    }) : () -> ()
    %run_scoped3A_9 = arith.constant 5 : i32
    "tpu.region"() ({
      %run_scoped3A_30 = tpu.sem_alloc : memref<!tpu.dma_semaphore, #tpu.memory_space<semaphore_mem>>
      %dma_start3A = arith.constant 0 : i32
      %dma_start3A_31 = tpu.memref_slice %arg7[%run_scoped3A_9, %dma_start3A] : memref<25x128xi32, #tpu.memory_space<vmem>> -> memref<1x128xi32, #tpu.memory_space<vmem>>
      %dma_start3A_32 = tpu.memref_squeeze %dma_start3A_31 : memref<1x128xi32, #tpu.memory_space<vmem>> -> memref<128xi32, #tpu.memory_space<vmem>>
      %dma_start3A_33 = arith.constant 0 : i32
      %dma_start3A_34 = arith.constant 0 : i32
      %dma_start3A_35 = tpu.memref_slice %arg8[%dma_start3A_33, %dma_start3A_34] : memref<1025x128xf32, #tpu.memory_space<vmem_shared>> -> memref<1025x128xf32, #tpu.memory_space<vmem_shared>>
      tpu.enqueue_indirect_dma source(%arg6 : memref<128x128xf32, #tpu.memory_space<vmem>>) target(%dma_start3A_35 : memref<1025x128xf32, #tpu.memory_space<vmem_shared>>) offsets(%dma_start3A_32 : memref<128xi32, #tpu.memory_space<vmem>>) semaphore(%run_scoped3A_30 : memref<!tpu.dma_semaphore, #tpu.memory_space<semaphore_mem>>) {add = true}
      %dma_wait3A = arith.constant 0 : i32
      %dma_wait3A_36 = tpu.memref_slice %arg7[%run_scoped3A_9, %dma_wait3A] : memref<25x128xi32, #tpu.memory_space<vmem>> -> memref<1x128xi32, #tpu.memory_space<vmem>>
      %dma_wait3A_37 = tpu.memref_squeeze %dma_wait3A_36 : memref<1x128xi32, #tpu.memory_space<vmem>> -> memref<128xi32, #tpu.memory_space<vmem>>
      %dma_wait3A_38 = arith.constant 0 : i32
      %dma_wait3A_39 = arith.constant 0 : i32
      %dma_wait3A_40 = tpu.memref_slice %arg8[%dma_wait3A_38, %dma_wait3A_39] : memref<1025x128xf32, #tpu.memory_space<vmem_shared>> -> memref<1025x128xf32, #tpu.memory_space<vmem_shared>>
      tpu.wait_indirect_dma semaphore(%run_scoped3A_30 : memref<!tpu.dma_semaphore, #tpu.memory_space<semaphore_mem>>) src(%arg6 : memref<128x128xf32, #tpu.memory_space<vmem>>) dst(%dma_wait3A_40 : memref<1025x128xf32, #tpu.memory_space<vmem_shared>>)
      tpu.yield
    }) : () -> ()
    %run_scoped3A_10 = arith.constant 6 : i32
    "tpu.region"() ({
      %run_scoped3A_30 = tpu.sem_alloc : memref<!tpu.dma_semaphore, #tpu.memory_space<semaphore_mem>>
      %dma_start3A = arith.constant 0 : i32
      %dma_start3A_31 = tpu.memref_slice %arg7[%run_scoped3A_10, %dma_start3A] : memref<25x128xi32, #tpu.memory_space<vmem>> -> memref<1x128xi32, #tpu.memory_space<vmem>>
      %dma_start3A_32 = tpu.memref_squeeze %dma_start3A_31 : memref<1x128xi32, #tpu.memory_space<vmem>> -> memref<128xi32, #tpu.memory_space<vmem>>
      %dma_start3A_33 = arith.constant 0 : i32
      %dma_start3A_34 = arith.constant 0 : i32
      %dma_start3A_35 = tpu.memref_slice %arg8[%dma_start3A_33, %dma_start3A_34] : memref<1025x128xf32, #tpu.memory_space<vmem_shared>> -> memref<1025x128xf32, #tpu.memory_space<vmem_shared>>
      tpu.enqueue_indirect_dma source(%arg6 : memref<128x128xf32, #tpu.memory_space<vmem>>) target(%dma_start3A_35 : memref<1025x128xf32, #tpu.memory_space<vmem_shared>>) offsets(%dma_start3A_32 : memref<128xi32, #tpu.memory_space<vmem>>) semaphore(%run_scoped3A_30 : memref<!tpu.dma_semaphore, #tpu.memory_space<semaphore_mem>>) {add = true}
      %dma_wait3A = arith.constant 0 : i32
      %dma_wait3A_36 = tpu.memref_slice %arg7[%run_scoped3A_10, %dma_wait3A] : memref<25x128xi32, #tpu.memory_space<vmem>> -> memref<1x128xi32, #tpu.memory_space<vmem>>
      %dma_wait3A_37 = tpu.memref_squeeze %dma_wait3A_36 : memref<1x128xi32, #tpu.memory_space<vmem>> -> memref<128xi32, #tpu.memory_space<vmem>>
      %dma_wait3A_38 = arith.constant 0 : i32
      %dma_wait3A_39 = arith.constant 0 : i32
      %dma_wait3A_40 = tpu.memref_slice %arg8[%dma_wait3A_38, %dma_wait3A_39] : memref<1025x128xf32, #tpu.memory_space<vmem_shared>> -> memref<1025x128xf32, #tpu.memory_space<vmem_shared>>
      tpu.wait_indirect_dma semaphore(%run_scoped3A_30 : memref<!tpu.dma_semaphore, #tpu.memory_space<semaphore_mem>>) src(%arg6 : memref<128x128xf32, #tpu.memory_space<vmem>>) dst(%dma_wait3A_40 : memref<1025x128xf32, #tpu.memory_space<vmem_shared>>)
      tpu.yield
    }) : () -> ()
    %run_scoped3A_11 = arith.constant 7 : i32
    "tpu.region"() ({
      %run_scoped3A_30 = tpu.sem_alloc : memref<!tpu.dma_semaphore, #tpu.memory_space<semaphore_mem>>
      %dma_start3A = arith.constant 0 : i32
      %dma_start3A_31 = tpu.memref_slice %arg7[%run_scoped3A_11, %dma_start3A] : memref<25x128xi32, #tpu.memory_space<vmem>> -> memref<1x128xi32, #tpu.memory_space<vmem>>
      %dma_start3A_32 = tpu.memref_squeeze %dma_start3A_31 : memref<1x128xi32, #tpu.memory_space<vmem>> -> memref<128xi32, #tpu.memory_space<vmem>>
      %dma_start3A_33 = arith.constant 0 : i32
      %dma_start3A_34 = arith.constant 0 : i32
      %dma_start3A_35 = tpu.memref_slice %arg8[%dma_start3A_33, %dma_start3A_34] : memref<1025x128xf32, #tpu.memory_space<vmem_shared>> -> memref<1025x128xf32, #tpu.memory_space<vmem_shared>>
      tpu.enqueue_indirect_dma source(%arg6 : memref<128x128xf32, #tpu.memory_space<vmem>>) target(%dma_start3A_35 : memref<1025x128xf32, #tpu.memory_space<vmem_shared>>) offsets(%dma_start3A_32 : memref<128xi32, #tpu.memory_space<vmem>>) semaphore(%run_scoped3A_30 : memref<!tpu.dma_semaphore, #tpu.memory_space<semaphore_mem>>) {add = true}
      %dma_wait3A = arith.constant 0 : i32
      %dma_wait3A_36 = tpu.memref_slice %arg7[%run_scoped3A_11, %dma_wait3A] : memref<25x128xi32, #tpu.memory_space<vmem>> -> memref<1x128xi32, #tpu.memory_space<vmem>>
      %dma_wait3A_37 = tpu.memref_squeeze %dma_wait3A_36 : memref<1x128xi32, #tpu.memory_space<vmem>> -> memref<128xi32, #tpu.memory_space<vmem>>
      %dma_wait3A_38 = arith.constant 0 : i32
      %dma_wait3A_39 = arith.constant 0 : i32
      %dma_wait3A_40 = tpu.memref_slice %arg8[%dma_wait3A_38, %dma_wait3A_39] : memref<1025x128xf32, #tpu.memory_space<vmem_shared>> -> memref<1025x128xf32, #tpu.memory_space<vmem_shared>>
      tpu.wait_indirect_dma semaphore(%run_scoped3A_30 : memref<!tpu.dma_semaphore, #tpu.memory_space<semaphore_mem>>) src(%arg6 : memref<128x128xf32, #tpu.memory_space<vmem>>) dst(%dma_wait3A_40 : memref<1025x128xf32, #tpu.memory_space<vmem_shared>>)
      tpu.yield
    }) : () -> ()
    %run_scoped3A_12 = arith.constant 8 : i32
    "tpu.region"() ({
      %run_scoped3A_30 = tpu.sem_alloc : memref<!tpu.dma_semaphore, #tpu.memory_space<semaphore_mem>>
      %dma_start3A = arith.constant 0 : i32
      %dma_start3A_31 = tpu.memref_slice %arg7[%run_scoped3A_12, %dma_start3A] : memref<25x128xi32, #tpu.memory_space<vmem>> -> memref<1x128xi32, #tpu.memory_space<vmem>>
      %dma_start3A_32 = tpu.memref_squeeze %dma_start3A_31 : memref<1x128xi32, #tpu.memory_space<vmem>> -> memref<128xi32, #tpu.memory_space<vmem>>
      %dma_start3A_33 = arith.constant 0 : i32
      %dma_start3A_34 = arith.constant 0 : i32
      %dma_start3A_35 = tpu.memref_slice %arg8[%dma_start3A_33, %dma_start3A_34] : memref<1025x128xf32, #tpu.memory_space<vmem_shared>> -> memref<1025x128xf32, #tpu.memory_space<vmem_shared>>
      tpu.enqueue_indirect_dma source(%arg6 : memref<128x128xf32, #tpu.memory_space<vmem>>) target(%dma_start3A_35 : memref<1025x128xf32, #tpu.memory_space<vmem_shared>>) offsets(%dma_start3A_32 : memref<128xi32, #tpu.memory_space<vmem>>) semaphore(%run_scoped3A_30 : memref<!tpu.dma_semaphore, #tpu.memory_space<semaphore_mem>>) {add = true}
      %dma_wait3A = arith.constant 0 : i32
      %dma_wait3A_36 = tpu.memref_slice %arg7[%run_scoped3A_12, %dma_wait3A] : memref<25x128xi32, #tpu.memory_space<vmem>> -> memref<1x128xi32, #tpu.memory_space<vmem>>
      %dma_wait3A_37 = tpu.memref_squeeze %dma_wait3A_36 : memref<1x128xi32, #tpu.memory_space<vmem>> -> memref<128xi32, #tpu.memory_space<vmem>>
      %dma_wait3A_38 = arith.constant 0 : i32
      %dma_wait3A_39 = arith.constant 0 : i32
      %dma_wait3A_40 = tpu.memref_slice %arg8[%dma_wait3A_38, %dma_wait3A_39] : memref<1025x128xf32, #tpu.memory_space<vmem_shared>> -> memref<1025x128xf32, #tpu.memory_space<vmem_shared>>
      tpu.wait_indirect_dma semaphore(%run_scoped3A_30 : memref<!tpu.dma_semaphore, #tpu.memory_space<semaphore_mem>>) src(%arg6 : memref<128x128xf32, #tpu.memory_space<vmem>>) dst(%dma_wait3A_40 : memref<1025x128xf32, #tpu.memory_space<vmem_shared>>)
      tpu.yield
    }) : () -> ()
    %run_scoped3A_13 = arith.constant 9 : i32
    "tpu.region"() ({
      %run_scoped3A_30 = tpu.sem_alloc : memref<!tpu.dma_semaphore, #tpu.memory_space<semaphore_mem>>
      %dma_start3A = arith.constant 0 : i32
      %dma_start3A_31 = tpu.memref_slice %arg7[%run_scoped3A_13, %dma_start3A] : memref<25x128xi32, #tpu.memory_space<vmem>> -> memref<1x128xi32, #tpu.memory_space<vmem>>
      %dma_start3A_32 = tpu.memref_squeeze %dma_start3A_31 : memref<1x128xi32, #tpu.memory_space<vmem>> -> memref<128xi32, #tpu.memory_space<vmem>>
      %dma_start3A_33 = arith.constant 0 : i32
      %dma_start3A_34 = arith.constant 0 : i32
      %dma_start3A_35 = tpu.memref_slice %arg8[%dma_start3A_33, %dma_start3A_34] : memref<1025x128xf32, #tpu.memory_space<vmem_shared>> -> memref<1025x128xf32, #tpu.memory_space<vmem_shared>>
      tpu.enqueue_indirect_dma source(%arg6 : memref<128x128xf32, #tpu.memory_space<vmem>>) target(%dma_start3A_35 : memref<1025x128xf32, #tpu.memory_space<vmem_shared>>) offsets(%dma_start3A_32 : memref<128xi32, #tpu.memory_space<vmem>>) semaphore(%run_scoped3A_30 : memref<!tpu.dma_semaphore, #tpu.memory_space<semaphore_mem>>) {add = true}
      %dma_wait3A = arith.constant 0 : i32
      %dma_wait3A_36 = tpu.memref_slice %arg7[%run_scoped3A_13, %dma_wait3A] : memref<25x128xi32, #tpu.memory_space<vmem>> -> memref<1x128xi32, #tpu.memory_space<vmem>>
      %dma_wait3A_37 = tpu.memref_squeeze %dma_wait3A_36 : memref<1x128xi32, #tpu.memory_space<vmem>> -> memref<128xi32, #tpu.memory_space<vmem>>
      %dma_wait3A_38 = arith.constant 0 : i32
      %dma_wait3A_39 = arith.constant 0 : i32
      %dma_wait3A_40 = tpu.memref_slice %arg8[%dma_wait3A_38, %dma_wait3A_39] : memref<1025x128xf32, #tpu.memory_space<vmem_shared>> -> memref<1025x128xf32, #tpu.memory_space<vmem_shared>>
      tpu.wait_indirect_dma semaphore(%run_scoped3A_30 : memref<!tpu.dma_semaphore, #tpu.memory_space<semaphore_mem>>) src(%arg6 : memref<128x128xf32, #tpu.memory_space<vmem>>) dst(%dma_wait3A_40 : memref<1025x128xf32, #tpu.memory_space<vmem_shared>>)
      tpu.yield
    }) : () -> ()
    %run_scoped3A_14 = arith.constant 10 : i32
    "tpu.region"() ({
      %run_scoped3A_30 = tpu.sem_alloc : memref<!tpu.dma_semaphore, #tpu.memory_space<semaphore_mem>>
      %dma_start3A = arith.constant 0 : i32
      %dma_start3A_31 = tpu.memref_slice %arg7[%run_scoped3A_14, %dma_start3A] : memref<25x128xi32, #tpu.memory_space<vmem>> -> memref<1x128xi32, #tpu.memory_space<vmem>>
      %dma_start3A_32 = tpu.memref_squeeze %dma_start3A_31 : memref<1x128xi32, #tpu.memory_space<vmem>> -> memref<128xi32, #tpu.memory_space<vmem>>
      %dma_start3A_33 = arith.constant 0 : i32
      %dma_start3A_34 = arith.constant 0 : i32
      %dma_start3A_35 = tpu.memref_slice %arg8[%dma_start3A_33, %dma_start3A_34] : memref<1025x128xf32, #tpu.memory_space<vmem_shared>> -> memref<1025x128xf32, #tpu.memory_space<vmem_shared>>
      tpu.enqueue_indirect_dma source(%arg6 : memref<128x128xf32, #tpu.memory_space<vmem>>) target(%dma_start3A_35 : memref<1025x128xf32, #tpu.memory_space<vmem_shared>>) offsets(%dma_start3A_32 : memref<128xi32, #tpu.memory_space<vmem>>) semaphore(%run_scoped3A_30 : memref<!tpu.dma_semaphore, #tpu.memory_space<semaphore_mem>>) {add = true}
      %dma_wait3A = arith.constant 0 : i32
      %dma_wait3A_36 = tpu.memref_slice %arg7[%run_scoped3A_14, %dma_wait3A] : memref<25x128xi32, #tpu.memory_space<vmem>> -> memref<1x128xi32, #tpu.memory_space<vmem>>
      %dma_wait3A_37 = tpu.memref_squeeze %dma_wait3A_36 : memref<1x128xi32, #tpu.memory_space<vmem>> -> memref<128xi32, #tpu.memory_space<vmem>>
      %dma_wait3A_38 = arith.constant 0 : i32
      %dma_wait3A_39 = arith.constant 0 : i32
      %dma_wait3A_40 = tpu.memref_slice %arg8[%dma_wait3A_38, %dma_wait3A_39] : memref<1025x128xf32, #tpu.memory_space<vmem_shared>> -> memref<1025x128xf32, #tpu.memory_space<vmem_shared>>
      tpu.wait_indirect_dma semaphore(%run_scoped3A_30 : memref<!tpu.dma_semaphore, #tpu.memory_space<semaphore_mem>>) src(%arg6 : memref<128x128xf32, #tpu.memory_space<vmem>>) dst(%dma_wait3A_40 : memref<1025x128xf32, #tpu.memory_space<vmem_shared>>)
      tpu.yield
    }) : () -> ()
    %run_scoped3A_15 = arith.constant 11 : i32
    "tpu.region"() ({
      %run_scoped3A_30 = tpu.sem_alloc : memref<!tpu.dma_semaphore, #tpu.memory_space<semaphore_mem>>
      %dma_start3A = arith.constant 0 : i32
      %dma_start3A_31 = tpu.memref_slice %arg7[%run_scoped3A_15, %dma_start3A] : memref<25x128xi32, #tpu.memory_space<vmem>> -> memref<1x128xi32, #tpu.memory_space<vmem>>
      %dma_start3A_32 = tpu.memref_squeeze %dma_start3A_31 : memref<1x128xi32, #tpu.memory_space<vmem>> -> memref<128xi32, #tpu.memory_space<vmem>>
      %dma_start3A_33 = arith.constant 0 : i32
      %dma_start3A_34 = arith.constant 0 : i32
      %dma_start3A_35 = tpu.memref_slice %arg8[%dma_start3A_33, %dma_start3A_34] : memref<1025x128xf32, #tpu.memory_space<vmem_shared>> -> memref<1025x128xf32, #tpu.memory_space<vmem_shared>>
      tpu.enqueue_indirect_dma source(%arg6 : memref<128x128xf32, #tpu.memory_space<vmem>>) target(%dma_start3A_35 : memref<1025x128xf32, #tpu.memory_space<vmem_shared>>) offsets(%dma_start3A_32 : memref<128xi32, #tpu.memory_space<vmem>>) semaphore(%run_scoped3A_30 : memref<!tpu.dma_semaphore, #tpu.memory_space<semaphore_mem>>) {add = true}
      %dma_wait3A = arith.constant 0 : i32
      %dma_wait3A_36 = tpu.memref_slice %arg7[%run_scoped3A_15, %dma_wait3A] : memref<25x128xi32, #tpu.memory_space<vmem>> -> memref<1x128xi32, #tpu.memory_space<vmem>>
      %dma_wait3A_37 = tpu.memref_squeeze %dma_wait3A_36 : memref<1x128xi32, #tpu.memory_space<vmem>> -> memref<128xi32, #tpu.memory_space<vmem>>
      %dma_wait3A_38 = arith.constant 0 : i32
      %dma_wait3A_39 = arith.constant 0 : i32
      %dma_wait3A_40 = tpu.memref_slice %arg8[%dma_wait3A_38, %dma_wait3A_39] : memref<1025x128xf32, #tpu.memory_space<vmem_shared>> -> memref<1025x128xf32, #tpu.memory_space<vmem_shared>>
      tpu.wait_indirect_dma semaphore(%run_scoped3A_30 : memref<!tpu.dma_semaphore, #tpu.memory_space<semaphore_mem>>) src(%arg6 : memref<128x128xf32, #tpu.memory_space<vmem>>) dst(%dma_wait3A_40 : memref<1025x128xf32, #tpu.memory_space<vmem_shared>>)
      tpu.yield
    }) : () -> ()
    %run_scoped3A_16 = arith.constant 12 : i32
    "tpu.region"() ({
      %run_scoped3A_30 = tpu.sem_alloc : memref<!tpu.dma_semaphore, #tpu.memory_space<semaphore_mem>>
      %dma_start3A = arith.constant 0 : i32
      %dma_start3A_31 = tpu.memref_slice %arg7[%run_scoped3A_16, %dma_start3A] : memref<25x128xi32, #tpu.memory_space<vmem>> -> memref<1x128xi32, #tpu.memory_space<vmem>>
      %dma_start3A_32 = tpu.memref_squeeze %dma_start3A_31 : memref<1x128xi32, #tpu.memory_space<vmem>> -> memref<128xi32, #tpu.memory_space<vmem>>
      %dma_start3A_33 = arith.constant 0 : i32
      %dma_start3A_34 = arith.constant 0 : i32
      %dma_start3A_35 = tpu.memref_slice %arg8[%dma_start3A_33, %dma_start3A_34] : memref<1025x128xf32, #tpu.memory_space<vmem_shared>> -> memref<1025x128xf32, #tpu.memory_space<vmem_shared>>
      tpu.enqueue_indirect_dma source(%arg6 : memref<128x128xf32, #tpu.memory_space<vmem>>) target(%dma_start3A_35 : memref<1025x128xf32, #tpu.memory_space<vmem_shared>>) offsets(%dma_start3A_32 : memref<128xi32, #tpu.memory_space<vmem>>) semaphore(%run_scoped3A_30 : memref<!tpu.dma_semaphore, #tpu.memory_space<semaphore_mem>>) {add = true}
      %dma_wait3A = arith.constant 0 : i32
      %dma_wait3A_36 = tpu.memref_slice %arg7[%run_scoped3A_16, %dma_wait3A] : memref<25x128xi32, #tpu.memory_space<vmem>> -> memref<1x128xi32, #tpu.memory_space<vmem>>
      %dma_wait3A_37 = tpu.memref_squeeze %dma_wait3A_36 : memref<1x128xi32, #tpu.memory_space<vmem>> -> memref<128xi32, #tpu.memory_space<vmem>>
      %dma_wait3A_38 = arith.constant 0 : i32
      %dma_wait3A_39 = arith.constant 0 : i32
      %dma_wait3A_40 = tpu.memref_slice %arg8[%dma_wait3A_38, %dma_wait3A_39] : memref<1025x128xf32, #tpu.memory_space<vmem_shared>> -> memref<1025x128xf32, #tpu.memory_space<vmem_shared>>
      tpu.wait_indirect_dma semaphore(%run_scoped3A_30 : memref<!tpu.dma_semaphore, #tpu.memory_space<semaphore_mem>>) src(%arg6 : memref<128x128xf32, #tpu.memory_space<vmem>>) dst(%dma_wait3A_40 : memref<1025x128xf32, #tpu.memory_space<vmem_shared>>)
      tpu.yield
    }) : () -> ()
    %run_scoped3A_17 = arith.constant 13 : i32
    "tpu.region"() ({
      %run_scoped3A_30 = tpu.sem_alloc : memref<!tpu.dma_semaphore, #tpu.memory_space<semaphore_mem>>
      %dma_start3A = arith.constant 0 : i32
      %dma_start3A_31 = tpu.memref_slice %arg7[%run_scoped3A_17, %dma_start3A] : memref<25x128xi32, #tpu.memory_space<vmem>> -> memref<1x128xi32, #tpu.memory_space<vmem>>
      %dma_start3A_32 = tpu.memref_squeeze %dma_start3A_31 : memref<1x128xi32, #tpu.memory_space<vmem>> -> memref<128xi32, #tpu.memory_space<vmem>>
      %dma_start3A_33 = arith.constant 0 : i32
      %dma_start3A_34 = arith.constant 0 : i32
      %dma_start3A_35 = tpu.memref_slice %arg8[%dma_start3A_33, %dma_start3A_34] : memref<1025x128xf32, #tpu.memory_space<vmem_shared>> -> memref<1025x128xf32, #tpu.memory_space<vmem_shared>>
      tpu.enqueue_indirect_dma source(%arg6 : memref<128x128xf32, #tpu.memory_space<vmem>>) target(%dma_start3A_35 : memref<1025x128xf32, #tpu.memory_space<vmem_shared>>) offsets(%dma_start3A_32 : memref<128xi32, #tpu.memory_space<vmem>>) semaphore(%run_scoped3A_30 : memref<!tpu.dma_semaphore, #tpu.memory_space<semaphore_mem>>) {add = true}
      %dma_wait3A = arith.constant 0 : i32
      %dma_wait3A_36 = tpu.memref_slice %arg7[%run_scoped3A_17, %dma_wait3A] : memref<25x128xi32, #tpu.memory_space<vmem>> -> memref<1x128xi32, #tpu.memory_space<vmem>>
      %dma_wait3A_37 = tpu.memref_squeeze %dma_wait3A_36 : memref<1x128xi32, #tpu.memory_space<vmem>> -> memref<128xi32, #tpu.memory_space<vmem>>
      %dma_wait3A_38 = arith.constant 0 : i32
      %dma_wait3A_39 = arith.constant 0 : i32
      %dma_wait3A_40 = tpu.memref_slice %arg8[%dma_wait3A_38, %dma_wait3A_39] : memref<1025x128xf32, #tpu.memory_space<vmem_shared>> -> memref<1025x128xf32, #tpu.memory_space<vmem_shared>>
      tpu.wait_indirect_dma semaphore(%run_scoped3A_30 : memref<!tpu.dma_semaphore, #tpu.memory_space<semaphore_mem>>) src(%arg6 : memref<128x128xf32, #tpu.memory_space<vmem>>) dst(%dma_wait3A_40 : memref<1025x128xf32, #tpu.memory_space<vmem_shared>>)
      tpu.yield
    }) : () -> ()
    %run_scoped3A_18 = arith.constant 14 : i32
    "tpu.region"() ({
      %run_scoped3A_30 = tpu.sem_alloc : memref<!tpu.dma_semaphore, #tpu.memory_space<semaphore_mem>>
      %dma_start3A = arith.constant 0 : i32
      %dma_start3A_31 = tpu.memref_slice %arg7[%run_scoped3A_18, %dma_start3A] : memref<25x128xi32, #tpu.memory_space<vmem>> -> memref<1x128xi32, #tpu.memory_space<vmem>>
      %dma_start3A_32 = tpu.memref_squeeze %dma_start3A_31 : memref<1x128xi32, #tpu.memory_space<vmem>> -> memref<128xi32, #tpu.memory_space<vmem>>
      %dma_start3A_33 = arith.constant 0 : i32
      %dma_start3A_34 = arith.constant 0 : i32
      %dma_start3A_35 = tpu.memref_slice %arg8[%dma_start3A_33, %dma_start3A_34] : memref<1025x128xf32, #tpu.memory_space<vmem_shared>> -> memref<1025x128xf32, #tpu.memory_space<vmem_shared>>
      tpu.enqueue_indirect_dma source(%arg6 : memref<128x128xf32, #tpu.memory_space<vmem>>) target(%dma_start3A_35 : memref<1025x128xf32, #tpu.memory_space<vmem_shared>>) offsets(%dma_start3A_32 : memref<128xi32, #tpu.memory_space<vmem>>) semaphore(%run_scoped3A_30 : memref<!tpu.dma_semaphore, #tpu.memory_space<semaphore_mem>>) {add = true}
      %dma_wait3A = arith.constant 0 : i32
      %dma_wait3A_36 = tpu.memref_slice %arg7[%run_scoped3A_18, %dma_wait3A] : memref<25x128xi32, #tpu.memory_space<vmem>> -> memref<1x128xi32, #tpu.memory_space<vmem>>
      %dma_wait3A_37 = tpu.memref_squeeze %dma_wait3A_36 : memref<1x128xi32, #tpu.memory_space<vmem>> -> memref<128xi32, #tpu.memory_space<vmem>>
      %dma_wait3A_38 = arith.constant 0 : i32
      %dma_wait3A_39 = arith.constant 0 : i32
      %dma_wait3A_40 = tpu.memref_slice %arg8[%dma_wait3A_38, %dma_wait3A_39] : memref<1025x128xf32, #tpu.memory_space<vmem_shared>> -> memref<1025x128xf32, #tpu.memory_space<vmem_shared>>
      tpu.wait_indirect_dma semaphore(%run_scoped3A_30 : memref<!tpu.dma_semaphore, #tpu.memory_space<semaphore_mem>>) src(%arg6 : memref<128x128xf32, #tpu.memory_space<vmem>>) dst(%dma_wait3A_40 : memref<1025x128xf32, #tpu.memory_space<vmem_shared>>)
      tpu.yield
    }) : () -> ()
    %run_scoped3A_19 = arith.constant 15 : i32
    "tpu.region"() ({
      %run_scoped3A_30 = tpu.sem_alloc : memref<!tpu.dma_semaphore, #tpu.memory_space<semaphore_mem>>
      %dma_start3A = arith.constant 0 : i32
      %dma_start3A_31 = tpu.memref_slice %arg7[%run_scoped3A_19, %dma_start3A] : memref<25x128xi32, #tpu.memory_space<vmem>> -> memref<1x128xi32, #tpu.memory_space<vmem>>
      %dma_start3A_32 = tpu.memref_squeeze %dma_start3A_31 : memref<1x128xi32, #tpu.memory_space<vmem>> -> memref<128xi32, #tpu.memory_space<vmem>>
      %dma_start3A_33 = arith.constant 0 : i32
      %dma_start3A_34 = arith.constant 0 : i32
      %dma_start3A_35 = tpu.memref_slice %arg8[%dma_start3A_33, %dma_start3A_34] : memref<1025x128xf32, #tpu.memory_space<vmem_shared>> -> memref<1025x128xf32, #tpu.memory_space<vmem_shared>>
      tpu.enqueue_indirect_dma source(%arg6 : memref<128x128xf32, #tpu.memory_space<vmem>>) target(%dma_start3A_35 : memref<1025x128xf32, #tpu.memory_space<vmem_shared>>) offsets(%dma_start3A_32 : memref<128xi32, #tpu.memory_space<vmem>>) semaphore(%run_scoped3A_30 : memref<!tpu.dma_semaphore, #tpu.memory_space<semaphore_mem>>) {add = true}
      %dma_wait3A = arith.constant 0 : i32
      %dma_wait3A_36 = tpu.memref_slice %arg7[%run_scoped3A_19, %dma_wait3A] : memref<25x128xi32, #tpu.memory_space<vmem>> -> memref<1x128xi32, #tpu.memory_space<vmem>>
      %dma_wait3A_37 = tpu.memref_squeeze %dma_wait3A_36 : memref<1x128xi32, #tpu.memory_space<vmem>> -> memref<128xi32, #tpu.memory_space<vmem>>
      %dma_wait3A_38 = arith.constant 0 : i32
      %dma_wait3A_39 = arith.constant 0 : i32
      %dma_wait3A_40 = tpu.memref_slice %arg8[%dma_wait3A_38, %dma_wait3A_39] : memref<1025x128xf32, #tpu.memory_space<vmem_shared>> -> memref<1025x128xf32, #tpu.memory_space<vmem_shared>>
      tpu.wait_indirect_dma semaphore(%run_scoped3A_30 : memref<!tpu.dma_semaphore, #tpu.memory_space<semaphore_mem>>) src(%arg6 : memref<128x128xf32, #tpu.memory_space<vmem>>) dst(%dma_wait3A_40 : memref<1025x128xf32, #tpu.memory_space<vmem_shared>>)
      tpu.yield
    }) : () -> ()
    %run_scoped3A_20 = arith.constant 16 : i32
    "tpu.region"() ({
      %run_scoped3A_30 = tpu.sem_alloc : memref<!tpu.dma_semaphore, #tpu.memory_space<semaphore_mem>>
      %dma_start3A = arith.constant 0 : i32
      %dma_start3A_31 = tpu.memref_slice %arg7[%run_scoped3A_20, %dma_start3A] : memref<25x128xi32, #tpu.memory_space<vmem>> -> memref<1x128xi32, #tpu.memory_space<vmem>>
      %dma_start3A_32 = tpu.memref_squeeze %dma_start3A_31 : memref<1x128xi32, #tpu.memory_space<vmem>> -> memref<128xi32, #tpu.memory_space<vmem>>
      %dma_start3A_33 = arith.constant 0 : i32
      %dma_start3A_34 = arith.constant 0 : i32
      %dma_start3A_35 = tpu.memref_slice %arg8[%dma_start3A_33, %dma_start3A_34] : memref<1025x128xf32, #tpu.memory_space<vmem_shared>> -> memref<1025x128xf32, #tpu.memory_space<vmem_shared>>
      tpu.enqueue_indirect_dma source(%arg6 : memref<128x128xf32, #tpu.memory_space<vmem>>) target(%dma_start3A_35 : memref<1025x128xf32, #tpu.memory_space<vmem_shared>>) offsets(%dma_start3A_32 : memref<128xi32, #tpu.memory_space<vmem>>) semaphore(%run_scoped3A_30 : memref<!tpu.dma_semaphore, #tpu.memory_space<semaphore_mem>>) {add = true}
      %dma_wait3A = arith.constant 0 : i32
      %dma_wait3A_36 = tpu.memref_slice %arg7[%run_scoped3A_20, %dma_wait3A] : memref<25x128xi32, #tpu.memory_space<vmem>> -> memref<1x128xi32, #tpu.memory_space<vmem>>
      %dma_wait3A_37 = tpu.memref_squeeze %dma_wait3A_36 : memref<1x128xi32, #tpu.memory_space<vmem>> -> memref<128xi32, #tpu.memory_space<vmem>>
      %dma_wait3A_38 = arith.constant 0 : i32
      %dma_wait3A_39 = arith.constant 0 : i32
      %dma_wait3A_40 = tpu.memref_slice %arg8[%dma_wait3A_38, %dma_wait3A_39] : memref<1025x128xf32, #tpu.memory_space<vmem_shared>> -> memref<1025x128xf32, #tpu.memory_space<vmem_shared>>
      tpu.wait_indirect_dma semaphore(%run_scoped3A_30 : memref<!tpu.dma_semaphore, #tpu.memory_space<semaphore_mem>>) src(%arg6 : memref<128x128xf32, #tpu.memory_space<vmem>>) dst(%dma_wait3A_40 : memref<1025x128xf32, #tpu.memory_space<vmem_shared>>)
      tpu.yield
    }) : () -> ()
    %run_scoped3A_21 = arith.constant 17 : i32
    "tpu.region"() ({
      %run_scoped3A_30 = tpu.sem_alloc : memref<!tpu.dma_semaphore, #tpu.memory_space<semaphore_mem>>
      %dma_start3A = arith.constant 0 : i32
      %dma_start3A_31 = tpu.memref_slice %arg7[%run_scoped3A_21, %dma_start3A] : memref<25x128xi32, #tpu.memory_space<vmem>> -> memref<1x128xi32, #tpu.memory_space<vmem>>
      %dma_start3A_32 = tpu.memref_squeeze %dma_start3A_31 : memref<1x128xi32, #tpu.memory_space<vmem>> -> memref<128xi32, #tpu.memory_space<vmem>>
      %dma_start3A_33 = arith.constant 0 : i32
      %dma_start3A_34 = arith.constant 0 : i32
      %dma_start3A_35 = tpu.memref_slice %arg8[%dma_start3A_33, %dma_start3A_34] : memref<1025x128xf32, #tpu.memory_space<vmem_shared>> -> memref<1025x128xf32, #tpu.memory_space<vmem_shared>>
      tpu.enqueue_indirect_dma source(%arg6 : memref<128x128xf32, #tpu.memory_space<vmem>>) target(%dma_start3A_35 : memref<1025x128xf32, #tpu.memory_space<vmem_shared>>) offsets(%dma_start3A_32 : memref<128xi32, #tpu.memory_space<vmem>>) semaphore(%run_scoped3A_30 : memref<!tpu.dma_semaphore, #tpu.memory_space<semaphore_mem>>) {add = true}
      %dma_wait3A = arith.constant 0 : i32
      %dma_wait3A_36 = tpu.memref_slice %arg7[%run_scoped3A_21, %dma_wait3A] : memref<25x128xi32, #tpu.memory_space<vmem>> -> memref<1x128xi32, #tpu.memory_space<vmem>>
      %dma_wait3A_37 = tpu.memref_squeeze %dma_wait3A_36 : memref<1x128xi32, #tpu.memory_space<vmem>> -> memref<128xi32, #tpu.memory_space<vmem>>
      %dma_wait3A_38 = arith.constant 0 : i32
      %dma_wait3A_39 = arith.constant 0 : i32
      %dma_wait3A_40 = tpu.memref_slice %arg8[%dma_wait3A_38, %dma_wait3A_39] : memref<1025x128xf32, #tpu.memory_space<vmem_shared>> -> memref<1025x128xf32, #tpu.memory_space<vmem_shared>>
      tpu.wait_indirect_dma semaphore(%run_scoped3A_30 : memref<!tpu.dma_semaphore, #tpu.memory_space<semaphore_mem>>) src(%arg6 : memref<128x128xf32, #tpu.memory_space<vmem>>) dst(%dma_wait3A_40 : memref<1025x128xf32, #tpu.memory_space<vmem_shared>>)
      tpu.yield
    }) : () -> ()
    %run_scoped3A_22 = arith.constant 18 : i32
    "tpu.region"() ({
      %run_scoped3A_30 = tpu.sem_alloc : memref<!tpu.dma_semaphore, #tpu.memory_space<semaphore_mem>>
      %dma_start3A = arith.constant 0 : i32
      %dma_start3A_31 = tpu.memref_slice %arg7[%run_scoped3A_22, %dma_start3A] : memref<25x128xi32, #tpu.memory_space<vmem>> -> memref<1x128xi32, #tpu.memory_space<vmem>>
      %dma_start3A_32 = tpu.memref_squeeze %dma_start3A_31 : memref<1x128xi32, #tpu.memory_space<vmem>> -> memref<128xi32, #tpu.memory_space<vmem>>
      %dma_start3A_33 = arith.constant 0 : i32
      %dma_start3A_34 = arith.constant 0 : i32
      %dma_start3A_35 = tpu.memref_slice %arg8[%dma_start3A_33, %dma_start3A_34] : memref<1025x128xf32, #tpu.memory_space<vmem_shared>> -> memref<1025x128xf32, #tpu.memory_space<vmem_shared>>
      tpu.enqueue_indirect_dma source(%arg6 : memref<128x128xf32, #tpu.memory_space<vmem>>) target(%dma_start3A_35 : memref<1025x128xf32, #tpu.memory_space<vmem_shared>>) offsets(%dma_start3A_32 : memref<128xi32, #tpu.memory_space<vmem>>) semaphore(%run_scoped3A_30 : memref<!tpu.dma_semaphore, #tpu.memory_space<semaphore_mem>>) {add = true}
      %dma_wait3A = arith.constant 0 : i32
      %dma_wait3A_36 = tpu.memref_slice %arg7[%run_scoped3A_22, %dma_wait3A] : memref<25x128xi32, #tpu.memory_space<vmem>> -> memref<1x128xi32, #tpu.memory_space<vmem>>
      %dma_wait3A_37 = tpu.memref_squeeze %dma_wait3A_36 : memref<1x128xi32, #tpu.memory_space<vmem>> -> memref<128xi32, #tpu.memory_space<vmem>>
      %dma_wait3A_38 = arith.constant 0 : i32
      %dma_wait3A_39 = arith.constant 0 : i32
      %dma_wait3A_40 = tpu.memref_slice %arg8[%dma_wait3A_38, %dma_wait3A_39] : memref<1025x128xf32, #tpu.memory_space<vmem_shared>> -> memref<1025x128xf32, #tpu.memory_space<vmem_shared>>
      tpu.wait_indirect_dma semaphore(%run_scoped3A_30 : memref<!tpu.dma_semaphore, #tpu.memory_space<semaphore_mem>>) src(%arg6 : memref<128x128xf32, #tpu.memory_space<vmem>>) dst(%dma_wait3A_40 : memref<1025x128xf32, #tpu.memory_space<vmem_shared>>)
      tpu.yield
    }) : () -> ()
    %run_scoped3A_23 = arith.constant 19 : i32
    "tpu.region"() ({
      %run_scoped3A_30 = tpu.sem_alloc : memref<!tpu.dma_semaphore, #tpu.memory_space<semaphore_mem>>
      %dma_start3A = arith.constant 0 : i32
      %dma_start3A_31 = tpu.memref_slice %arg7[%run_scoped3A_23, %dma_start3A] : memref<25x128xi32, #tpu.memory_space<vmem>> -> memref<1x128xi32, #tpu.memory_space<vmem>>
      %dma_start3A_32 = tpu.memref_squeeze %dma_start3A_31 : memref<1x128xi32, #tpu.memory_space<vmem>> -> memref<128xi32, #tpu.memory_space<vmem>>
      %dma_start3A_33 = arith.constant 0 : i32
      %dma_start3A_34 = arith.constant 0 : i32
      %dma_start3A_35 = tpu.memref_slice %arg8[%dma_start3A_33, %dma_start3A_34] : memref<1025x128xf32, #tpu.memory_space<vmem_shared>> -> memref<1025x128xf32, #tpu.memory_space<vmem_shared>>
      tpu.enqueue_indirect_dma source(%arg6 : memref<128x128xf32, #tpu.memory_space<vmem>>) target(%dma_start3A_35 : memref<1025x128xf32, #tpu.memory_space<vmem_shared>>) offsets(%dma_start3A_32 : memref<128xi32, #tpu.memory_space<vmem>>) semaphore(%run_scoped3A_30 : memref<!tpu.dma_semaphore, #tpu.memory_space<semaphore_mem>>) {add = true}
      %dma_wait3A = arith.constant 0 : i32
      %dma_wait3A_36 = tpu.memref_slice %arg7[%run_scoped3A_23, %dma_wait3A] : memref<25x128xi32, #tpu.memory_space<vmem>> -> memref<1x128xi32, #tpu.memory_space<vmem>>
      %dma_wait3A_37 = tpu.memref_squeeze %dma_wait3A_36 : memref<1x128xi32, #tpu.memory_space<vmem>> -> memref<128xi32, #tpu.memory_space<vmem>>
      %dma_wait3A_38 = arith.constant 0 : i32
      %dma_wait3A_39 = arith.constant 0 : i32
      %dma_wait3A_40 = tpu.memref_slice %arg8[%dma_wait3A_38, %dma_wait3A_39] : memref<1025x128xf32, #tpu.memory_space<vmem_shared>> -> memref<1025x128xf32, #tpu.memory_space<vmem_shared>>
      tpu.wait_indirect_dma semaphore(%run_scoped3A_30 : memref<!tpu.dma_semaphore, #tpu.memory_space<semaphore_mem>>) src(%arg6 : memref<128x128xf32, #tpu.memory_space<vmem>>) dst(%dma_wait3A_40 : memref<1025x128xf32, #tpu.memory_space<vmem_shared>>)
      tpu.yield
    }) : () -> ()
    %run_scoped3A_24 = arith.constant 20 : i32
    "tpu.region"() ({
      %run_scoped3A_30 = tpu.sem_alloc : memref<!tpu.dma_semaphore, #tpu.memory_space<semaphore_mem>>
      %dma_start3A = arith.constant 0 : i32
      %dma_start3A_31 = tpu.memref_slice %arg7[%run_scoped3A_24, %dma_start3A] : memref<25x128xi32, #tpu.memory_space<vmem>> -> memref<1x128xi32, #tpu.memory_space<vmem>>
      %dma_start3A_32 = tpu.memref_squeeze %dma_start3A_31 : memref<1x128xi32, #tpu.memory_space<vmem>> -> memref<128xi32, #tpu.memory_space<vmem>>
      %dma_start3A_33 = arith.constant 0 : i32
      %dma_start3A_34 = arith.constant 0 : i32
      %dma_start3A_35 = tpu.memref_slice %arg8[%dma_start3A_33, %dma_start3A_34] : memref<1025x128xf32, #tpu.memory_space<vmem_shared>> -> memref<1025x128xf32, #tpu.memory_space<vmem_shared>>
      tpu.enqueue_indirect_dma source(%arg6 : memref<128x128xf32, #tpu.memory_space<vmem>>) target(%dma_start3A_35 : memref<1025x128xf32, #tpu.memory_space<vmem_shared>>) offsets(%dma_start3A_32 : memref<128xi32, #tpu.memory_space<vmem>>) semaphore(%run_scoped3A_30 : memref<!tpu.dma_semaphore, #tpu.memory_space<semaphore_mem>>) {add = true}
      %dma_wait3A = arith.constant 0 : i32
      %dma_wait3A_36 = tpu.memref_slice %arg7[%run_scoped3A_24, %dma_wait3A] : memref<25x128xi32, #tpu.memory_space<vmem>> -> memref<1x128xi32, #tpu.memory_space<vmem>>
      %dma_wait3A_37 = tpu.memref_squeeze %dma_wait3A_36 : memref<1x128xi32, #tpu.memory_space<vmem>> -> memref<128xi32, #tpu.memory_space<vmem>>
      %dma_wait3A_38 = arith.constant 0 : i32
      %dma_wait3A_39 = arith.constant 0 : i32
      %dma_wait3A_40 = tpu.memref_slice %arg8[%dma_wait3A_38, %dma_wait3A_39] : memref<1025x128xf32, #tpu.memory_space<vmem_shared>> -> memref<1025x128xf32, #tpu.memory_space<vmem_shared>>
      tpu.wait_indirect_dma semaphore(%run_scoped3A_30 : memref<!tpu.dma_semaphore, #tpu.memory_space<semaphore_mem>>) src(%arg6 : memref<128x128xf32, #tpu.memory_space<vmem>>) dst(%dma_wait3A_40 : memref<1025x128xf32, #tpu.memory_space<vmem_shared>>)
      tpu.yield
    }) : () -> ()
    %run_scoped3A_25 = arith.constant 21 : i32
    "tpu.region"() ({
      %run_scoped3A_30 = tpu.sem_alloc : memref<!tpu.dma_semaphore, #tpu.memory_space<semaphore_mem>>
      %dma_start3A = arith.constant 0 : i32
      %dma_start3A_31 = tpu.memref_slice %arg7[%run_scoped3A_25, %dma_start3A] : memref<25x128xi32, #tpu.memory_space<vmem>> -> memref<1x128xi32, #tpu.memory_space<vmem>>
      %dma_start3A_32 = tpu.memref_squeeze %dma_start3A_31 : memref<1x128xi32, #tpu.memory_space<vmem>> -> memref<128xi32, #tpu.memory_space<vmem>>
      %dma_start3A_33 = arith.constant 0 : i32
      %dma_start3A_34 = arith.constant 0 : i32
      %dma_start3A_35 = tpu.memref_slice %arg8[%dma_start3A_33, %dma_start3A_34] : memref<1025x128xf32, #tpu.memory_space<vmem_shared>> -> memref<1025x128xf32, #tpu.memory_space<vmem_shared>>
      tpu.enqueue_indirect_dma source(%arg6 : memref<128x128xf32, #tpu.memory_space<vmem>>) target(%dma_start3A_35 : memref<1025x128xf32, #tpu.memory_space<vmem_shared>>) offsets(%dma_start3A_32 : memref<128xi32, #tpu.memory_space<vmem>>) semaphore(%run_scoped3A_30 : memref<!tpu.dma_semaphore, #tpu.memory_space<semaphore_mem>>) {add = true}
      %dma_wait3A = arith.constant 0 : i32
      %dma_wait3A_36 = tpu.memref_slice %arg7[%run_scoped3A_25, %dma_wait3A] : memref<25x128xi32, #tpu.memory_space<vmem>> -> memref<1x128xi32, #tpu.memory_space<vmem>>
      %dma_wait3A_37 = tpu.memref_squeeze %dma_wait3A_36 : memref<1x128xi32, #tpu.memory_space<vmem>> -> memref<128xi32, #tpu.memory_space<vmem>>
      %dma_wait3A_38 = arith.constant 0 : i32
      %dma_wait3A_39 = arith.constant 0 : i32
      %dma_wait3A_40 = tpu.memref_slice %arg8[%dma_wait3A_38, %dma_wait3A_39] : memref<1025x128xf32, #tpu.memory_space<vmem_shared>> -> memref<1025x128xf32, #tpu.memory_space<vmem_shared>>
      tpu.wait_indirect_dma semaphore(%run_scoped3A_30 : memref<!tpu.dma_semaphore, #tpu.memory_space<semaphore_mem>>) src(%arg6 : memref<128x128xf32, #tpu.memory_space<vmem>>) dst(%dma_wait3A_40 : memref<1025x128xf32, #tpu.memory_space<vmem_shared>>)
      tpu.yield
    }) : () -> ()
    %run_scoped3A_26 = arith.constant 22 : i32
    "tpu.region"() ({
      %run_scoped3A_30 = tpu.sem_alloc : memref<!tpu.dma_semaphore, #tpu.memory_space<semaphore_mem>>
      %dma_start3A = arith.constant 0 : i32
      %dma_start3A_31 = tpu.memref_slice %arg7[%run_scoped3A_26, %dma_start3A] : memref<25x128xi32, #tpu.memory_space<vmem>> -> memref<1x128xi32, #tpu.memory_space<vmem>>
      %dma_start3A_32 = tpu.memref_squeeze %dma_start3A_31 : memref<1x128xi32, #tpu.memory_space<vmem>> -> memref<128xi32, #tpu.memory_space<vmem>>
      %dma_start3A_33 = arith.constant 0 : i32
      %dma_start3A_34 = arith.constant 0 : i32
      %dma_start3A_35 = tpu.memref_slice %arg8[%dma_start3A_33, %dma_start3A_34] : memref<1025x128xf32, #tpu.memory_space<vmem_shared>> -> memref<1025x128xf32, #tpu.memory_space<vmem_shared>>
      tpu.enqueue_indirect_dma source(%arg6 : memref<128x128xf32, #tpu.memory_space<vmem>>) target(%dma_start3A_35 : memref<1025x128xf32, #tpu.memory_space<vmem_shared>>) offsets(%dma_start3A_32 : memref<128xi32, #tpu.memory_space<vmem>>) semaphore(%run_scoped3A_30 : memref<!tpu.dma_semaphore, #tpu.memory_space<semaphore_mem>>) {add = true}
      %dma_wait3A = arith.constant 0 : i32
      %dma_wait3A_36 = tpu.memref_slice %arg7[%run_scoped3A_26, %dma_wait3A] : memref<25x128xi32, #tpu.memory_space<vmem>> -> memref<1x128xi32, #tpu.memory_space<vmem>>
      %dma_wait3A_37 = tpu.memref_squeeze %dma_wait3A_36 : memref<1x128xi32, #tpu.memory_space<vmem>> -> memref<128xi32, #tpu.memory_space<vmem>>
      %dma_wait3A_38 = arith.constant 0 : i32
      %dma_wait3A_39 = arith.constant 0 : i32
      %dma_wait3A_40 = tpu.memref_slice %arg8[%dma_wait3A_38, %dma_wait3A_39] : memref<1025x128xf32, #tpu.memory_space<vmem_shared>> -> memref<1025x128xf32, #tpu.memory_space<vmem_shared>>
      tpu.wait_indirect_dma semaphore(%run_scoped3A_30 : memref<!tpu.dma_semaphore, #tpu.memory_space<semaphore_mem>>) src(%arg6 : memref<128x128xf32, #tpu.memory_space<vmem>>) dst(%dma_wait3A_40 : memref<1025x128xf32, #tpu.memory_space<vmem_shared>>)
      tpu.yield
    }) : () -> ()
    %run_scoped3A_27 = arith.constant 23 : i32
    "tpu.region"() ({
      %run_scoped3A_30 = tpu.sem_alloc : memref<!tpu.dma_semaphore, #tpu.memory_space<semaphore_mem>>
      %dma_start3A = arith.constant 0 : i32
      %dma_start3A_31 = tpu.memref_slice %arg7[%run_scoped3A_27, %dma_start3A] : memref<25x128xi32, #tpu.memory_space<vmem>> -> memref<1x128xi32, #tpu.memory_space<vmem>>
      %dma_start3A_32 = tpu.memref_squeeze %dma_start3A_31 : memref<1x128xi32, #tpu.memory_space<vmem>> -> memref<128xi32, #tpu.memory_space<vmem>>
      %dma_start3A_33 = arith.constant 0 : i32
      %dma_start3A_34 = arith.constant 0 : i32
      %dma_start3A_35 = tpu.memref_slice %arg8[%dma_start3A_33, %dma_start3A_34] : memref<1025x128xf32, #tpu.memory_space<vmem_shared>> -> memref<1025x128xf32, #tpu.memory_space<vmem_shared>>
      tpu.enqueue_indirect_dma source(%arg6 : memref<128x128xf32, #tpu.memory_space<vmem>>) target(%dma_start3A_35 : memref<1025x128xf32, #tpu.memory_space<vmem_shared>>) offsets(%dma_start3A_32 : memref<128xi32, #tpu.memory_space<vmem>>) semaphore(%run_scoped3A_30 : memref<!tpu.dma_semaphore, #tpu.memory_space<semaphore_mem>>) {add = true}
      %dma_wait3A = arith.constant 0 : i32
      %dma_wait3A_36 = tpu.memref_slice %arg7[%run_scoped3A_27, %dma_wait3A] : memref<25x128xi32, #tpu.memory_space<vmem>> -> memref<1x128xi32, #tpu.memory_space<vmem>>
      %dma_wait3A_37 = tpu.memref_squeeze %dma_wait3A_36 : memref<1x128xi32, #tpu.memory_space<vmem>> -> memref<128xi32, #tpu.memory_space<vmem>>
      %dma_wait3A_38 = arith.constant 0 : i32
      %dma_wait3A_39 = arith.constant 0 : i32
      %dma_wait3A_40 = tpu.memref_slice %arg8[%dma_wait3A_38, %dma_wait3A_39] : memref<1025x128xf32, #tpu.memory_space<vmem_shared>> -> memref<1025x128xf32, #tpu.memory_space<vmem_shared>>
      tpu.wait_indirect_dma semaphore(%run_scoped3A_30 : memref<!tpu.dma_semaphore, #tpu.memory_space<semaphore_mem>>) src(%arg6 : memref<128x128xf32, #tpu.memory_space<vmem>>) dst(%dma_wait3A_40 : memref<1025x128xf32, #tpu.memory_space<vmem_shared>>)
      tpu.yield
    }) : () -> ()
    %run_scoped3A_28 = arith.constant 24 : i32
    "tpu.region"() ({
      %run_scoped3A_30 = tpu.sem_alloc : memref<!tpu.dma_semaphore, #tpu.memory_space<semaphore_mem>>
      %dma_start3A = arith.constant 0 : i32
      %dma_start3A_31 = tpu.memref_slice %arg7[%run_scoped3A_28, %dma_start3A] : memref<25x128xi32, #tpu.memory_space<vmem>> -> memref<1x128xi32, #tpu.memory_space<vmem>>
      %dma_start3A_32 = tpu.memref_squeeze %dma_start3A_31 : memref<1x128xi32, #tpu.memory_space<vmem>> -> memref<128xi32, #tpu.memory_space<vmem>>
      %dma_start3A_33 = arith.constant 0 : i32
      %dma_start3A_34 = arith.constant 0 : i32
      %dma_start3A_35 = tpu.memref_slice %arg8[%dma_start3A_33, %dma_start3A_34] : memref<1025x128xf32, #tpu.memory_space<vmem_shared>> -> memref<1025x128xf32, #tpu.memory_space<vmem_shared>>
      tpu.enqueue_indirect_dma source(%arg6 : memref<128x128xf32, #tpu.memory_space<vmem>>) target(%dma_start3A_35 : memref<1025x128xf32, #tpu.memory_space<vmem_shared>>) offsets(%dma_start3A_32 : memref<128xi32, #tpu.memory_space<vmem>>) semaphore(%run_scoped3A_30 : memref<!tpu.dma_semaphore, #tpu.memory_space<semaphore_mem>>) {add = true}
      %dma_wait3A = arith.constant 0 : i32
      %dma_wait3A_36 = tpu.memref_slice %arg7[%run_scoped3A_28, %dma_wait3A] : memref<25x128xi32, #tpu.memory_space<vmem>> -> memref<1x128xi32, #tpu.memory_space<vmem>>
      %dma_wait3A_37 = tpu.memref_squeeze %dma_wait3A_36 : memref<1x128xi32, #tpu.memory_space<vmem>> -> memref<128xi32, #tpu.memory_space<vmem>>
      %dma_wait3A_38 = arith.constant 0 : i32
      %dma_wait3A_39 = arith.constant 0 : i32
      %dma_wait3A_40 = tpu.memref_slice %arg8[%dma_wait3A_38, %dma_wait3A_39] : memref<1025x128xf32, #tpu.memory_space<vmem_shared>> -> memref<1025x128xf32, #tpu.memory_space<vmem_shared>>
      tpu.wait_indirect_dma semaphore(%run_scoped3A_30 : memref<!tpu.dma_semaphore, #tpu.memory_space<semaphore_mem>>) src(%arg6 : memref<128x128xf32, #tpu.memory_space<vmem>>) dst(%dma_wait3A_40 : memref<1025x128xf32, #tpu.memory_space<vmem_shared>>)
      tpu.yield
    }) : () -> ()
    %barrier3A_29 = arith.constant 0 : index
    tpu.barrier barrier_id(%barrier3A_29)
    "tpu.region"() ({
      %run_scoped3A_30 = tpu.sem_alloc : memref<!tpu.dma_semaphore, #tpu.memory_space<semaphore_mem>>
      %dma_start3A = arith.constant 0 : i32
      %dma_start3A_31 = tpu.memref_slice %arg5[%arg0, %mul3A_2, %dma_start3A] : memref<2x1024x128xf32, #tpu.memory_space<hbm>> -> memref<1x64x128xf32, #tpu.memory_space<hbm>>
      %dma_start3A_32 = tpu.memref_squeeze %dma_start3A_31 : memref<1x64x128xf32, #tpu.memory_space<hbm>> -> memref<64x128xf32, #tpu.memory_space<hbm>>
      %dma_start3A_33 = arith.constant 0 : i32
      %dma_start3A_34 = tpu.memref_slice %arg8[%mul3A_2, %dma_start3A_33] : memref<1025x128xf32, #tpu.memory_space<vmem_shared>> -> memref<64x128xf32, #tpu.memory_space<vmem_shared>>
      tpu.enqueue_dma source(%dma_start3A_34 : memref<64x128xf32, #tpu.memory_space<vmem_shared>>) target(%dma_start3A_32 : memref<64x128xf32, #tpu.memory_space<hbm>>) target_semaphore(%run_scoped3A_30 : memref<!tpu.dma_semaphore, #tpu.memory_space<semaphore_mem>>)
      %dma_wait3A = arith.constant 0 : i32
      %dma_wait3A_35 = tpu.memref_slice %arg5[%arg0, %mul3A_2, %dma_wait3A] : memref<2x1024x128xf32, #tpu.memory_space<hbm>> -> memref<1x64x128xf32, #tpu.memory_space<hbm>>
      %dma_wait3A_36 = tpu.memref_squeeze %dma_wait3A_35 : memref<1x64x128xf32, #tpu.memory_space<hbm>> -> memref<64x128xf32, #tpu.memory_space<hbm>>
      %dma_wait3A_37 = arith.constant 0 : i32
      %dma_wait3A_38 = tpu.memref_slice %arg8[%mul3A_2, %dma_wait3A_37] : memref<1025x128xf32, #tpu.memory_space<vmem_shared>> -> memref<64x128xf32, #tpu.memory_space<vmem_shared>>
      tpu.wait_dma2 semaphore(%run_scoped3A_30 : memref<!tpu.dma_semaphore, #tpu.memory_space<semaphore_mem>>) src(%dma_wait3A_38 : memref<64x128xf32, #tpu.memory_space<vmem_shared>>) dst(%dma_wait3A_36 : memref<64x128xf32, #tpu.memory_space<hbm>>)
      tpu.yield
    }) : () -> ()
    return
  }
}

module attributes {stable_mosaic.version = 14 : i64} {
  func.func @_vq_body(%arg0: i32, %arg1: memref<5000x64xf32, #tpu.memory_space<vmem>>, %arg2: memref<5000x1xf32, #tpu.memory_space<vmem>>, %arg3: memref<512x64xf32, #tpu.memory_space<vmem>>, %arg4: memref<5000x128xf32, #tpu.memory_space<vmem>>, %arg5: memref<1x1xf32, #tpu.memory_space<vmem>>) attributes {dimension_semantics = [#tpu.dimension_semantics<arbitrary>], iteration_bounds = array<i64: 20>, scalar_prefetch = 0 : i64, scratch_operands = 0 : i64, tpu.core_type = #tpu.core_type<tc>, window_params = [{transform_indices = @transform_0, window_bounds = array<i64: 5000, 64>}, {transform_indices = @transform_1, window_bounds = array<i64: 5000, 1>}, {pipeline_mode = #tpu.pipeline_mode<synchronous>, transform_indices = @transform_2, window_bounds = array<i64: 512, 64>}, {transform_indices = @transform_3, window_bounds = array<i64: 5000, 128>}, {pipeline_mode = #tpu.pipeline_mode<synchronous>, transform_indices = @transform_4, window_bounds = array<i64: 1, 1>}]} {
    %eq3A = arith.constant 0 : i32
    %eq3A_0 = arith.cmpi eq, %arg0, %eq3A : i32
    %convert_element_type3A = arith.extui %eq3A_0 : i1 to i32
    %cond3A = arith.constant 0 : i32
    %cond3A_1 = arith.cmpi ne, %convert_element_type3A, %cond3A : i32
    scf.if %cond3A_1 {
      %broadcast_in_dim3A_46 = arith.constant 0.000000e+00 : f32
      %broadcast_in_dim3A_47 = vector.broadcast %broadcast_in_dim3A_46 : f32 to vector<1x1xf32>
      %swap3A_48 = arith.constant 0 : index
      %swap3A_49 = arith.constant 0 : index
      %swap3A_50 = vector.load %arg5[%swap3A_48, %swap3A_49] : memref<1x1xf32, #tpu.memory_space<vmem>>, vector<1x1xf32>
      tpu.vector_store %arg5[%swap3A_48, %swap3A_49], %broadcast_in_dim3A_47 {strides = array<i32>} : memref<1x1xf32, #tpu.memory_space<vmem>>, vector<1x1xf32>,
    } else {
    }
    %get3A = arith.constant 0 : index
    %get3A_2 = arith.constant 0 : index
    %get3A_3 = vector.load %arg1[%get3A, %get3A_2] : memref<5000x64xf32, #tpu.memory_space<vmem>>, vector<5000x64xf32>
    %get3A_4 = arith.constant 0 : index
    %get3A_5 = arith.constant 0 : index
    %get3A_6 = vector.load %arg3[%get3A_4, %get3A_5] : memref<512x64xf32, #tpu.memory_space<vmem>>, vector<512x64xf32>
    %mul3A = arith.mulf %get3A_3, %get3A_3 : vector<5000x64xf32>
    %reduce_sum3A = arith.constant dense<0.000000e+00> : vector<5000xf32>
    %reduce_sum3A_7 = vector.multi_reduction <add>, %mul3A, %reduce_sum3A [1] : vector<5000x64xf32> to vector<5000xf32>
    %broadcast_in_dim3A = vector.shape_cast %reduce_sum3A_7 : vector<5000xf32> to vector<5000x1xf32>
    %mul3A_8 = arith.mulf %get3A_6, %get3A_6 : vector<512x64xf32>
    %reduce_sum3A_9 = arith.constant dense<0.000000e+00> : vector<512xf32>
    %reduce_sum3A_10 = vector.multi_reduction <add>, %mul3A_8, %reduce_sum3A_9 [1] : vector<512x64xf32> to vector<512xf32>
    %broadcast_in_dim3A_11 = vector.shape_cast %reduce_sum3A_10 : vector<512xf32> to vector<1x512xf32>
    %dot_general3A = arith.constant dense<0.000000e+00> : vector<5000x512xf32>
    %dot_general3A_12 = tpu.matmul %get3A_3, %get3A_6, %dot_general3A {dimension_numbers = #tpu.dot_dimension_numbers<[1], [1], [0], [0], [0, 0, 1, 0], [], []>, transpose_lhs_hint = false} : vector<5000x64xf32>, vector<512x64xf32>, vector<5000x512xf32> -> vector<5000x512xf32>
    %mul3A_13 = arith.constant 2.000000e+00 : f32
    %mul3A_14 = vector.broadcast %mul3A_13 : f32 to vector<5000x512xf32>
    %mul3A_15 = arith.mulf %mul3A_14, %dot_general3A_12 : vector<5000x512xf32>
    %sub3A = vector.broadcast %broadcast_in_dim3A : vector<5000x1xf32> to vector<5000x512xf32>
    %sub3A_16 = arith.subf %sub3A, %mul3A_15 : vector<5000x512xf32>
    %add3A = vector.broadcast %broadcast_in_dim3A_11 : vector<1x512xf32> to vector<5000x512xf32>
    %add3A_17 = arith.addf %sub3A_16, %add3A : vector<5000x512xf32>
    %reduce_min3A = arith.constant dense<0x7F800000> : vector<5000xf32>
    %reduce_min3A_18 = vector.multi_reduction <minimumf>, %add3A_17, %reduce_min3A [1] : vector<5000x512xf32> to vector<5000xf32>
    %broadcast_in_dim3A_19 = vector.shape_cast %reduce_min3A_18 : vector<5000xf32> to vector<5000x1xf32>
    %get3A_20 = arith.constant 0 : index
    %get3A_21 = arith.constant 0 : index
    %get3A_22 = vector.load %arg5[%get3A_20, %get3A_21] : memref<1x1xf32, #tpu.memory_space<vmem>>, vector<1x1xf32>
    %reduce_sum3A_23 = vector.shape_cast %broadcast_in_dim3A_19 : vector<5000x1xf32> to vector<1x5000x1xf32>
    %reduce_sum3A_24 = arith.constant dense<0.000000e+00> : vector<1xf32>
    %reduce_sum3A_25 = vector.multi_reduction <add>, %reduce_sum3A_23, %reduce_sum3A_24 [1, 2] : vector<1x5000x1xf32> to vector<1xf32>
    %reduce_sum3A_26 = vector.shape_cast %reduce_sum3A_25 : vector<1xf32> to vector<1x1x1xf32>
    %reduce_sum3A_27 = vector.extract %reduce_sum3A_26[0, 0, 0] : f32 from vector<1x1x1xf32>
    %reshape3A = vector.broadcast %reduce_sum3A_27 : f32 to vector<1x1xf32>
    %add3A_28 = arith.addf %get3A_22, %reshape3A : vector<1x1xf32>
    %swap3A = arith.constant 0 : index
    %swap3A_29 = arith.constant 0 : index
    %swap3A_30 = vector.load %arg5[%swap3A, %swap3A_29] : memref<1x1xf32, #tpu.memory_space<vmem>>, vector<1x1xf32>
    tpu.vector_store %arg5[%swap3A, %swap3A_29], %add3A_28 {strides = array<i32>} : memref<1x1xf32, #tpu.memory_space<vmem>>, vector<1x1xf32>,
    %eq3A_31 = vector.broadcast %broadcast_in_dim3A_19 : vector<5000x1xf32> to vector<5000x512xf32>
    %eq3A_32 = arith.cmpf oeq, %add3A_17, %eq3A_31 : vector<5000x512xf32>
    %convert_element_type3A_33 = arith.extui %eq3A_32 : vector<5000x512xi1> to vector<5000x512xi32>
    %convert_element_type3A_34 = arith.sitofp %convert_element_type3A_33 : vector<5000x512xi32> to vector<5000x512xf32>
    %dot_general3A_35 = arith.constant dense<0.000000e+00> : vector<5000x64xf32>
    %dot_general3A_36 = tpu.matmul %convert_element_type3A_34, %get3A_6, %dot_general3A_35 {dimension_numbers = #tpu.dot_dimension_numbers<[1], [0], [0], [1], [0, 0, 1, 1], [], []>, transpose_lhs_hint = false} : vector<5000x512xf32>, vector<512x64xf32>, vector<5000x64xf32> -> vector<5000x64xf32>
    %get3A_37 = arith.constant 0 : index
    %get3A_38 = arith.constant 0 : index
    %get3A_39 = vector.load %arg2[%get3A_37, %get3A_38] : memref<5000x1xf32, #tpu.memory_space<vmem>>, vector<5000x1xf32>
    %add3A_40 = arith.addf %get3A_3, %dot_general3A_36 : vector<5000x64xf32>
    %mul3A_41 = vector.broadcast %get3A_39 : vector<5000x1xf32> to vector<5000x64xf32>
    %mul3A_42 = arith.mulf %add3A_40, %mul3A_41 : vector<5000x64xf32>
    %concatenate3A = tpu.concatenate %mul3A_42, %add3A_40 in 1 : vector<5000x64xf32>, vector<5000x64xf32> -> vector<5000x128xf32>
    %swap3A_43 = arith.constant 0 : index
    %swap3A_44 = arith.constant 0 : index
    %swap3A_45 = vector.load %arg4[%swap3A_43, %swap3A_44] : memref<5000x128xf32, #tpu.memory_space<vmem>>, vector<5000x128xf32>
    tpu.vector_store %arg4[%swap3A_43, %swap3A_44], %concatenate3A {strides = array<i32>} : memref<5000x128xf32, #tpu.memory_space<vmem>>, vector<5000x128xf32>,
    return
  }
  func.func @transform_0(%arg0: i32) -> (i32, i32) {
    %c0_i32 = arith.constant 0 : i32
    %c0_i32_0 = arith.constant 0 : i32
    return %arg0, %c0_i32 : i32, i32
  }
  func.func @transform_1(%arg0: i32) -> (i32, i32) {
    %c0_i32 = arith.constant 0 : i32
    %c0_i32_0 = arith.constant 0 : i32
    return %arg0, %c0_i32 : i32, i32
  }
  func.func @transform_2(%arg0: i32) -> (i32, i32) {
    %c0_i32 = arith.constant 0 : i32
    %c0_i32_0 = arith.constant 0 : i32
    %c0_i32_1 = arith.constant 0 : i32
    return %c0_i32, %c0_i32_0 : i32, i32
  }
  func.func @transform_3(%arg0: i32) -> (i32, i32) {
    %c0_i32 = arith.constant 0 : i32
    %c0_i32_0 = arith.constant 0 : i32
    return %arg0, %c0_i32 : i32, i32
  }
  func.func @transform_4(%arg0: i32) -> (i32, i32) {
    %c0_i32 = arith.constant 0 : i32
    %c0_i32_0 = arith.constant 0 : i32
    %c0_i32_1 = arith.constant 0 : i32
    return %c0_i32, %c0_i32_0 : i32, i32
  }
}

module attributes {stable_mosaic.version = 14 : i64} {
  func.func @_classifier_body(%arg0: memref<2x1024x128xf32, #tpu.memory_space<vmem>>, %arg1: memref<2x1024x128xf32, #tpu.memory_space<vmem>>, %arg2: memref<1x1xf32, #tpu.memory_space<vmem>>, %arg3: memref<64x128xf32, #tpu.memory_space<vmem>>, %arg4: memref<1x128xf32, #tpu.memory_space<vmem>>, %arg5: memref<1x128xf32, #tpu.memory_space<vmem>>, %arg6: memref<1x128xf32, #tpu.memory_space<vmem>>, %arg7: memref<128x1xf32, #tpu.memory_space<vmem>>, %arg8: memref<1x1xf32, #tpu.memory_space<vmem>>, %arg9: memref<1024x1xf32, #tpu.memory_space<vmem>>, %arg10: memref<1024x64xf32, #tpu.memory_space<vmem>>, %arg11: memref<1024x64xf32, #tpu.memory_space<vmem>>, %arg12: memref<1x1xf32, #tpu.memory_space<vmem>>) attributes {dimension_semantics = [], scalar_prefetch = 0 : i64, scratch_operands = 0 : i64, tpu.core_type = #tpu.core_type<tc>} {
    %get3A = arith.constant 0 : index
    %get3A_0 = arith.constant 0 : index
    %get3A_1 = arith.constant 0 : index
    %get3A_2 = vector.load %arg0[%get3A, %get3A_0, %get3A_1] : memref<2x1024x128xf32, #tpu.memory_space<vmem>>, vector<1x1024x128xf32>
    %get3A_3 = vector.shape_cast %get3A_2 : vector<1x1024x128xf32> to vector<1024x128xf32>
    %get3A_4 = arith.constant 1 : index
    %get3A_5 = arith.constant 0 : index
    %get3A_6 = arith.constant 0 : index
    %get3A_7 = vector.load %arg0[%get3A_4, %get3A_5, %get3A_6] : memref<2x1024x128xf32, #tpu.memory_space<vmem>>, vector<1x1024x128xf32>
    %get3A_8 = vector.shape_cast %get3A_7 : vector<1x1024x128xf32> to vector<1024x128xf32>
    %add3A = arith.addf %get3A_3, %get3A_8 : vector<1024x128xf32>
    %get3A_9 = arith.constant 0 : index
    %get3A_10 = arith.constant 0 : index
    %get3A_11 = arith.constant 0 : index
    %get3A_12 = vector.load %arg1[%get3A_9, %get3A_10, %get3A_11] : memref<2x1024x128xf32, #tpu.memory_space<vmem>>, vector<1x1024x1xf32>
    %get3A_13 = vector.shape_cast %get3A_12 : vector<1x1024x1xf32> to vector<1024x1xf32>
    %get3A_14 = arith.constant 1 : index
    %get3A_15 = arith.constant 0 : index
    %get3A_16 = arith.constant 0 : index
    %get3A_17 = vector.load %arg1[%get3A_14, %get3A_15, %get3A_16] : memref<2x1024x128xf32, #tpu.memory_space<vmem>>, vector<1x1024x1xf32>
    %get3A_18 = vector.shape_cast %get3A_17 : vector<1x1024x1xf32> to vector<1024x1xf32>
    %add3A_19 = arith.addf %get3A_13, %get3A_18 : vector<1024x1xf32>
    %max3A = arith.constant 1.000000e+00 : f32
    %max3A_20 = vector.broadcast %max3A : f32 to vector<1024x1xf32>
    %max3A_21 = arith.maximumf %add3A_19, %max3A_20 : vector<1024x1xf32>
    %slice3A = vector.extract_strided_slice %add3A {offsets = [0, 0], sizes = [1024, 64], strides = [1, 1]} : vector<1024x128xf32> to vector<1024x64xf32>
    %div3A = vector.broadcast %max3A_21 : vector<1024x1xf32> to vector<1024x64xf32>
    %div3A_22 = arith.divf %slice3A, %div3A : vector<1024x64xf32>
    %slice3A_23 = vector.extract_strided_slice %add3A {offsets = [0, 64], sizes = [1024, 64], strides = [1, 1]} : vector<1024x128xf32> to vector<1024x64xf32>
    %div3A_24 = vector.broadcast %max3A_21 : vector<1024x1xf32> to vector<1024x64xf32>
    %div3A_25 = arith.divf %slice3A_23, %div3A_24 : vector<1024x64xf32>
    %sub3A = arith.subf %div3A_25, %div3A_22 : vector<1024x64xf32>
    %swap3A = arith.constant 0 : index
    %swap3A_26 = arith.constant 0 : index
    %swap3A_27 = vector.load %arg10[%swap3A, %swap3A_26] : memref<1024x64xf32, #tpu.memory_space<vmem>>, vector<1024x64xf32>
    tpu.vector_store %arg10[%swap3A, %swap3A_26], %div3A_22 {strides = array<i32>} : memref<1024x64xf32, #tpu.memory_space<vmem>>, vector<1024x64xf32>,
    %swap3A_28 = arith.constant 0 : index
    %swap3A_29 = arith.constant 0 : index
    %swap3A_30 = vector.load %arg11[%swap3A_28, %swap3A_29] : memref<1024x64xf32, #tpu.memory_space<vmem>>, vector<1024x64xf32>
    tpu.vector_store %arg11[%swap3A_28, %swap3A_29], %sub3A {strides = array<i32>} : memref<1024x64xf32, #tpu.memory_space<vmem>>, vector<1024x64xf32>,
    %get3A_31 = arith.constant 0 : index
    %get3A_32 = arith.constant 0 : index
    %get3A_33 = vector.load %arg3[%get3A_31, %get3A_32] : memref<64x128xf32, #tpu.memory_space<vmem>>, vector<64x128xf32>
    %dot_general3A = arith.constant dense<0.000000e+00> : vector<1024x128xf32>
    %dot_general3A_34 = tpu.matmul %div3A_22, %get3A_33, %dot_general3A {dimension_numbers = #tpu.dot_dimension_numbers<[1], [0], [0], [1], [0, 0, 1, 1], [], []>, transpose_lhs_hint = false} : vector<1024x64xf32>, vector<64x128xf32>, vector<1024x128xf32> -> vector<1024x128xf32>
    %get3A_35 = arith.constant 0 : index
    %get3A_36 = arith.constant 0 : index
    %get3A_37 = vector.load %arg4[%get3A_35, %get3A_36] : memref<1x128xf32, #tpu.memory_space<vmem>>, vector<1x128xf32>
    %add3A_38 = vector.broadcast %get3A_37 : vector<1x128xf32> to vector<1024x128xf32>
    %add3A_39 = arith.addf %dot_general3A_34, %add3A_38 : vector<1024x128xf32>
    %reduce_sum3A = arith.constant dense<0.000000e+00> : vector<128xf32>
    %reduce_sum3A_40 = vector.multi_reduction <add>, %add3A_39, %reduce_sum3A [0] : vector<1024x128xf32> to vector<128xf32>
    %broadcast_in_dim3A = vector.shape_cast %reduce_sum3A_40 : vector<128xf32> to vector<1x128xf32>
    %div3A_41 = arith.constant 1.024000e+03 : f32
    %div3A_42 = vector.broadcast %div3A_41 : f32 to vector<1x128xf32>
    %div3A_43 = arith.divf %broadcast_in_dim3A, %div3A_42 : vector<1x128xf32>
    %sub3A_44 = vector.broadcast %div3A_43 : vector<1x128xf32> to vector<1024x128xf32>
    %sub3A_45 = arith.subf %add3A_39, %sub3A_44 : vector<1024x128xf32>
    %integer_pow3A = arith.mulf %sub3A_45, %sub3A_45 : vector<1024x128xf32>
    %reduce_sum3A_46 = arith.constant dense<0.000000e+00> : vector<128xf32>
    %reduce_sum3A_47 = vector.multi_reduction <add>, %integer_pow3A, %reduce_sum3A_46 [0] : vector<1024x128xf32> to vector<128xf32>
    %broadcast_in_dim3A_48 = vector.shape_cast %reduce_sum3A_47 : vector<128xf32> to vector<1x128xf32>
    %div3A_49 = arith.constant 1.024000e+03 : f32
    %div3A_50 = vector.broadcast %div3A_49 : f32 to vector<1x128xf32>
    %div3A_51 = arith.divf %broadcast_in_dim3A_48, %div3A_50 : vector<1x128xf32>
    %sub3A_52 = vector.broadcast %div3A_43 : vector<1x128xf32> to vector<1024x128xf32>
    %sub3A_53 = arith.subf %add3A_39, %sub3A_52 : vector<1024x128xf32>
    %add3A_54 = arith.constant 9.99999974E-6 : f32
    %add3A_55 = vector.broadcast %add3A_54 : f32 to vector<1x128xf32>
    %add3A_56 = arith.addf %div3A_51, %add3A_55 : vector<1x128xf32>
    %sqrt3A = math.sqrt %add3A_56 : vector<1x128xf32>
    %div3A_57 = vector.broadcast %sqrt3A : vector<1x128xf32> to vector<1024x128xf32>
    %div3A_58 = arith.divf %sub3A_53, %div3A_57 : vector<1024x128xf32>
    %get3A_59 = arith.constant 0 : index
    %get3A_60 = arith.constant 0 : index
    %get3A_61 = vector.load %arg5[%get3A_59, %get3A_60] : memref<1x128xf32, #tpu.memory_space<vmem>>, vector<1x128xf32>
    %mul3A = vector.broadcast %get3A_61 : vector<1x128xf32> to vector<1024x128xf32>
    %mul3A_62 = arith.mulf %div3A_58, %mul3A : vector<1024x128xf32>
    %get3A_63 = arith.constant 0 : index
    %get3A_64 = arith.constant 0 : index
    %get3A_65 = vector.load %arg6[%get3A_63, %get3A_64] : memref<1x128xf32, #tpu.memory_space<vmem>>, vector<1x128xf32>
    %add3A_66 = vector.broadcast %get3A_65 : vector<1x128xf32> to vector<1024x128xf32>
    %add3A_67 = arith.addf %mul3A_62, %add3A_66 : vector<1024x128xf32>
    %max3A_68 = arith.constant 0.000000e+00 : f32
    %max3A_69 = vector.broadcast %max3A_68 : f32 to vector<1024x128xf32>
    %max3A_70 = arith.maximumf %add3A_67, %max3A_69 : vector<1024x128xf32>
    %get3A_71 = arith.constant 0 : index
    %get3A_72 = arith.constant 0 : index
    %get3A_73 = vector.load %arg7[%get3A_71, %get3A_72] : memref<128x1xf32, #tpu.memory_space<vmem>>, vector<128x1xf32>
    %dot_general3A_74 = arith.constant dense<0.000000e+00> : vector<1024x1xf32>
    %dot_general3A_75 = tpu.matmul %max3A_70, %get3A_73, %dot_general3A_74 {dimension_numbers = #tpu.dot_dimension_numbers<[1], [0], [0], [1], [0, 0, 1, 1], [], []>, transpose_lhs_hint = false} : vector<1024x128xf32>, vector<128x1xf32>, vector<1024x1xf32> -> vector<1024x1xf32>
    %get3A_76 = arith.constant 0 : index
    %get3A_77 = arith.constant 0 : index
    %get3A_78 = vector.load %arg8[%get3A_76, %get3A_77] : memref<1x1xf32, #tpu.memory_space<vmem>>, vector<1x1xf32>
    %add3A_79 = vector.broadcast %get3A_78 : vector<1x1xf32> to vector<1024x1xf32>
    %add3A_80 = arith.addf %dot_general3A_75, %add3A_79 : vector<1024x1xf32>
    %swap3A_81 = arith.constant 0 : index
    %swap3A_82 = arith.constant 0 : index
    %swap3A_83 = vector.load %arg9[%swap3A_81, %swap3A_82] : memref<1024x1xf32, #tpu.memory_space<vmem>>, vector<1024x1xf32>
    tpu.vector_store %arg9[%swap3A_81, %swap3A_82], %add3A_80 {strides = array<i32>} : memref<1024x1xf32, #tpu.memory_space<vmem>>, vector<1024x1xf32>,
    %get3A_84 = arith.constant 0 : index
    %get3A_85 = arith.constant 0 : index
    %get3A_86 = vector.load %arg2[%get3A_84, %get3A_85] : memref<1x1xf32, #tpu.memory_space<vmem>>, vector<1x1xf32>
    %mul3A_87 = arith.constant 3.906250e-08 : f32
    %mul3A_88 = vector.broadcast %mul3A_87 : f32 to vector<1x1xf32>
    %mul3A_89 = arith.mulf %get3A_86, %mul3A_88 : vector<1x1xf32>
    %swap3A_90 = arith.constant 0 : index
    %swap3A_91 = arith.constant 0 : index
    %swap3A_92 = vector.load %arg12[%swap3A_90, %swap3A_91] : memref<1x1xf32, #tpu.memory_space<vmem>>, vector<1x1xf32>
    tpu.vector_store %arg12[%swap3A_90, %swap3A_91], %mul3A_89 {strides = array<i32>} : memref<1x1xf32, #tpu.memory_space<vmem>>, vector<1x1xf32>,
    return
  }
}

</mosaic_0001>

<sc_bundles>
// kernel: kernel.6.cloned.1.call-start
scs
__scs_entry_jumppad:
0x0: {  	(pc) =	sbr.rel $0x88, $3  }
0x1: {  	(tag) =	ssettag $0x0;
	lr =	simm.s32 $0x1  }
0x2: {  	[smem:$0x3F97] =	sst lr;
	_ =	strace $0xD0000000  }
0x3: {  	_ = 	snop  }
0x4: {  	_ = 	snop  }
0x5: {  	_ = 	snop  }
0x6: {  	_ = 	snop  }
0x7: {  	_ = 	snop  }
__scs_overlays_trampoline_lowered:
0x8: {  	[smem:$0x3FA6] =	sst s0  }
0x9: {  	[smem:$0x3FA7] =	sst s1  }
0xa: {  	[smem:$0x3FA8] =	sst s2  }
0xb: {  	[smem:$0x3FA9] =	sst s3  }
0xc: {  	[smem:$0x3FAA] =	sst s4  }
0xd: {  	[smem:$0x3FAB] =	sst s5  }
0xe: {  	[smem:$0x3FAC] =	sst s6  }
0xf: {  	[smem:$0x3FAD] =	sst s7  }
0x10: {  	[smem:$0x3FAE] =	sst s8  }
0x11: {  	[smem:$0x3FAF] =	sst s9;
	s0 =	simm.s32 @!p0 $0x0  }
0x12: {  	s1 =	sld [smem:$0x3F95];
	s0 =	simm.s32 @p0 $0x1  }
0x13: {  	[smem:$0x3FB0] =	sst s0;
	s0 =	simm.s32 @!p1 $0x0  }
0x14: {  	s2 =	sld [smem:$0x3F94];
	s0 =	simm.s32 @p1 $0x1  }
0x15: {  	[smem:$0x3FB1] =	sst s0;
	s0 =	simm.s32 @!p2 $0x0  }
0x16: {  	s3 =	sld [smem:$0x3FDB];
	s0 =	simm.s32 @p2 $0x1  }
0x17: {  	s4 =	simm.s32 $0x1BF5;
	[smem:$0x3FB3] =	sst s0  }
0x18: {  	s0 =	sld [smem:$0x3F96];
	_ =	swait.ge [sflag:s4], $0x0  }
0x19: {  	s7 =	sld [smem:$0x3F97]  }
0x1a: {  	s8 =	sadd.s32 $0xFFFFE003, lr  }
0x1b: {  	s9 =	sadd.s32 $0xFFFFFEF7, lr;
	s5 =	simm.s32 $0xFFFFFFFF;
	p2 =	slt.u32 s8, $0xFFFFF086  }
0x1c: {  	p1 =	slt.u32 s9, $0xF7A;
	s5 =	simm.s32 @!p2 $0x0  }
0x1d: {  	s5 =	simm.s32 @p1 $0x1;
	p0 =	seq.s32 s7, s2  }
0x1e: {  	s7 =	smul.u32 @!p0 $0xF7A, s2;
	p2 =	seq.s32 @!p0 s5, $0x0  }
0x1f: {  	s9 =	smul.u32 $0xF7A, s1;
	s8 =	simm.s32 @!p0 $0x1BF5;
	p2 =	por !p2, p0  }
0x20: {  	[sflag:s8] =	ssyncset.s32 @!p0 $0xFFFFF086;
	s6 =	sadd.s32 @!p0 s3, s7;
	s7 =	simm.s32 @!p0 $0x108  }
0x21: {  	s3 =	sadd.s32 s3, s9;
	s6 =	sadd.s32 @!p0 $0x88, s6;
	s7 =	simm.s32 @p2 $0x1082  }
0x22: {  	[simem:s7], [sflag:s8] =	dma.local @!p0 [hbm:s6], $0xF7A  }
0x23: {  	s9 =	sor.u32 $0xD0000000, s2;
	s6 =	simm.s32 $0x108;
	_ =	swait.ge @!p0 [sflag:s8], $0x0  }
0x24: {  	s3 =	sadd.s32 $0x88, s3;
	s6 =	simm.s32 @!p1 $0x1082;
	[sflag:s4] =	ssyncset.s32 $0xFFFFF086  }
0x25: {  	[simem:s6], [sflag:s4] =	dma.local [hbm:s3], $0xF7A  }
0x26: {  	[smem:$0x3F97] =	sst s1;
	(tag) =	ssettag s2;
	_ =	strace s9  }
0x27: {  	s1 =	sld [smem:$0x3FA7]  }
0x28: {  	s2 =	sld [smem:$0x3FA8]  }
0x29: {  	s4 =	sld [smem:$0x3FAA]  }
0x2a: {  	p0 =	seq.s32 s5, $0x0;
	s5 =	sld [smem:$0x3FAB]  }
0x2b: {  	s6 =	sld [smem:$0x3FAC]  }
0x2c: {  	s7 =	sld [smem:$0x3FAD]  }
0x2d: {  	s3 =	simm.s32 $0x108;
	s8 =	sld [smem:$0x3FAE]  }
0x2e: {  	s3 =	simm.s32 @!p0 $0x1082;
	s9 =	sld [smem:$0x3FAF]  }
0x2f: {  	lr =	sadd.s32 s0, s3;
	s0 =	sld [smem:$0x3FA6]  }
0x30: {  	s3 =	sld [smem:$0x3FA9]  }
0x31: {  	[smem:$0x3FB2] =	sst s10  }
0x32: {  	s10 =	sld [smem:$0x3FB0];
	_ =	sdelay $0x3  }
0x33: {  	p0 =	seq.s32 s10, $0x1;
	s10 =	sld [smem:$0x3FB2];
	_ =	sdelay $0x3  }
0x34: {  	[smem:$0x3FB2] =	sst s10  }
0x35: {  	s10 =	sld [smem:$0x3FB1];
	_ =	sdelay $0x3  }
0x36: {  	p1 =	seq.s32 s10, $0x1;
	s10 =	sld [smem:$0x3FB2];
	_ =	sdelay $0x3  }
0x37: {  	[smem:$0x3FB2] =	sst s10  }
0x38: {  	s10 =	sld [smem:$0x3FB3]  }
0x39: {  	_ = 	snop;
	(pc) =	sbr.ind lr, $3  }
0x3a: {  	_ = 	snop  }
0x3b: {  	_ = 	snop  }
0x3c: {  	p2 =	seq.s32 s10, $0x1;
	s10 =	sld [smem:$0x3FB2]  }
0x3d: {  	_ =	shalt  }
0x3e: {  	_ =	shalt  }
0x3f: {  	_ =	shalt  }
0x40: {  	_ =	shalt  }
0x41: {  	_ =	shalt  }
0x42: {  	_ =	shalt  }
0x43: {  	_ =	shalt  }
0x44: {  	_ =	shalt  }
0x45: {  	_ =	shalt  }
0x46: {  	_ =	shalt  }
0x47: {  	_ =	shalt  }
0x48: {  	_ =	shalt  }
0x49: {  	_ =	shalt  }
0x4a: {  	_ =	shalt  }
0x4b: {  	_ =	shalt  }
0x4c: {  	_ =	shalt  }
0x4d: {  	_ =	shalt  }
0x4e: {  	_ =	shalt  }
0x4f: {  	_ =	shalt  }
0x50: {  	_ =	shalt  }
0x51: {  	_ =	shalt  }
0x52: {  	_ =	shalt  }
0x53: {  	_ =	shalt  }
0x54: {  	_ =	shalt  }
0x55: {  	_ =	shalt  }
0x56: {  	_ =	shalt  }
0x57: {  	_ =	shalt  }
0x58: {  	_ =	shalt  }
0x59: {  	_ =	shalt  }
0x5a: {  	_ =	shalt  }
0x5b: {  	_ =	shalt  }
0x5c: {  	_ =	shalt  }
0x5d: {  	_ =	shalt  }
0x5e: {  	_ =	shalt  }
0x5f: {  	_ =	shalt  }
0x60: {  	_ =	shalt  }
0x61: {  	_ =	shalt  }
0x62: {  	_ =	shalt  }
0x63: {  	_ =	shalt  }
0x64: {  	_ =	shalt  }
0x65: {  	_ =	shalt  }
0x66: {  	_ =	shalt  }
0x67: {  	_ =	shalt  }
0x68: {  	_ =	shalt  }
0x69: {  	_ =	shalt  }
0x6a: {  	_ =	shalt  }
0x6b: {  	_ =	shalt  }
0x6c: {  	_ =	shalt  }
0x6d: {  	_ =	shalt  }
0x6e: {  	_ =	shalt  }
0x6f: {  	_ =	shalt  }
0x70: {  	_ =	shalt  }
0x71: {  	_ =	shalt  }
0x72: {  	_ =	shalt  }
0x73: {  	_ =	shalt  }
0x74: {  	_ =	shalt  }
0x75: {  	_ =	shalt  }
0x76: {  	_ =	shalt  }
0x77: {  	_ =	shalt  }
0x78: {  	_ =	shalt  }
0x79: {  	_ =	shalt  }
0x7a: {  	_ =	shalt  }
0x7b: {  	_ =	shalt  }
0x7c: {  	_ =	shalt  }
0x7d: {  	_ =	shalt  }
0x7e: {  	_ =	shalt  }
0x7f: {  	_ =	shalt  }
0x80: {  	_ =	shalt  }
0x81: {  	_ =	shalt  }
0x82: {  	_ =	shalt  }
0x83: {  	_ =	shalt  }
0x84: {  	_ =	shalt  }
0x85: {  	_ =	shalt  }
0x86: {  	_ =	shalt  }
0x87: {  	_ =	shalt  }
.Lfunc_end0:
.L_simem_size_0:
called_computation_lowered:
.L_overlay_start_0:
0x88: {  	s2 =	sld [smem:$0x3FD9]  }
0x89: {  	s3 =	sld [smem:$0x3FFE];
	_ =	sdelay $0x1  }
0x8a: {  	s1 =	srdreg.scid  }
0x8b: {  	s0 =	sand.u32 $0x1, s1  }
0x8c: {  	s14 =	sshll.u32 s0, $0xA;
	s2 =	sadd.s32 s3, s2  }
0x8d: {  	s2 =	sadd.s32 s2, s14  }
0x8e: {  	[smem:$0x3FBE] =	sst s2  }
0x8f: {  	_ = 	snop  }
0x90: {  	s2 =	sld [smem:$0x3FD0];
	_ =	sdelay $0x2  }
0x91: {  	s15 =	simm.s32 $0xB;
	s4 =	simm.s32 $0x10  }
0x92: {  	[smem:s4], [sflag:s15] =	dma.local [hbm:s2], $0x1  }
0x93: {  	_ =	swait.eq [sflag:s15], $0x1  }
0x94: {  	[sflag:s15] =	ssyncset.done $0x0  }
0x95: {  	[sflag:s15] =	ssyncadd.s32 $0xFFFFFFFF  }
0x96: {  	s16 =	sld [smem:$0x11];
	(tm) =	ssettm $0x1  }
0x97: {  	s17 =	sld [smem:$0x3FFB];
	_ =	sdelay $0x3  }
0x98: {  	_ =	strace s17  }
0x99: {  	s3 =	sld [smem:$0x3FFC];
	_ =	sdelay $0x3  }
0x9a: {  	_ =	strace s3  }
0x9b: {  	s3 =	sld [smem:$0x3FFD];
	_ =	sdelay $0x3  }
0x9c: {  	_ =	strace s3  }
0x9d: {  	_ =	strace $0x8FFFFFFF  }
0x9e: {  	s18 =	sld [smem:$0x3FDB];
	_ =	sdelay $0x1  }
0x9f: {  	s19 =	simm.s32 $_scs_section_size  }
0xa0: {  	s5 =	simm.s32 $_size__tile_overlayer_lowered;
	s6 =	simm.s32 $_tile_overlayer_lowered  }
0xa1: {  	s22 =	simm.s32 $0x1BFF;
	s21 =	sshll.u32 s6, $0x1;
	s3 =	sadd.s32 s19, s18  }
0xa2: {  	s7 =	simm.s32 $0x0;
	s20 =	sshll.u32 s5, $0x1;
	s5 =	sadd.s32 s21, s3  }
0xa3: {  	[timem:s7], [sflag:s22] =	dma.local [hbm:s5], s20  }
0xa4: {  	_ =	swait.ge [sflag:s22], s20  }
0xa5: {  	s4 =	ssub.s32 $0x0, s20;
	[sflag:s22] =	ssyncset.done $0x0  }
0xa6: {  	[sflag:s22] =	ssyncadd.s32 s4;
	_ =	sdelay $0x1  }
0xa7: {  	s23 =	simm.s32 $0x1B8B  }
0xa8: {  	_ =	swait.ge [sflag:s23], $0x1  }
0xa9: {  	[sflag:s23] =	ssyncset.done $0x0  }
0xaa: {  	s25 =	simm.s32 $0x1B8E;
	s24 =	sld [smem:$0x3FFE];
	[sflag:s23] =	ssyncadd.s32 $0xFFFFFFFF  }
0xab: {  	s26 =	simm.s32 $execute0_lowered;
	[smem:$0x3FD2] =	sst s25  }
0xac: {  	s5 =	sshll.u32 s26, $0x1;
	_ =	strace $0x80000046;
	[dreg:$0x1] =	wrdreg $0xFFFFFFFF  }
0xad: {  	s28 =	simm.s32 $_size_execute0_lowered;
	s3 =	sadd.s32 s3, s5;
	[dreg:$0x0] =	wrdreg $0x0  }
0xae: {  	s5 =	sshll.u32 s28, $0x1;
	[dreg:$0x2] =	wrdreg s3  }
0xaf: {  	[dreg:$0x3] =	wrdreg s5  }
0xb0: {  	[dreg:$0x4] =	wrdreg $0xC0  }
0xb1: {  	_ =	task [dreg:s7], $0x5FFFF  }
0xb2: {  	[dreg:$0x1] =	wrdreg $0xFFFFFFFF  }
0xb3: {  	[dreg:$0x0] =	wrdreg $0x60  }
0xb4: {  	[dreg:$0x2] =	wrdreg s24  }
0xb5: {  	[dreg:$0x3] =	wrdreg s16  }
0xb6: {  	[dreg:$0x4] =	wrdreg $0x50000  }
0xb7: {  	[dreg:$0x5] =	wrdreg $0x9  }
0xb8: {  	_ =	task.clear_ibuf [dreg:s7], $0x6FFFF;
	_ =	strace $0x90000046  }
0xb9: {  	s29 =	simm.s32 $0x9;
	_ =	strace $0x80000048  }
0xba: {  	_ =	swait.ge [sflag:s29], $0x1  }
0xbb: {  	[sflag:s29] =	ssyncadd.s32 $0xFFFFFFFF  }
0xbc: {  	_ =	strace $0x90000048  }
0xbd: {  	_ =	sfence  }
0xbe: {  	s30 =	sld [smem:$0x0];
	_ =	sdelay $0x2  }
0xbf: {  	s31 =	sshll.u32 s1, $0xD;
	s1 =	sshrl.u32 s1, $0x2  }
0xc0: {  	s3 =	sand.u32 $0x4000, s31;
	s1 =	sadd.s32 s1, s30  }
0xc1: {  	s0 =	sor.u32 s3, s0;
	s1 =	sshll.u32 s1, $0x11  }
0xc2: {  	s0 =	sor.u32 s1, s0  }
0xc3: {  	s0 =	sadd.s32 $0x8F2B, s0  }
0xc4: {  	[sflag:s0] =	ssyncadd.remote.s32 $0x1  }
0xc5: {  	_ =	sfence.sel $0xFFFF  }
0xc6: {  	[dreg:$0x0] =	wrdreg $0xFFFFFFFF;
	(pc) =	sbr.abs _section_cstart, $3  }
0xc7: {  	[dreg:$0x1] =	wrdreg $0xFFFFFFFF  }
0xc8: {  	_ =	task.clear_ibuf [dreg:s7], $0x2FFFF;
	_ =	strace $0x9FFFFFFF  }
0xc9: {  	(tm) =	ssettm $0x7FFFFFFF  }
tec
execute0_lowered:
.L_overlay_start_1:
0x0: {  	(tag) =	ssettag $0x1  }
0x1: {  	s1 =	rddreg [dreg:$0x0]  }
0x2: {  	s22 =	rddreg [dreg:$0x1]  }
0x3: {  	s2 =	rddreg [dreg:$0x2];
	s0 =	srdreg.scid  }
0x4: {  	s30 =	rddreg [dreg:$0x3];
	s3 =	simm.s32 $0x0;
	s0 =	sand.u32 $0x1, s0  }
0x5: {  	s31 =	stileid.u32;
	[smem:$0x7FF] =	sst s3;
	s4 =	sshll.u32 s0, $0x4  }
0x6: {  	s5 =	sadd.s32 $0x313400, s1;
	s7 =	sshll.u32 s31, $0xD;
	s4 =	sor.u32 s31, s4  }
0x7: {  	_ =	strace $0x80000047;
	s6 =	sshll.u32 s4, $0x9;
	s8 =	smul.u32 $0x64000, s4  }
0x8: {  	s7 =	sadd.s32 s7, s2;
	s4 =	smul.u32 $0xC800, s4;
	s6 =	sadd.s32 s6, s1  }
0x9: {  	[dreg:$0x4] =	wrdreg s7;
	s6 =	sadd.s32 $0x30F400, s6;
	s12 =	sshrl.u32 s8, $0x3  }
0xa: {  	s4 =	sadd.s32 s5, s4;
	[dreg:$0x5] =	wrdreg s6;
	s5 =	sadd.s32 s5, s12  }
0xb: {  	[dreg:$0x6] =	wrdreg s4;
	s13 =	sadd.s32 $0x800, s5  }
0xc: {  	s14 =	sadd.s32 $0x1000, s5;
	[dreg:$0x7] =	wrdreg s13  }
0xd: {  	s15 =	sadd.s32 $0x1800, s5;
	[dreg:$0x8] =	wrdreg s14  }
0xe: {  	s16 =	sadd.s32 $0x2000, s5;
	[dreg:$0x9] =	wrdreg s15  }
0xf: {  	s17 =	sadd.s32 $0x2800, s5;
	[dreg:$0xa] =	wrdreg s16  }
0x10: {  	s18 =	sadd.s32 $0x3000, s5;
	[dreg:$0xb] =	wrdreg s17  }
0x11: {  	s19 =	sadd.s32 $0x3800, s5;
	[dreg:$0xc] =	wrdreg s18  }
0x12: {  	s20 =	sadd.s32 $0x4000, s5;
	[dreg:$0xd] =	wrdreg s19  }
0x13: {  	s21 =	sadd.s32 $0x4800, s5;
	[dreg:$0xe] =	wrdreg s20  }
0x14: {  	s23 =	sadd.s32 $0x5000, s5;
	[dreg:$0xf] =	wrdreg s21  }
0x15: {  	s24 =	sadd.s32 $0x5800, s5;
	[dreg:$0x10] =	wrdreg s23  }
0x16: {  	s25 =	sadd.s32 $0x6000, s5;
	[dreg:$0x11] =	wrdreg s24  }
0x17: {  	s26 =	sadd.s32 $0x6800, s5;
	[dreg:$0x12] =	wrdreg s25  }
0x18: {  	s29 =	simm.s32 $0x4000;
	s6 =	sadd.s32 $0x7000, s5;
	[dreg:$0x13] =	wrdreg s26  }
0x19: {  	s28 =	simm.s32 $0x4280;
	s7 =	sadd.s32 $0x7800, s5;
	[dreg:$0x14] =	wrdreg s6  }
0x1a: {  	p1 =	por $0x0, $0x0;
	s8 =	sadd.s32 $0x8000, s5;
	[dreg:$0x15] =	wrdreg s7  }
0x1b: {  	s10 =	sshll.u32 s31, $0xA;
	s9 =	sadd.s32 $0x8800, s5;
	[dreg:$0x16] =	wrdreg s8  }
0x1c: {  	p0 =	sne.s32 s31, $0xF;
	s11 =	sadd.s32 $0x9000, s5;
	[dreg:$0x17] =	wrdreg s9  }
0x1d: {  	s1 =	sadd.s32 s10, s1;
	s12 =	sadd.s32 $0x9800, s5;
	[dreg:$0x18] =	wrdreg s11  }
0x1e: {  	s10 =	simm.s32 $0x4A80;
	s13 =	ssub.s32 $0x2, s0;
	[dreg:$0x19] =	wrdreg s12  }
0x1f: {  	s14 =	sadd.s32 $0xA000, s5;
	s16 =	sadd.s32 $0xA800, s5;
	s8 =	sadd.s32 $0x20000, s2  }
0x20: {  	s17 =	sadd.s32 $0xB000, s5;
	s18 =	sadd.s32 $0xB800, s5;
	s0 =	sshll.u32 s0, $0xE  }
0x21: {  	s19 =	sadd.s32 $0xC000, s5;
	s21 =	sshll.u32 s31, $0x6;
	[dreg:$0x1a] =	wrdreg s14  }
0x22: {  	s23 =	simm.s32 $0x4080;
	s24 =	simm.s32 $0x4100;
	[dreg:$0x1b] =	wrdreg s16  }
0x23: {  	s25 =	simm.s32 $0x4180;
	s5 =	simm.s32 $0x1;
	[dreg:$0x1c] =	wrdreg s17  }
0x24: {  	s26 =	simm.s32 $0x4200;
	s6 =	simm.s32 $0x80;
	[dreg:$0x1d] =	wrdreg s18  }
0x25: {  	s12 =	simm.s32 $0x4980;
	s11 =	simm.s32 $0x4A00;
	[dreg:$0x1e] =	wrdreg s19  }
0x26: {  	s9 =	simm.s32 $0x4B00;
	s7 =	simm.s32 $0x4C00;
	[smem:$0x7FA] =	sst s23  }
0x27: {  	s15 =	sshrl.u32 s13, $0x1;
	s0 =	sadd.s32 s0, s1;
	[smem:$0x7FB] =	sst s24  }
0x28: {  	[smem:$0x7FC] =	sst s25;
	s0 =	sadd.s32 $0x2000, s0;
	s20 =	ssub.s32 s13, s15  }
0x29: {  	[dreg:$0x1f] =	wrdreg s0;
	s0 =	sshrl.u32 @!p0 s8, $0x3;
	s1 =	smax.u32 s20, $0x1  }
0x2a: {  	s4 =	sor.u32 $0x1C01, s21;
	[smem:$0x7F9] =	sst s0;
	s0 =	sadd.s32 $0xFFFFFFFF, s1  }
0x2b: {  	[smem:$0x7FD] =	sst s26;
	s26 =	simm.s32 $0x4300;
	p2 =	sne.s32 s0, $0x0  }
.Ltmp0:
0x2c: {  	s25 =	simm.s32 $0x4380;
	s24 =	simm.s32 $0x4400;
	(pc) =	sbr.rel @!p2 .LBB2_5-.Ltmp0, $4  }
0x2d: {  	s23 =	simm.s32 $0x4480;
	s21 =	simm.s32 $0x4500;
	s19 =	simm.s32 $0x4600  }
0x2e: {  	s18 =	simm.s32 $0x4680;
	s17 =	simm.s32 $0x4700;
	s16 =	simm.s32 $0x4780  }
0x2f: {  	s14 =	simm.s32 $0x4880;
	s15 =	simm.s32 $0x4800;
	s13 =	simm.s32 $0x4900  }
0x30: {  	s20 =	simm.s32 $0x4580;
	s8 =	simm.s32 $0x4B80;
	s1 =	rddreg [dreg:$0x4]  }
0x31: {  	s31 =	sshrl.u32 s1, $0x3  }
0x32: {  	[spmem:s31], [sflag:s4] =	dma.local [hbm:s22], $0x400  }
0x33: {  	_ =	swait.ge [sflag:s5], $0x400  }
0x34: {  	s1 =	sld [smem:$0x7F9]  }
0x35: {  	[sflag:s5] =	ssyncset.done $0x0  }
0x36: {  	s30 =	simm.s32 @!p0 $0x1;
	[sflag:s5] =	ssyncadd.s32 $0xFFFFFC00  }
0x37: {  	[spmem:s1], [sflag:s4] =	dma.local @!p0 [hbm:s22], $0x10  }
0x38: {  	_ =	swait.ge @!p0 [sflag:s30], $0x10  }
0x39: {  	[sflag:s30] =	ssyncset.done @!p0 $0x0  }
0x3a: {  	s1 =	rddreg [dreg:$0x5];
	[sflag:s30] =	ssyncadd.s32 @!p0 $0xFFFFFFF0  }
0x3b: {  	[tilespmem:s29], [sflag:$0x1] =	stream.linear.gather [hbm4b:s1+s3], $0xC80, $0x38;
	[tilespmem:$0x7008] =	vst v63  }
0x3c: {  	_ =	swait.ge [sflag:s5], $0xC80  }
0x3d: {  	[sflag:s5] =	ssyncset.done $0x0  }
0x3e: {  	[sflag:s5] =	ssyncadd.s32 $0xFFFFF380  }
0x3f: {  	[bflag:$0x0] =	sbarrier.arrive $0xFFFF  }
0x40: {  	s1 =	rddreg [dreg:$0x6]  }
0x41: {  	[tilespmem:s3], [sflag:$0x1] =	stream.linear.gather [hbm4b:s1+s3], $0x4000, $0x38;
	[tilespmem:$0x7008] =	vst v63  }
0x42: {  	_ =	swait.ge [sflag:s5], $0x4000  }
0x43: {  	[sflag:s5] =	ssyncset.done $0x0  }
0x44: {  	[sflag:s5] =	ssyncadd.s32 $0xFFFFC000  }
0x45: {  	[spmem:s2] =	stream.indirect.scatter.add.f32 [tilespmem:s3], [sflag:$0x1], $0x80, s29, s6, $0xb8;
	[tilespmem:$0x7008] =	vst v63  }
0x46: {  	_ =	swait.ge [sflag:s5], $0x4000  }
0x47: {  	[sflag:s5] =	ssyncset.done $0x0  }
0x48: {  	s1 =	rddreg [dreg:$0x7];
	[sflag:s5] =	ssyncadd.s32 $0xFFFFC000  }
0x49: {  	[tilespmem:s3], [sflag:$0x1] =	stream.linear.gather [hbm4b:s1+s3], $0x4000, $0x38;
	[tilespmem:$0x7008] =	vst v63  }
0x4a: {  	_ =	swait.ge [sflag:s5], $0x4000  }
0x4b: {  	s1 =	sld [smem:$0x7FA]  }
0x4c: {  	[sflag:s5] =	ssyncset.done $0x0  }
0x4d: {  	[sflag:s5] =	ssyncadd.s32 $0xFFFFC000  }
0x4e: {  	[spmem:s2] =	stream.indirect.scatter.add.f32 [tilespmem:s3], [sflag:$0x1], $0x80, s1, s6, $0xb8;
	[tilespmem:$0x7008] =	vst v63  }
0x4f: {  	_ =	swait.ge [sflag:s5], $0x4000  }
0x50: {  	[sflag:s5] =	ssyncset.done $0x0  }
0x51: {  	s1 =	rddreg [dreg:$0x8];
	[sflag:s5] =	ssyncadd.s32 $0xFFFFC000  }
0x52: {  	[tilespmem:s3], [sflag:$0x1] =	stream.linear.gather [hbm4b:s1+s3], $0x4000, $0x38;
	[tilespmem:$0x7008] =	vst v63  }
0x53: {  	_ =	swait.ge [sflag:s5], $0x4000  }
0x54: {  	s1 =	sld [smem:$0x7FB]  }
0x55: {  	[sflag:s5] =	ssyncset.done $0x0  }
0x56: {  	[sflag:s5] =	ssyncadd.s32 $0xFFFFC000  }
0x57: {  	[spmem:s2] =	stream.indirect.scatter.add.f32 [tilespmem:s3], [sflag:$0x1], $0x80, s1, s6, $0xb8;
	[tilespmem:$0x7008] =	vst v63  }
0x58: {  	_ =	swait.ge [sflag:s5], $0x4000  }
0x59: {  	[sflag:s5] =	ssyncset.done $0x0  }
0x5a: {  	s1 =	rddreg [dreg:$0x9];
	[sflag:s5] =	ssyncadd.s32 $0xFFFFC000  }
0x5b: {  	[tilespmem:s3], [sflag:$0x1] =	stream.linear.gather [hbm4b:s1+s3], $0x4000, $0x38;
	[tilespmem:$0x7008] =	vst v63  }
0x5c: {  	_ =	swait.ge [sflag:s5], $0x4000  }
0x5d: {  	s1 =	sld [smem:$0x7FC]  }
0x5e: {  	[sflag:s5] =	ssyncset.done $0x0  }
0x5f: {  	[sflag:s5] =	ssyncadd.s32 $0xFFFFC000  }
0x60: {  	[spmem:s2] =	stream.indirect.scatter.add.f32 [tilespmem:s3], [sflag:$0x1], $0x80, s1, s6, $0xb8;
	[tilespmem:$0x7008] =	vst v63  }
0x61: {  	_ =	swait.ge [sflag:s5], $0x4000  }
0x62: {  	[sflag:s5] =	ssyncset.done $0x0  }
0x63: {  	s1 =	rddreg [dreg:$0xa];
	[sflag:s5] =	ssyncadd.s32 $0xFFFFC000  }
0x64: {  	[tilespmem:s3], [sflag:$0x1] =	stream.linear.gather [hbm4b:s1+s3], $0x4000, $0x38;
	[tilespmem:$0x7008] =	vst v63  }
0x65: {  	_ =	swait.ge [sflag:s5], $0x4000  }
0x66: {  	s1 =	sld [smem:$0x7FD]  }
0x67: {  	[sflag:s5] =	ssyncset.done $0x0  }
0x68: {  	[sflag:s5] =	ssyncadd.s32 $0xFFFFC000  }
0x69: {  	[spmem:s2] =	stream.indirect.scatter.add.f32 [tilespmem:s3], [sflag:$0x1], $0x80, s1, s6, $0xb8;
	[tilespmem:$0x7008] =	vst v63  }
0x6a: {  	_ =	swait.ge [sflag:s5], $0x4000  }
0x6b: {  	[sflag:s5] =	ssyncset.done $0x0  }
0x6c: {  	s1 =	rddreg [dreg:$0xb];
	[sflag:s5] =	ssyncadd.s32 $0xFFFFC000  }
0x6d: {  	[tilespmem:s3], [sflag:$0x1] =	stream.linear.gather [hbm4b:s1+s3], $0x4000, $0x38;
	[tilespmem:$0x7008] =	vst v63  }
0x6e: {  	_ =	swait.ge [sflag:s5], $0x4000  }
0x6f: {  	[sflag:s5] =	ssyncset.done $0x0  }
0x70: {  	[sflag:s5] =	ssyncadd.s32 $0xFFFFC000  }
0x71: {  	[spmem:s2] =	stream.indirect.scatter.add.f32 [tilespmem:s3], [sflag:$0x1], $0x80, s28, s6, $0xb8;
	[tilespmem:$0x7008] =	vst v63  }
0x72: {  	_ =	swait.ge [sflag:s5], $0x4000  }
0x73: {  	[sflag:s5] =	ssyncset.done $0x0  }
0x74: {  	s1 =	rddreg [dreg:$0xc];
	[sflag:s5] =	ssyncadd.s32 $0xFFFFC000  }
0x75: {  	[tilespmem:s3], [sflag:$0x1] =	stream.linear.gather [hbm4b:s1+s3], $0x4000, $0x38;
	[tilespmem:$0x7008] =	vst v63  }
0x76: {  	_ =	swait.ge [sflag:s5], $0x4000  }
0x77: {  	[sflag:s5] =	ssyncset.done $0x0  }
0x78: {  	[sflag:s5] =	ssyncadd.s32 $0xFFFFC000  }
0x79: {  	[spmem:s2] =	stream.indirect.scatter.add.f32 [tilespmem:s3], [sflag:$0x1], $0x80, s26, s6, $0xb8;
	[tilespmem:$0x7008] =	vst v63  }
0x7a: {  	_ =	swait.ge [sflag:s5], $0x4000  }
0x7b: {  	[sflag:s5] =	ssyncset.done $0x0  }
0x7c: {  	s1 =	rddreg [dreg:$0xd];
	[sflag:s5] =	ssyncadd.s32 $0xFFFFC000  }
0x7d: {  	[tilespmem:s3], [sflag:$0x1] =	stream.linear.gather [hbm4b:s1+s3], $0x4000, $0x38;
	[tilespmem:$0x7008] =	vst v63  }
0x7e: {  	_ =	swait.ge [sflag:s5], $0x4000  }
0x7f: {  	[sflag:s5] =	ssyncset.done $0x0  }
0x80: {  	[sflag:s5] =	ssyncadd.s32 $0xFFFFC000  }
0x81: {  	[spmem:s2] =	stream.indirect.scatter.add.f32 [tilespmem:s3], [sflag:$0x1], $0x80, s25, s6, $0xb8;
	[tilespmem:$0x7008] =	vst v63  }
0x82: {  	_ =	swait.ge [sflag:s5], $0x4000  }
0x83: {  	[sflag:s5] =	ssyncset.done $0x0  }
0x84: {  	s1 =	rddreg [dreg:$0xe];
	[sflag:s5] =	ssyncadd.s32 $0xFFFFC000  }
0x85: {  	[tilespmem:s3], [sflag:$0x1] =	stream.linear.gather [hbm4b:s1+s3], $0x4000, $0x38;
	[tilespmem:$0x7008] =	vst v63  }
0x86: {  	_ =	swait.ge [sflag:s5], $0x4000  }
0x87: {  	[sflag:s5] =	ssyncset.done $0x0  }
0x88: {  	[sflag:s5] =	ssyncadd.s32 $0xFFFFC000  }
0x89: {  	[spmem:s2] =	stream.indirect.scatter.add.f32 [tilespmem:s3], [sflag:$0x1], $0x80, s24, s6, $0xb8;
	[tilespmem:$0x7008] =	vst v63  }
0x8a: {  	_ =	swait.ge [sflag:s5], $0x4000  }
0x8b: {  	[sflag:s5] =	ssyncset.done $0x0  }
0x8c: {  	s1 =	rddreg [dreg:$0xf];
	[sflag:s5] =	ssyncadd.s32 $0xFFFFC000  }
0x8d: {  	[tilespmem:s3], [sflag:$0x1] =	stream.linear.gather [hbm4b:s1+s3], $0x4000, $0x38;
	[tilespmem:$0x7008] =	vst v63  }
0x8e: {  	_ =	swait.ge [sflag:s5], $0x4000  }
0x8f: {  	[sflag:s5] =	ssyncset.done $0x0  }
0x90: {  	[sflag:s5] =	ssyncadd.s32 $0xFFFFC000  }
0x91: {  	[spmem:s2] =	stream.indirect.scatter.add.f32 [tilespmem:s3], [sflag:$0x1], $0x80, s23, s6, $0xb8;
	[tilespmem:$0x7008] =	vst v63  }
0x92: {  	_ =	swait.ge [sflag:s5], $0x4000  }
0x93: {  	[sflag:s5] =	ssyncset.done $0x0  }
0x94: {  	s1 =	rddreg [dreg:$0x10];
	[sflag:s5] =	ssyncadd.s32 $0xFFFFC000  }
0x95: {  	[tilespmem:s3], [sflag:$0x1] =	stream.linear.gather [hbm4b:s1+s3], $0x4000, $0x38;
	[tilespmem:$0x7008] =	vst v63  }
0x96: {  	_ =	swait.ge [sflag:s5], $0x4000  }
0x97: {  	[sflag:s5] =	ssyncset.done $0x0  }
0x98: {  	[sflag:s5] =	ssyncadd.s32 $0xFFFFC000  }
0x99: {  	[spmem:s2] =	stream.indirect.scatter.add.f32 [tilespmem:s3], [sflag:$0x1], $0x80, s21, s6, $0xb8;
	[tilespmem:$0x7008] =	vst v63  }
0x9a: {  	_ =	swait.ge [sflag:s5], $0x4000  }
0x9b: {  	[sflag:s5] =	ssyncset.done $0x0  }
0x9c: {  	s1 =	rddreg [dreg:$0x11];
	[sflag:s5] =	ssyncadd.s32 $0xFFFFC000  }
0x9d: {  	[tilespmem:s3], [sflag:$0x1] =	stream.linear.gather [hbm4b:s1+s3], $0x4000, $0x38;
	[tilespmem:$0x7008] =	vst v63  }
0x9e: {  	_ =	swait.ge [sflag:s5], $0x4000  }
0x9f: {  	[sflag:s5] =	ssyncset.done $0x0  }
0xa0: {  	[sflag:s5] =	ssyncadd.s32 $0xFFFFC000  }
0xa1: {  	[spmem:s2] =	stream.indirect.scatter.add.f32 [tilespmem:s3], [sflag:$0x1], $0x80, s20, s6, $0xb8;
	[tilespmem:$0x7008] =	vst v63  }
0xa2: {  	_ =	swait.ge [sflag:s5], $0x4000  }
0xa3: {  	[sflag:s5] =	ssyncset.done $0x0  }
0xa4: {  	s1 =	rddreg [dreg:$0x12];
	[sflag:s5] =	ssyncadd.s32 $0xFFFFC000  }
0xa5: {  	[tilespmem:s3], [sflag:$0x1] =	stream.linear.gather [hbm4b:s1+s3], $0x4000, $0x38;
	[tilespmem:$0x7008] =	vst v63  }
0xa6: {  	_ =	swait.ge [sflag:s5], $0x4000  }
0xa7: {  	[sflag:s5] =	ssyncset.done $0x0  }
0xa8: {  	[sflag:s5] =	ssyncadd.s32 $0xFFFFC000  }
0xa9: {  	[spmem:s2] =	stream.indirect.scatter.add.f32 [tilespmem:s3], [sflag:$0x1], $0x80, s19, s6, $0xb8;
	[tilespmem:$0x7008] =	vst v63  }
0xaa: {  	_ =	swait.ge [sflag:s5], $0x4000  }
0xab: {  	[sflag:s5] =	ssyncset.done $0x0  }
0xac: {  	s1 =	rddreg [dreg:$0x13];
	[sflag:s5] =	ssyncadd.s32 $0xFFFFC000  }
0xad: {  	[tilespmem:s3], [sflag:$0x1] =	stream.linear.gather [hbm4b:s1+s3], $0x4000, $0x38;
	[tilespmem:$0x7008] =	vst v63  }
0xae: {  	_ =	swait.ge [sflag:s5], $0x4000  }
0xaf: {  	[sflag:s5] =	ssyncset.done $0x0  }
0xb0: {  	[sflag:s5] =	ssyncadd.s32 $0xFFFFC000  }
0xb1: {  	[spmem:s2] =	stream.indirect.scatter.add.f32 [tilespmem:s3], [sflag:$0x1], $0x80, s18, s6, $0xb8;
	[tilespmem:$0x7008] =	vst v63  }
0xb2: {  	_ =	swait.ge [sflag:s5], $0x4000  }
0xb3: {  	[sflag:s5] =	ssyncset.done $0x0  }
0xb4: {  	s1 =	rddreg [dreg:$0x14];
	[sflag:s5] =	ssyncadd.s32 $0xFFFFC000  }
0xb5: {  	[tilespmem:s3], [sflag:$0x1] =	stream.linear.gather [hbm4b:s1+s3], $0x4000, $0x38;
	[tilespmem:$0x7008] =	vst v63  }
0xb6: {  	_ =	swait.ge [sflag:s5], $0x4000  }
0xb7: {  	[sflag:s5] =	ssyncset.done $0x0  }
0xb8: {  	[sflag:s5] =	ssyncadd.s32 $0xFFFFC000  }
0xb9: {  	[spmem:s2] =	stream.indirect.scatter.add.f32 [tilespmem:s3], [sflag:$0x1], $0x80, s17, s6, $0xb8;
	[tilespmem:$0x7008] =	vst v63  }
0xba: {  	_ =	swait.ge [sflag:s5], $0x4000  }
0xbb: {  	[sflag:s5] =	ssyncset.done $0x0  }
0xbc: {  	s1 =	rddreg [dreg:$0x15];
	[sflag:s5] =	ssyncadd.s32 $0xFFFFC000  }
0xbd: {  	[tilespmem:s3], [sflag:$0x1] =	stream.linear.gather [hbm4b:s1+s3], $0x4000, $0x38;
	[tilespmem:$0x7008] =	vst v63  }
0xbe: {  	_ =	swait.ge [sflag:s5], $0x4000  }
0xbf: {  	[sflag:s5] =	ssyncset.done $0x0  }
0xc0: {  	[sflag:s5] =	ssyncadd.s32 $0xFFFFC000  }
0xc1: {  	[spmem:s2] =	stream.indirect.scatter.add.f32 [tilespmem:s3], [sflag:$0x1], $0x80, s16, s6, $0xb8;
	[tilespmem:$0x7008] =	vst v63  }
0xc2: {  	_ =	swait.ge [sflag:s5], $0x4000  }
0xc3: {  	[sflag:s5] =	ssyncset.done $0x0  }
0xc4: {  	s1 =	rddreg [dreg:$0x16];
	[sflag:s5] =	ssyncadd.s32 $0xFFFFC000  }
0xc5: {  	[tilespmem:s3], [sflag:$0x1] =	stream.linear.gather [hbm4b:s1+s3], $0x4000, $0x38;
	[tilespmem:$0x7008] =	vst v63  }
0xc6: {  	_ =	swait.ge [sflag:s5], $0x4000  }
0xc7: {  	[sflag:s5] =	ssyncset.done $0x0  }
0xc8: {  	[sflag:s5] =	ssyncadd.s32 $0xFFFFC000  }
0xc9: {  	[spmem:s2] =	stream.indirect.scatter.add.f32 [tilespmem:s3], [sflag:$0x1], $0x80, s15, s6, $0xb8;
	[tilespmem:$0x7008] =	vst v63  }
0xca: {  	_ =	swait.ge [sflag:s5], $0x4000  }
0xcb: {  	[sflag:s5] =	ssyncset.done $0x0  }
0xcc: {  	s1 =	rddreg [dreg:$0x17];
	[sflag:s5] =	ssyncadd.s32 $0xFFFFC000  }
0xcd: {  	[tilespmem:s3], [sflag:$0x1] =	stream.linear.gather [hbm4b:s1+s3], $0x4000, $0x38;
	[tilespmem:$0x7008] =	vst v63  }
0xce: {  	_ =	swait.ge [sflag:s5], $0x4000  }
0xcf: {  	[sflag:s5] =	ssyncset.done $0x0  }
0xd0: {  	[sflag:s5] =	ssyncadd.s32 $0xFFFFC000  }
0xd1: {  	[spmem:s2] =	stream.indirect.scatter.add.f32 [tilespmem:s3], [sflag:$0x1], $0x80, s14, s6, $0xb8;
	[tilespmem:$0x7008] =	vst v63  }
0xd2: {  	_ =	swait.ge [sflag:s5], $0x4000  }
0xd3: {  	[sflag:s5] =	ssyncset.done $0x0  }
0xd4: {  	s1 =	rddreg [dreg:$0x18];
	[sflag:s5] =	ssyncadd.s32 $0xFFFFC000  }
0xd5: {  	[tilespmem:s3], [sflag:$0x1] =	stream.linear.gather [hbm4b:s1+s3], $0x4000, $0x38;
	[tilespmem:$0x7008] =	vst v63  }
0xd6: {  	_ =	swait.ge [sflag:s5], $0x4000  }
0xd7: {  	[sflag:s5] =	ssyncset.done $0x0  }
0xd8: {  	[sflag:s5] =	ssyncadd.s32 $0xFFFFC000  }
0xd9: {  	[spmem:s2] =	stream.indirect.scatter.add.f32 [tilespmem:s3], [sflag:$0x1], $0x80, s13, s6, $0xb8;
	[tilespmem:$0x7008] =	vst v63  }
0xda: {  	_ =	swait.ge [sflag:s5], $0x4000  }
0xdb: {  	[sflag:s5] =	ssyncset.done $0x0  }
0xdc: {  	s1 =	rddreg [dreg:$0x19];
	[sflag:s5] =	ssyncadd.s32 $0xFFFFC000  }
0xdd: {  	[tilespmem:s3], [sflag:$0x1] =	stream.linear.gather [hbm4b:s1+s3], $0x4000, $0x38;
	[tilespmem:$0x7008] =	vst v63  }
0xde: {  	_ =	swait.ge [sflag:s5], $0x4000  }
0xdf: {  	[sflag:s5] =	ssyncset.done $0x0  }
0xe0: {  	[sflag:s5] =	ssyncadd.s32 $0xFFFFC000  }
0xe1: {  	[spmem:s2] =	stream.indirect.scatter.add.f32 [tilespmem:s3], [sflag:$0x1], $0x80, s12, s6, $0xb8;
	[tilespmem:$0x7008] =	vst v63  }
0xe2: {  	_ =	swait.ge [sflag:s5], $0x4000  }
0xe3: {  	[sflag:s5] =	ssyncset.done $0x0  }
0xe4: {  	s1 =	rddreg [dreg:$0x1a];
	[sflag:s5] =	ssyncadd.s32 $0xFFFFC000  }
0xe5: {  	[tilespmem:s3], [sflag:$0x1] =	stream.linear.gather [hbm4b:s1+s3], $0x4000, $0x38;
	[tilespmem:$0x7008] =	vst v63  }
0xe6: {  	_ =	swait.ge [sflag:s5], $0x4000  }
0xe7: {  	[sflag:s5] =	ssyncset.done $0x0  }
0xe8: {  	[sflag:s5] =	ssyncadd.s32 $0xFFFFC000  }
0xe9: {  	[spmem:s2] =	stream.indirect.scatter.add.f32 [tilespmem:s3], [sflag:$0x1], $0x80, s11, s6, $0xb8;
	[tilespmem:$0x7008] =	vst v63  }
0xea: {  	_ =	swait.ge [sflag:s5], $0x4000  }
0xeb: {  	[sflag:s5] =	ssyncset.done $0x0  }
0xec: {  	s1 =	rddreg [dreg:$0x1b];
	[sflag:s5] =	ssyncadd.s32 $0xFFFFC000  }
0xed: {  	[tilespmem:s3], [sflag:$0x1] =	stream.linear.gather [hbm4b:s1+s3], $0x4000, $0x38;
	[tilespmem:$0x7008] =	vst v63  }
0xee: {  	_ =	swait.ge [sflag:s5], $0x4000  }
0xef: {  	[sflag:s5] =	ssyncset.done $0x0  }
0xf0: {  	[sflag:s5] =	ssyncadd.s32 $0xFFFFC000  }
0xf1: {  	[spmem:s2] =	stream.indirect.scatter.add.f32 [tilespmem:s3], [sflag:$0x1], $0x80, s10, s6, $0xb8;
	[tilespmem:$0x7008] =	vst v63  }
0xf2: {  	_ =	swait.ge [sflag:s5], $0x4000  }
0xf3: {  	[sflag:s5] =	ssyncset.done $0x0  }
0xf4: {  	s1 =	rddreg [dreg:$0x1c];
	[sflag:s5] =	ssyncadd.s32 $0xFFFFC000  }
0xf5: {  	[tilespmem:s3], [sflag:$0x1] =	stream.linear.gather [hbm4b:s1+s3], $0x4000, $0x38;
	[tilespmem:$0x7008] =	vst v63  }
0xf6: {  	_ =	swait.ge [sflag:s5], $0x4000  }
0xf7: {  	[sflag:s5] =	ssyncset.done $0x0  }
0xf8: {  	[sflag:s5] =	ssyncadd.s32 $0xFFFFC000  }
0xf9: {  	[spmem:s2] =	stream.indirect.scatter.add.f32 [tilespmem:s3], [sflag:$0x1], $0x80, s9, s6, $0xb8;
	[tilespmem:$0x7008] =	vst v63  }
0xfa: {  	_ =	swait.ge [sflag:s5], $0x4000  }
0xfb: {  	[sflag:s5] =	ssyncset.done $0x0  }
0xfc: {  	s1 =	rddreg [dreg:$0x1d];
	[sflag:s5] =	ssyncadd.s32 $0xFFFFC000  }
0xfd: {  	[tilespmem:s3], [sflag:$0x1] =	stream.linear.gather [hbm4b:s1+s3], $0x4000, $0x38;
	[tilespmem:$0x7008] =	vst v63  }
0xfe: {  	_ =	swait.ge [sflag:s5], $0x4000  }
0xff: {  	[sflag:s5] =	ssyncset.done $0x0  }
0x100: {  	[sflag:s5] =	ssyncadd.s32 $0xFFFFC000  }
0x101: {  	[spmem:s2] =	stream.indirect.scatter.add.f32 [tilespmem:s3], [sflag:$0x1], $0x80, s8, s6, $0xb8;
	[tilespmem:$0x7008] =	vst v63  }
0x102: {  	_ =	swait.ge [sflag:s5], $0x4000  }
0x103: {  	[sflag:s5] =	ssyncset.done $0x0  }
0x104: {  	s1 =	rddreg [dreg:$0x1e];
	[sflag:s5] =	ssyncadd.s32 $0xFFFFC000  }
0x105: {  	[tilespmem:s3], [sflag:$0x1] =	stream.linear.gather [hbm4b:s1+s3], $0x4000, $0x38;
	[tilespmem:$0x7008] =	vst v63  }
0x106: {  	_ =	swait.ge [sflag:s5], $0x4000  }
0x107: {  	[sflag:s5] =	ssyncset.done $0x0  }
0x108: {  	[sflag:s5] =	ssyncadd.s32 $0xFFFFC000  }
0x109: {  	[spmem:s2] =	stream.indirect.scatter.add.f32 [tilespmem:s3], [sflag:$0x1], $0x80, s7, s6, $0xb8;
	[tilespmem:$0x7008] =	vst v63  }
0x10a: {  	_ =	swait.ge [sflag:s5], $0x4000  }
0x10b: {  	[sflag:s5] =	ssyncset.done $0x0  }
0x10c: {  	[sflag:s5] =	ssyncadd.s32 $0xFFFFC000  }
0x10d: {  	[bflag:$0x0] =	sbarrier.arrive $0xFFFF  }
0x10e: {  	s1 =	rddreg [dreg:$0x1f]  }
0x10f: {  	[hbm:s1], [sflag:s4] =	dma.local [spmem:s31], $0x400  }
0x110: {  	s31 =	sadd.s32 $0xFFFFFFFF, s0  }
0x111: {  	p2 =	sne.s32 s31, $0x0  }
.Ltmp1:
0x112: {  	_ = 	snop;
	(pc) =	sbr.rel @!p2 .LBB2_2-.Ltmp1, $3  }
0x113: {  	_ =	sdelay $0x1  }
0x114: {  	_ =	swait.ge [sflag:s5], $0x400  }
0x115: {  	p1 =	por $0x1, $0x1;
	s1 =	rddreg [dreg:$0x4];
	[sflag:s5] =	ssyncset.done $0x0  }
.LBB2_3:
0x116: {  	[sflag:s5] =	ssyncadd.s32 $0xFFFFFC00;
	s0 =	sshrl.u32 s1, $0x3  }
0x117: {  	[spmem:s0], [sflag:s4] =	dma.local [hbm:s22], $0x400  }
0x118: {  	_ =	swait.ge [sflag:s5], $0x400  }
0x119: {  	s1 =	sld [smem:$0x7F9]  }
0x11a: {  	[sflag:s5] =	ssyncset.done $0x0  }
0x11b: {  	[sflag:s5] =	ssyncadd.s32 $0xFFFFFC00  }
0x11c: {  	[spmem:s1], [sflag:s4] =	dma.local @!p0 [hbm:s22], $0x10  }
0x11d: {  	_ =	swait.ge @!p0 [sflag:s30], $0x10  }
0x11e: {  	[sflag:s30] =	ssyncset.done @!p0 $0x0  }
0x11f: {  	s1 =	rddreg [dreg:$0x5];
	[sflag:s30] =	ssyncadd.s32 @!p0 $0xFFFFFFF0  }
0x120: {  	[tilespmem:s29], [sflag:$0x1] =	stream.linear.gather [hbm4b:s1+s3], $0xC80, $0x38;
	[tilespmem:$0x7008] =	vst v63  }
0x121: {  	_ =	swait.ge [sflag:s5], $0xC80  }
0x122: {  	[sflag:s5] =	ssyncset.done $0x0  }
0x123: {  	[sflag:s5] =	ssyncadd.s32 $0xFFFFF380  }
0x124: {  	[bflag:$0x0] =	sbarrier.arrive $0xFFFF  }
0x125: {  	s1 =	rddreg [dreg:$0x6]  }
0x126: {  	[tilespmem:s3], [sflag:$0x1] =	stream.linear.gather [hbm4b:s1+s3], $0x4000, $0x38;
	[tilespmem:$0x7008] =	vst v63  }
0x127: {  	_ =	swait.ge [sflag:s5], $0x4000  }
0x128: {  	[sflag:s5] =	ssyncset.done $0x0  }
0x129: {  	[sflag:s5] =	ssyncadd.s32 $0xFFFFC000  }
0x12a: {  	[spmem:s2] =	stream.indirect.scatter.add.f32 [tilespmem:s3], [sflag:$0x1], $0x80, s29, s6, $0xb8;
	[tilespmem:$0x7008] =	vst v63  }
0x12b: {  	_ =	swait.ge [sflag:s5], $0x4000  }
0x12c: {  	[sflag:s5] =	ssyncset.done $0x0  }
0x12d: {  	s1 =	rddreg [dreg:$0x7];
	[sflag:s5] =	ssyncadd.s32 $0xFFFFC000  }
0x12e: {  	[tilespmem:s3], [sflag:$0x1] =	stream.linear.gather [hbm4b:s1+s3], $0x4000, $0x38;
	[tilespmem:$0x7008] =	vst v63  }
0x12f: {  	_ =	swait.ge [sflag:s5], $0x4000  }
0x130: {  	s1 =	sld [smem:$0x7FA]  }
0x131: {  	[sflag:s5] =	ssyncset.done $0x0  }
0x132: {  	[sflag:s5] =	ssyncadd.s32 $0xFFFFC000  }
0x133: {  	[spmem:s2] =	stream.indirect.scatter.add.f32 [tilespmem:s3], [sflag:$0x1], $0x80, s1, s6, $0xb8;
	[tilespmem:$0x7008] =	vst v63  }
0x134: {  	_ =	swait.ge [sflag:s5], $0x4000  }
0x135: {  	[sflag:s5] =	ssyncset.done $0x0  }
0x136: {  	s1 =	rddreg [dreg:$0x8];
	[sflag:s5] =	ssyncadd.s32 $0xFFFFC000  }
0x137: {  	[tilespmem:s3], [sflag:$0x1] =	stream.linear.gather [hbm4b:s1+s3], $0x4000, $0x38;
	[tilespmem:$0x7008] =	vst v63  }
0x138: {  	_ =	swait.ge [sflag:s5], $0x4000  }
0x139: {  	s1 =	sld [smem:$0x7FB]  }
0x13a: {  	[sflag:s5] =	ssyncset.done $0x0  }
0x13b: {  	[sflag:s5] =	ssyncadd.s32 $0xFFFFC000  }
0x13c: {  	[spmem:s2] =	stream.indirect.scatter.add.f32 [tilespmem:s3], [sflag:$0x1], $0x80, s1, s6, $0xb8;
	[tilespmem:$0x7008] =	vst v63  }
0x13d: {  	_ =	swait.ge [sflag:s5], $0x4000  }
0x13e: {  	[sflag:s5] =	ssyncset.done $0x0  }
0x13f: {  	s1 =	rddreg [dreg:$0x9];
	[sflag:s5] =	ssyncadd.s32 $0xFFFFC000  }
0x140: {  	[tilespmem:s3], [sflag:$0x1] =	stream.linear.gather [hbm4b:s1+s3], $0x4000, $0x38;
	[tilespmem:$0x7008] =	vst v63  }
0x141: {  	_ =	swait.ge [sflag:s5], $0x4000  }
0x142: {  	s1 =	sld [smem:$0x7FC]  }
0x143: {  	[sflag:s5] =	ssyncset.done $0x0  }
0x144: {  	[sflag:s5] =	ssyncadd.s32 $0xFFFFC000  }
0x145: {  	[spmem:s2] =	stream.indirect.scatter.add.f32 [tilespmem:s3], [sflag:$0x1], $0x80, s1, s6, $0xb8;
	[tilespmem:$0x7008] =	vst v63  }
0x146: {  	_ =	swait.ge [sflag:s5], $0x4000  }
0x147: {  	[sflag:s5] =	ssyncset.done $0x0  }
0x148: {  	s1 =	rddreg [dreg:$0xa];
	[sflag:s5] =	ssyncadd.s32 $0xFFFFC000  }
0x149: {  	[tilespmem:s3], [sflag:$0x1] =	stream.linear.gather [hbm4b:s1+s3], $0x4000, $0x38;
	[tilespmem:$0x7008] =	vst v63  }
0x14a: {  	_ =	swait.ge [sflag:s5], $0x4000  }
0x14b: {  	s1 =	sld [smem:$0x7FD]  }
0x14c: {  	[sflag:s5] =	ssyncset.done $0x0  }
0x14d: {  	[sflag:s5] =	ssyncadd.s32 $0xFFFFC000  }
0x14e: {  	[spmem:s2] =	stream.indirect.scatter.add.f32 [tilespmem:s3], [sflag:$0x1], $0x80, s1, s6, $0xb8;
	[tilespmem:$0x7008] =	vst v63  }
0x14f: {  	_ =	swait.ge [sflag:s5], $0x4000  }
0x150: {  	[sflag:s5] =	ssyncset.done $0x0  }
0x151: {  	s1 =	rddreg [dreg:$0xb];
	[sflag:s5] =	ssyncadd.s32 $0xFFFFC000  }
0x152: {  	[tilespmem:s3], [sflag:$0x1] =	stream.linear.gather [hbm4b:s1+s3], $0x4000, $0x38;
	[tilespmem:$0x7008] =	vst v63  }
0x153: {  	_ =	swait.ge [sflag:s5], $0x4000  }
0x154: {  	[sflag:s5] =	ssyncset.done $0x0  }
0x155: {  	[sflag:s5] =	ssyncadd.s32 $0xFFFFC000  }
0x156: {  	[spmem:s2] =	stream.indirect.scatter.add.f32 [tilespmem:s3], [sflag:$0x1], $0x80, s28, s6, $0xb8;
	[tilespmem:$0x7008] =	vst v63  }
0x157: {  	_ =	swait.ge [sflag:s5], $0x4000  }
0x158: {  	[sflag:s5] =	ssyncset.done $0x0  }
0x159: {  	s1 =	rddreg [dreg:$0xc];
	[sflag:s5] =	ssyncadd.s32 $0xFFFFC000  }
0x15a: {  	[tilespmem:s3], [sflag:$0x1] =	stream.linear.gather [hbm4b:s1+s3], $0x4000, $0x38;
	[tilespmem:$0x7008] =	vst v63  }
0x15b: {  	_ =	swait.ge [sflag:s5], $0x4000  }
0x15c: {  	[sflag:s5] =	ssyncset.done $0x0  }
0x15d: {  	[sflag:s5] =	ssyncadd.s32 $0xFFFFC000  }
0x15e: {  	[spmem:s2] =	stream.indirect.scatter.add.f32 [tilespmem:s3], [sflag:$0x1], $0x80, s26, s6, $0xb8;
	[tilespmem:$0x7008] =	vst v63  }
0x15f: {  	_ =	swait.ge [sflag:s5], $0x4000  }
0x160: {  	[sflag:s5] =	ssyncset.done $0x0  }
0x161: {  	s1 =	rddreg [dreg:$0xd];
	[sflag:s5] =	ssyncadd.s32 $0xFFFFC000  }
0x162: {  	[tilespmem:s3], [sflag:$0x1] =	stream.linear.gather [hbm4b:s1+s3], $0x4000, $0x38;
	[tilespmem:$0x7008] =	vst v63  }
0x163: {  	_ =	swait.ge [sflag:s5], $0x4000  }
0x164: {  	[sflag:s5] =	ssyncset.done $0x0  }
0x165: {  	[sflag:s5] =	ssyncadd.s32 $0xFFFFC000  }
0x166: {  	[spmem:s2] =	stream.indirect.scatter.add.f32 [tilespmem:s3], [sflag:$0x1], $0x80, s25, s6, $0xb8;
	[tilespmem:$0x7008] =	vst v63  }
0x167: {  	_ =	swait.ge [sflag:s5], $0x4000  }
0x168: {  	[sflag:s5] =	ssyncset.done $0x0  }
0x169: {  	s1 =	rddreg [dreg:$0xe];
	[sflag:s5] =	ssyncadd.s32 $0xFFFFC000  }
0x16a: {  	[tilespmem:s3], [sflag:$0x1] =	stream.linear.gather [hbm4b:s1+s3], $0x4000, $0x38;
	[tilespmem:$0x7008] =	vst v63  }
0x16b: {  	_ =	swait.ge [sflag:s5], $0x4000  }
0x16c: {  	[sflag:s5] =	ssyncset.done $0x0  }
0x16d: {  	[sflag:s5] =	ssyncadd.s32 $0xFFFFC000  }
0x16e: {  	[spmem:s2] =	stream.indirect.scatter.add.f32 [tilespmem:s3], [sflag:$0x1], $0x80, s24, s6, $0xb8;
	[tilespmem:$0x7008] =	vst v63  }
0x16f: {  	_ =	swait.ge [sflag:s5], $0x4000  }
0x170: {  	[sflag:s5] =	ssyncset.done $0x0  }
0x171: {  	s1 =	rddreg [dreg:$0xf];
	[sflag:s5] =	ssyncadd.s32 $0xFFFFC000  }
0x172: {  	[tilespmem:s3], [sflag:$0x1] =	stream.linear.gather [hbm4b:s1+s3], $0x4000, $0x38;
	[tilespmem:$0x7008] =	vst v63  }
0x173: {  	_ =	swait.ge [sflag:s5], $0x4000  }
0x174: {  	[sflag:s5] =	ssyncset.done $0x0  }
0x175: {  	[sflag:s5] =	ssyncadd.s32 $0xFFFFC000  }
0x176: {  	[spmem:s2] =	stream.indirect.scatter.add.f32 [tilespmem:s3], [sflag:$0x1], $0x80, s23, s6, $0xb8;
	[tilespmem:$0x7008] =	vst v63  }
0x177: {  	_ =	swait.ge [sflag:s5], $0x4000  }
0x178: {  	[sflag:s5] =	ssyncset.done $0x0  }
0x179: {  	s1 =	rddreg [dreg:$0x10];
	[sflag:s5] =	ssyncadd.s32 $0xFFFFC000  }
0x17a: {  	[tilespmem:s3], [sflag:$0x1] =	stream.linear.gather [hbm4b:s1+s3], $0x4000, $0x38;
	[tilespmem:$0x7008] =	vst v63  }
0x17b: {  	_ =	swait.ge [sflag:s5], $0x4000  }
0x17c: {  	[sflag:s5] =	ssyncset.done $0x0  }
0x17d: {  	[sflag:s5] =	ssyncadd.s32 $0xFFFFC000  }
0x17e: {  	[spmem:s2] =	stream.indirect.scatter.add.f32 [tilespmem:s3], [sflag:$0x1], $0x80, s21, s6, $0xb8;
	[tilespmem:$0x7008] =	vst v63  }
0x17f: {  	_ =	swait.ge [sflag:s5], $0x4000  }
0x180: {  	[sflag:s5] =	ssyncset.done $0x0  }
0x181: {  	s1 =	rddreg [dreg:$0x11];
	[sflag:s5] =	ssyncadd.s32 $0xFFFFC000  }
0x182: {  	[tilespmem:s3], [sflag:$0x1] =	stream.linear.gather [hbm4b:s1+s3], $0x4000, $0x38;
	[tilespmem:$0x7008] =	vst v63  }
0x183: {  	_ =	swait.ge [sflag:s5], $0x4000  }
0x184: {  	[sflag:s5] =	ssyncset.done $0x0  }
0x185: {  	[sflag:s5] =	ssyncadd.s32 $0xFFFFC000  }
0x186: {  	[spmem:s2] =	stream.indirect.scatter.add.f32 [tilespmem:s3], [sflag:$0x1], $0x80, s20, s6, $0xb8;
	[tilespmem:$0x7008] =	vst v63  }
0x187: {  	_ =	swait.ge [sflag:s5], $0x4000  }
0x188: {  	[sflag:s5] =	ssyncset.done $0x0  }
0x189: {  	s1 =	rddreg [dreg:$0x12];
	[sflag:s5] =	ssyncadd.s32 $0xFFFFC000  }
0x18a: {  	[tilespmem:s3], [sflag:$0x1] =	stream.linear.gather [hbm4b:s1+s3], $0x4000, $0x38;
	[tilespmem:$0x7008] =	vst v63  }
0x18b: {  	_ =	swait.ge [sflag:s5], $0x4000  }
0x18c: {  	[sflag:s5] =	ssyncset.done $0x0  }
0x18d: {  	[sflag:s5] =	ssyncadd.s32 $0xFFFFC000  }
0x18e: {  	[spmem:s2] =	stream.indirect.scatter.add.f32 [tilespmem:s3], [sflag:$0x1], $0x80, s19, s6, $0xb8;
	[tilespmem:$0x7008] =	vst v63  }
0x18f: {  	_ =	swait.ge [sflag:s5], $0x4000  }
0x190: {  	[sflag:s5] =	ssyncset.done $0x0  }
0x191: {  	s1 =	rddreg [dreg:$0x13];
	[sflag:s5] =	ssyncadd.s32 $0xFFFFC000  }
0x192: {  	[tilespmem:s3], [sflag:$0x1] =	stream.linear.gather [hbm4b:s1+s3], $0x4000, $0x38;
	[tilespmem:$0x7008] =	vst v63  }
0x193: {  	_ =	swait.ge [sflag:s5], $0x4000  }
0x194: {  	[sflag:s5] =	ssyncset.done $0x0  }
0x195: {  	[sflag:s5] =	ssyncadd.s32 $0xFFFFC000  }
0x196: {  	[spmem:s2] =	stream.indirect.scatter.add.f32 [tilespmem:s3], [sflag:$0x1], $0x80, s18, s6, $0xb8;
	[tilespmem:$0x7008] =	vst v63  }
0x197: {  	_ =	swait.ge [sflag:s5], $0x4000  }
0x198: {  	[sflag:s5] =	ssyncset.done $0x0  }
0x199: {  	s1 =	rddreg [dreg:$0x14];
	[sflag:s5] =	ssyncadd.s32 $0xFFFFC000  }
0x19a: {  	[tilespmem:s3], [sflag:$0x1] =	stream.linear.gather [hbm4b:s1+s3], $0x4000, $0x38;
	[tilespmem:$0x7008] =	vst v63  }
0x19b: {  	_ =	swait.ge [sflag:s5], $0x4000  }
0x19c: {  	[sflag:s5] =	ssyncset.done $0x0  }
0x19d: {  	[sflag:s5] =	ssyncadd.s32 $0xFFFFC000  }
0x19e: {  	[spmem:s2] =	stream.indirect.scatter.add.f32 [tilespmem:s3], [sflag:$0x1], $0x80, s17, s6, $0xb8;
	[tilespmem:$0x7008] =	vst v63  }
0x19f: {  	_ =	swait.ge [sflag:s5], $0x4000  }
0x1a0: {  	[sflag:s5] =	ssyncset.done $0x0  }
0x1a1: {  	s1 =	rddreg [dreg:$0x15];
	[sflag:s5] =	ssyncadd.s32 $0xFFFFC000  }
0x1a2: {  	[tilespmem:s3], [sflag:$0x1] =	stream.linear.gather [hbm4b:s1+s3], $0x4000, $0x38;
	[tilespmem:$0x7008] =	vst v63  }
0x1a3: {  	_ =	swait.ge [sflag:s5], $0x4000  }
0x1a4: {  	[sflag:s5] =	ssyncset.done $0x0  }
0x1a5: {  	[sflag:s5] =	ssyncadd.s32 $0xFFFFC000  }
0x1a6: {  	[spmem:s2] =	stream.indirect.scatter.add.f32 [tilespmem:s3], [sflag:$0x1], $0x80, s16, s6, $0xb8;
	[tilespmem:$0x7008] =	vst v63  }
0x1a7: {  	_ =	swait.ge [sflag:s5], $0x4000  }
0x1a8: {  	[sflag:s5] =	ssyncset.done $0x0  }
0x1a9: {  	s1 =	rddreg [dreg:$0x16];
	[sflag:s5] =	ssyncadd.s32 $0xFFFFC000  }
0x1aa: {  	[tilespmem:s3], [sflag:$0x1] =	stream.linear.gather [hbm4b:s1+s3], $0x4000, $0x38;
	[tilespmem:$0x7008] =	vst v63  }
0x1ab: {  	_ =	swait.ge [sflag:s5], $0x4000  }
0x1ac: {  	[sflag:s5] =	ssyncset.done $0x0  }
0x1ad: {  	[sflag:s5] =	ssyncadd.s32 $0xFFFFC000  }
0x1ae: {  	[spmem:s2] =	stream.indirect.scatter.add.f32 [tilespmem:s3], [sflag:$0x1], $0x80, s15, s6, $0xb8;
	[tilespmem:$0x7008] =	vst v63  }
0x1af: {  	_ =	swait.ge [sflag:s5], $0x4000  }
0x1b0: {  	[sflag:s5] =	ssyncset.done $0x0  }
0x1b1: {  	s1 =	rddreg [dreg:$0x17];
	[sflag:s5] =	ssyncadd.s32 $0xFFFFC000  }
0x1b2: {  	[tilespmem:s3], [sflag:$0x1] =	stream.linear.gather [hbm4b:s1+s3], $0x4000, $0x38;
	[tilespmem:$0x7008] =	vst v63  }
0x1b3: {  	_ =	swait.ge [sflag:s5], $0x4000  }
0x1b4: {  	[sflag:s5] =	ssyncset.done $0x0  }
0x1b5: {  	[sflag:s5] =	ssyncadd.s32 $0xFFFFC000  }
0x1b6: {  	[spmem:s2] =	stream.indirect.scatter.add.f32 [tilespmem:s3], [sflag:$0x1], $0x80, s14, s6, $0xb8;
	[tilespmem:$0x7008] =	vst v63  }
0x1b7: {  	_ =	swait.ge [sflag:s5], $0x4000  }
0x1b8: {  	[sflag:s5] =	ssyncset.done $0x0  }
0x1b9: {  	s1 =	rddreg [dreg:$0x18];
	[sflag:s5] =	ssyncadd.s32 $0xFFFFC000  }
0x1ba: {  	[tilespmem:s3], [sflag:$0x1] =	stream.linear.gather [hbm4b:s1+s3], $0x4000, $0x38;
	[tilespmem:$0x7008] =	vst v63  }
0x1bb: {  	_ =	swait.ge [sflag:s5], $0x4000  }
0x1bc: {  	[sflag:s5] =	ssyncset.done $0x0  }
0x1bd: {  	[sflag:s5] =	ssyncadd.s32 $0xFFFFC000  }
0x1be: {  	[spmem:s2] =	stream.indirect.scatter.add.f32 [tilespmem:s3], [sflag:$0x1], $0x80, s13, s6, $0xb8;
	[tilespmem:$0x7008] =	vst v63  }
0x1bf: {  	_ =	swait.ge [sflag:s5], $0x4000  }
0x1c0: {  	[sflag:s5] =	ssyncset.done $0x0  }
0x1c1: {  	s1 =	rddreg [dreg:$0x19];
	[sflag:s5] =	ssyncadd.s32 $0xFFFFC000  }
0x1c2: {  	[tilespmem:s3], [sflag:$0x1] =	stream.linear.gather [hbm4b:s1+s3], $0x4000, $0x38;
	[tilespmem:$0x7008] =	vst v63  }
0x1c3: {  	_ =	swait.ge [sflag:s5], $0x4000  }
0x1c4: {  	[sflag:s5] =	ssyncset.done $0x0  }
0x1c5: {  	[sflag:s5] =	ssyncadd.s32 $0xFFFFC000  }
0x1c6: {  	[spmem:s2] =	stream.indirect.scatter.add.f32 [tilespmem:s3], [sflag:$0x1], $0x80, s12, s6, $0xb8;
	[tilespmem:$0x7008] =	vst v63  }
0x1c7: {  	_ =	swait.ge [sflag:s5], $0x4000  }
0x1c8: {  	[sflag:s5] =	ssyncset.done $0x0  }
0x1c9: {  	s1 =	rddreg [dreg:$0x1a];
	[sflag:s5] =	ssyncadd.s32 $0xFFFFC000  }
0x1ca: {  	[tilespmem:s3], [sflag:$0x1] =	stream.linear.gather [hbm4b:s1+s3], $0x4000, $0x38;
	[tilespmem:$0x7008] =	vst v63  }
0x1cb: {  	_ =	swait.ge [sflag:s5], $0x4000  }
0x1cc: {  	[sflag:s5] =	ssyncset.done $0x0  }
0x1cd: {  	[sflag:s5] =	ssyncadd.s32 $0xFFFFC000  }
0x1ce: {  	[spmem:s2] =	stream.indirect.scatter.add.f32 [tilespmem:s3], [sflag:$0x1], $0x80, s11, s6, $0xb8;
	[tilespmem:$0x7008] =	vst v63  }
0x1cf: {  	_ =	swait.ge [sflag:s5], $0x4000  }
0x1d0: {  	[sflag:s5] =	ssyncset.done $0x0  }
0x1d1: {  	s1 =	rddreg [dreg:$0x1b];
	[sflag:s5] =	ssyncadd.s32 $0xFFFFC000  }
0x1d2: {  	[tilespmem:s3], [sflag:$0x1] =	stream.linear.gather [hbm4b:s1+s3], $0x4000, $0x38;
	[tilespmem:$0x7008] =	vst v63  }
0x1d3: {  	_ =	swait.ge [sflag:s5], $0x4000  }
0x1d4: {  	[sflag:s5] =	ssyncset.done $0x0  }
0x1d5: {  	[sflag:s5] =	ssyncadd.s32 $0xFFFFC000  }
0x1d6: {  	[spmem:s2] =	stream.indirect.scatter.add.f32 [tilespmem:s3], [sflag:$0x1], $0x80, s10, s6, $0xb8;
	[tilespmem:$0x7008] =	vst v63  }
0x1d7: {  	_ =	swait.ge [sflag:s5], $0x4000  }
0x1d8: {  	[sflag:s5] =	ssyncset.done $0x0  }
0x1d9: {  	s1 =	rddreg [dreg:$0x1c];
	[sflag:s5] =	ssyncadd.s32 $0xFFFFC000  }
0x1da: {  	[tilespmem:s3], [sflag:$0x1] =	stream.linear.gather [hbm4b:s1+s3], $0x4000, $0x38;
	[tilespmem:$0x7008] =	vst v63  }
0x1db: {  	_ =	swait.ge [sflag:s5], $0x4000  }
0x1dc: {  	[sflag:s5] =	ssyncset.done $0x0  }
0x1dd: {  	[sflag:s5] =	ssyncadd.s32 $0xFFFFC000  }
0x1de: {  	[spmem:s2] =	stream.indirect.scatter.add.f32 [tilespmem:s3], [sflag:$0x1], $0x80, s9, s6, $0xb8;
	[tilespmem:$0x7008] =	vst v63  }
0x1df: {  	_ =	swait.ge [sflag:s5], $0x4000  }
0x1e0: {  	[sflag:s5] =	ssyncset.done $0x0  }
0x1e1: {  	s1 =	rddreg [dreg:$0x1d];
	[sflag:s5] =	ssyncadd.s32 $0xFFFFC000  }
0x1e2: {  	[tilespmem:s3], [sflag:$0x1] =	stream.linear.gather [hbm4b:s1+s3], $0x4000, $0x38;
	[tilespmem:$0x7008] =	vst v63  }
0x1e3: {  	_ =	swait.ge [sflag:s5], $0x4000  }
0x1e4: {  	[sflag:s5] =	ssyncset.done $0x0  }
0x1e5: {  	[sflag:s5] =	ssyncadd.s32 $0xFFFFC000  }
0x1e6: {  	[spmem:s2] =	stream.indirect.scatter.add.f32 [tilespmem:s3], [sflag:$0x1], $0x80, s8, s6, $0xb8;
	[tilespmem:$0x7008] =	vst v63  }
0x1e7: {  	_ =	swait.ge [sflag:s5], $0x4000  }
0x1e8: {  	[sflag:s5] =	ssyncset.done $0x0  }
0x1e9: {  	s1 =	rddreg [dreg:$0x1e];
	[sflag:s5] =	ssyncadd.s32 $0xFFFFC000  }
0x1ea: {  	[tilespmem:s3], [sflag:$0x1] =	stream.linear.gather [hbm4b:s1+s3], $0x4000, $0x38;
	[tilespmem:$0x7008] =	vst v63  }
0x1eb: {  	_ =	swait.ge [sflag:s5], $0x4000  }
0x1ec: {  	[sflag:s5] =	ssyncset.done $0x0  }
0x1ed: {  	[sflag:s5] =	ssyncadd.s32 $0xFFFFC000  }
0x1ee: {  	[spmem:s2] =	stream.indirect.scatter.add.f32 [tilespmem:s3], [sflag:$0x1], $0x80, s7, s6, $0xb8;
	[tilespmem:$0x7008] =	vst v63  }
0x1ef: {  	_ =	swait.ge [sflag:s5], $0x4000  }
0x1f0: {  	s31 =	sadd.s32 $0xFFFFFFFF, s31;
	[sflag:s5] =	ssyncset.done $0x0  }
0x1f1: {  	p2 =	sne.s32 s31, $0x0;
	[sflag:s5] =	ssyncadd.s32 $0xFFFFC000  }
.Ltmp2:
0x1f2: {  	[bflag:$0x0] =	sbarrier.arrive $0xFFFF;
	(pc) =	sbr.rel @p2 .LBB2_3-.Ltmp2, $4  }
0x1f3: {  	s1 =	rddreg [dreg:$0x1f]  }
0x1f4: {  	[hbm:s1], [sflag:s4] =	dma.local [spmem:s0], $0x400  }
0x1f5: {  	_ =	swait.ge [sflag:s5], $0x400  }
0x1f6: {  	s1 =	rddreg [dreg:$0x4];
	[sflag:s5] =	ssyncset.done $0x0  }
0x1f7: {  	s30 =	rddreg [dreg:$0x3];
	s31 =	stileid.u32  }
.LBB2_5:
0x1f8: {  	[sflag:s5] =	ssyncadd.s32 @p1 $0xFFFFFC00;
	s0 =	sshrl.u32 s1, $0x3  }
0x1f9: {  	[spmem:s0], [sflag:s4] =	dma.local [hbm:s22], $0x400  }
0x1fa: {  	_ =	swait.ge [sflag:s5], $0x400  }
0x1fb: {  	s1 =	sld [smem:$0x7F9]  }
0x1fc: {  	[sflag:s5] =	ssyncset.done $0x0  }
0x1fd: {  	[sflag:s5] =	ssyncadd.s32 $0xFFFFFC00  }
0x1fe: {  	[spmem:s1], [sflag:s4] =	dma.local @!p0 [hbm:s22], $0x10  }
0x1ff: {  	s1 =	simm.s32 @!p0 $0x1  }
0x200: {  	_ =	swait.ge @!p0 [sflag:s1], $0x10  }
0x201: {  	[sflag:s1] =	ssyncset.done @!p0 $0x0  }
0x202: {  	s22 =	rddreg [dreg:$0x5];
	[sflag:s1] =	ssyncadd.s32 @!p0 $0xFFFFFFF0  }
0x203: {  	[tilespmem:s29], [sflag:$0x1] =	stream.linear.gather [hbm4b:s22+s3], $0xC80, $0x38;
	[tilespmem:$0x7008] =	vst v63  }
0x204: {  	_ =	swait.ge [sflag:s5], $0xC80  }
0x205: {  	[sflag:s5] =	ssyncset.done $0x0  }
0x206: {  	[sflag:s5] =	ssyncadd.s32 $0xFFFFF380  }
0x207: {  	[bflag:$0x0] =	sbarrier.arrive $0xFFFF  }
0x208: {  	s22 =	rddreg [dreg:$0x6]  }
0x209: {  	[tilespmem:s3], [sflag:$0x1] =	stream.linear.gather [hbm4b:s22+s3], $0x4000, $0x38;
	[tilespmem:$0x7008] =	vst v63  }
0x20a: {  	_ =	swait.ge [sflag:s5], $0x4000  }
0x20b: {  	[sflag:s5] =	ssyncset.done $0x0  }
0x20c: {  	[sflag:s5] =	ssyncadd.s32 $0xFFFFC000  }
0x20d: {  	[spmem:s2] =	stream.indirect.scatter.add.f32 [tilespmem:s3], [sflag:$0x1], $0x80, s29, s6, $0xb8;
	[tilespmem:$0x7008] =	vst v63  }
0x20e: {  	_ =	swait.ge [sflag:s5], $0x4000  }
0x20f: {  	[sflag:s5] =	ssyncset.done $0x0  }
0x210: {  	s29 =	rddreg [dreg:$0x7];
	[sflag:s5] =	ssyncadd.s32 $0xFFFFC000  }
0x211: {  	[tilespmem:s3], [sflag:$0x1] =	stream.linear.gather [hbm4b:s29+s3], $0x4000, $0x38;
	[tilespmem:$0x7008] =	vst v63  }
0x212: {  	_ =	swait.ge [sflag:s5], $0x4000  }
0x213: {  	s22 =	sld [smem:$0x7FA]  }
0x214: {  	[sflag:s5] =	ssyncset.done $0x0  }
0x215: {  	[sflag:s5] =	ssyncadd.s32 $0xFFFFC000  }
0x216: {  	[spmem:s2] =	stream.indirect.scatter.add.f32 [tilespmem:s3], [sflag:$0x1], $0x80, s22, s6, $0xb8;
	[tilespmem:$0x7008] =	vst v63  }
0x217: {  	_ =	swait.ge [sflag:s5], $0x4000  }
0x218: {  	[sflag:s5] =	ssyncset.done $0x0  }
0x219: {  	s29 =	rddreg [dreg:$0x8];
	[sflag:s5] =	ssyncadd.s32 $0xFFFFC000  }
0x21a: {  	[tilespmem:s3], [sflag:$0x1] =	stream.linear.gather [hbm4b:s29+s3], $0x4000, $0x38;
	[tilespmem:$0x7008] =	vst v63  }
0x21b: {  	_ =	swait.ge [sflag:s5], $0x4000  }
0x21c: {  	s22 =	sld [smem:$0x7FB]  }
0x21d: {  	[sflag:s5] =	ssyncset.done $0x0  }
0x21e: {  	[sflag:s5] =	ssyncadd.s32 $0xFFFFC000  }
0x21f: {  	[spmem:s2] =	stream.indirect.scatter.add.f32 [tilespmem:s3], [sflag:$0x1], $0x80, s22, s6, $0xb8;
	[tilespmem:$0x7008] =	vst v63  }
0x220: {  	_ =	swait.ge [sflag:s5], $0x4000  }
0x221: {  	[sflag:s5] =	ssyncset.done $0x0  }
0x222: {  	s29 =	rddreg [dreg:$0x9];
	[sflag:s5] =	ssyncadd.s32 $0xFFFFC000  }
0x223: {  	[tilespmem:s3], [sflag:$0x1] =	stream.linear.gather [hbm4b:s29+s3], $0x4000, $0x38;
	[tilespmem:$0x7008] =	vst v63  }
0x224: {  	_ =	swait.ge [sflag:s5], $0x4000  }
0x225: {  	s22 =	sld [smem:$0x7FC]  }
0x226: {  	[sflag:s5] =	ssyncset.done $0x0  }
0x227: {  	[sflag:s5] =	ssyncadd.s32 $0xFFFFC000  }
0x228: {  	[spmem:s2] =	stream.indirect.scatter.add.f32 [tilespmem:s3], [sflag:$0x1], $0x80, s22, s6, $0xb8;
	[tilespmem:$0x7008] =	vst v63  }
0x229: {  	_ =	swait.ge [sflag:s5], $0x4000  }
0x22a: {  	[sflag:s5] =	ssyncset.done $0x0  }
0x22b: {  	s29 =	rddreg [dreg:$0xa];
	[sflag:s5] =	ssyncadd.s32 $0xFFFFC000  }
0x22c: {  	[tilespmem:s3], [sflag:$0x1] =	stream.linear.gather [hbm4b:s29+s3], $0x4000, $0x38;
	[tilespmem:$0x7008] =	vst v63  }
0x22d: {  	_ =	swait.ge [sflag:s5], $0x4000  }
0x22e: {  	s22 =	sld [smem:$0x7FD]  }
0x22f: {  	[sflag:s5] =	ssyncset.done $0x0  }
0x230: {  	[sflag:s5] =	ssyncadd.s32 $0xFFFFC000  }
0x231: {  	[spmem:s2] =	stream.indirect.scatter.add.f32 [tilespmem:s3], [sflag:$0x1], $0x80, s22, s6, $0xb8;
	[tilespmem:$0x7008] =	vst v63  }
0x232: {  	_ =	swait.ge [sflag:s5], $0x4000  }
0x233: {  	[sflag:s5] =	ssyncset.done $0x0  }
0x234: {  	s29 =	rddreg [dreg:$0xb];
	[sflag:s5] =	ssyncadd.s32 $0xFFFFC000  }
0x235: {  	[tilespmem:s3], [sflag:$0x1] =	stream.linear.gather [hbm4b:s29+s3], $0x4000, $0x38;
	[tilespmem:$0x7008] =	vst v63  }
0x236: {  	_ =	swait.ge [sflag:s5], $0x4000  }
0x237: {  	[sflag:s5] =	ssyncset.done $0x0  }
0x238: {  	[sflag:s5] =	ssyncadd.s32 $0xFFFFC000  }
0x239: {  	[spmem:s2] =	stream.indirect.scatter.add.f32 [tilespmem:s3], [sflag:$0x1], $0x80, s28, s6, $0xb8;
	[tilespmem:$0x7008] =	vst v63  }
0x23a: {  	_ =	swait.ge [sflag:s5], $0x4000  }
0x23b: {  	[sflag:s5] =	ssyncset.done $0x0  }
0x23c: {  	s22 =	rddreg [dreg:$0xc];
	[sflag:s5] =	ssyncadd.s32 $0xFFFFC000  }
0x23d: {  	[tilespmem:s3], [sflag:$0x1] =	stream.linear.gather [hbm4b:s22+s3], $0x4000, $0x38;
	[tilespmem:$0x7008] =	vst v63  }
0x23e: {  	_ =	swait.ge [sflag:s5], $0x4000  }
0x23f: {  	[sflag:s5] =	ssyncset.done $0x0  }
0x240: {  	[sflag:s5] =	ssyncadd.s32 $0xFFFFC000  }
0x241: {  	[spmem:s2] =	stream.indirect.scatter.add.f32 [tilespmem:s3], [sflag:$0x1], $0x80, s26, s6, $0xb8;
	[tilespmem:$0x7008] =	vst v63  }
0x242: {  	_ =	swait.ge [sflag:s5], $0x4000  }
0x243: {  	[sflag:s5] =	ssyncset.done $0x0  }
0x244: {  	s28 =	rddreg [dreg:$0xd];
	[sflag:s5] =	ssyncadd.s32 $0xFFFFC000  }
0x245: {  	[tilespmem:s3], [sflag:$0x1] =	stream.linear.gather [hbm4b:s28+s3], $0x4000, $0x38;
	[tilespmem:$0x7008] =	vst v63  }
0x246: {  	_ =	swait.ge [sflag:s5], $0x4000  }
0x247: {  	[sflag:s5] =	ssyncset.done $0x0  }
0x248: {  	[sflag:s5] =	ssyncadd.s32 $0xFFFFC000  }
0x249: {  	[spmem:s2] =	stream.indirect.scatter.add.f32 [tilespmem:s3], [sflag:$0x1], $0x80, s25, s6, $0xb8;
	[tilespmem:$0x7008] =	vst v63  }
0x24a: {  	_ =	swait.ge [sflag:s5], $0x4000  }
0x24b: {  	[sflag:s5] =	ssyncset.done $0x0  }
0x24c: {  	s29 =	rddreg [dreg:$0xe];
	[sflag:s5] =	ssyncadd.s32 $0xFFFFC000  }
0x24d: {  	[tilespmem:s3], [sflag:$0x1] =	stream.linear.gather [hbm4b:s29+s3], $0x4000, $0x38;
	[tilespmem:$0x7008] =	vst v63  }
0x24e: {  	_ =	swait.ge [sflag:s5], $0x4000  }
0x24f: {  	[sflag:s5] =	ssyncset.done $0x0  }
0x250: {  	[sflag:s5] =	ssyncadd.s32 $0xFFFFC000  }
0x251: {  	[spmem:s2] =	stream.indirect.scatter.add.f32 [tilespmem:s3], [sflag:$0x1], $0x80, s24, s6, $0xb8;
	[tilespmem:$0x7008] =	vst v63  }
0x252: {  	_ =	swait.ge [sflag:s5], $0x4000  }
0x253: {  	[sflag:s5] =	ssyncset.done $0x0  }
0x254: {  	s22 =	rddreg [dreg:$0xf];
	[sflag:s5] =	ssyncadd.s32 $0xFFFFC000  }
0x255: {  	[tilespmem:s3], [sflag:$0x1] =	stream.linear.gather [hbm4b:s22+s3], $0x4000, $0x38;
	[tilespmem:$0x7008] =	vst v63  }
0x256: {  	_ =	swait.ge [sflag:s5], $0x4000  }
0x257: {  	[sflag:s5] =	ssyncset.done $0x0  }
0x258: {  	[sflag:s5] =	ssyncadd.s32 $0xFFFFC000  }
0x259: {  	[spmem:s2] =	stream.indirect.scatter.add.f32 [tilespmem:s3], [sflag:$0x1], $0x80, s23, s6, $0xb8;
	[tilespmem:$0x7008] =	vst v63  }
0x25a: {  	_ =	swait.ge [sflag:s5], $0x4000  }
0x25b: {  	[sflag:s5] =	ssyncset.done $0x0  }
0x25c: {  	s24 =	rddreg [dreg:$0x10];
	[sflag:s5] =	ssyncadd.s32 $0xFFFFC000  }
0x25d: {  	[tilespmem:s3], [sflag:$0x1] =	stream.linear.gather [hbm4b:s24+s3], $0x4000, $0x38;
	[tilespmem:$0x7008] =	vst v63  }
0x25e: {  	_ =	swait.ge [sflag:s5], $0x4000  }
0x25f: {  	[sflag:s5] =	ssyncset.done $0x0  }
0x260: {  	[sflag:s5] =	ssyncadd.s32 $0xFFFFC000  }
0x261: {  	[spmem:s2] =	stream.indirect.scatter.add.f32 [tilespmem:s3], [sflag:$0x1], $0x80, s21, s6, $0xb8;
	[tilespmem:$0x7008] =	vst v63  }
0x262: {  	_ =	swait.ge [sflag:s5], $0x4000  }
0x263: {  	[sflag:s5] =	ssyncset.done $0x0  }
0x264: {  	s25 =	rddreg [dreg:$0x11];
	[sflag:s5] =	ssyncadd.s32 $0xFFFFC000  }
0x265: {  	[tilespmem:s3], [sflag:$0x1] =	stream.linear.gather [hbm4b:s25+s3], $0x4000, $0x38;
	[tilespmem:$0x7008] =	vst v63  }
0x266: {  	_ =	swait.ge [sflag:s5], $0x4000  }
0x267: {  	[sflag:s5] =	ssyncset.done $0x0  }
0x268: {  	[sflag:s5] =	ssyncadd.s32 $0xFFFFC000  }
0x269: {  	[spmem:s2] =	stream.indirect.scatter.add.f32 [tilespmem:s3], [sflag:$0x1], $0x80, s20, s6, $0xb8;
	[tilespmem:$0x7008] =	vst v63  }
0x26a: {  	_ =	swait.ge [sflag:s5], $0x4000  }
0x26b: {  	[sflag:s5] =	ssyncset.done $0x0  }
0x26c: {  	s26 =	rddreg [dreg:$0x12];
	[sflag:s5] =	ssyncadd.s32 $0xFFFFC000  }
0x26d: {  	[tilespmem:s3], [sflag:$0x1] =	stream.linear.gather [hbm4b:s26+s3], $0x4000, $0x38;
	[tilespmem:$0x7008] =	vst v63  }
0x26e: {  	_ =	swait.ge [sflag:s5], $0x4000  }
0x26f: {  	[sflag:s5] =	ssyncset.done $0x0  }
0x270: {  	[sflag:s5] =	ssyncadd.s32 $0xFFFFC000  }
0x271: {  	[spmem:s2] =	stream.indirect.scatter.add.f32 [tilespmem:s3], [sflag:$0x1], $0x80, s19, s6, $0xb8;
	[tilespmem:$0x7008] =	vst v63  }
0x272: {  	_ =	swait.ge [sflag:s5], $0x4000  }
0x273: {  	[sflag:s5] =	ssyncset.done $0x0  }
0x274: {  	s28 =	rddreg [dreg:$0x13];
	[sflag:s5] =	ssyncadd.s32 $0xFFFFC000  }
0x275: {  	[tilespmem:s3], [sflag:$0x1] =	stream.linear.gather [hbm4b:s28+s3], $0x4000, $0x38;
	[tilespmem:$0x7008] =	vst v63  }
0x276: {  	_ =	swait.ge [sflag:s5], $0x4000  }
0x277: {  	[sflag:s5] =	ssyncset.done $0x0  }
0x278: {  	[sflag:s5] =	ssyncadd.s32 $0xFFFFC000  }
0x279: {  	[spmem:s2] =	stream.indirect.scatter.add.f32 [tilespmem:s3], [sflag:$0x1], $0x80, s18, s6, $0xb8;
	[tilespmem:$0x7008] =	vst v63  }
0x27a: {  	_ =	swait.ge [sflag:s5], $0x4000  }
0x27b: {  	[sflag:s5] =	ssyncset.done $0x0  }
0x27c: {  	s29 =	rddreg [dreg:$0x14];
	[sflag:s5] =	ssyncadd.s32 $0xFFFFC000  }
0x27d: {  	[tilespmem:s3], [sflag:$0x1] =	stream.linear.gather [hbm4b:s29+s3], $0x4000, $0x38;
	[tilespmem:$0x7008] =	vst v63  }
0x27e: {  	_ =	swait.ge [sflag:s5], $0x4000  }
0x27f: {  	[sflag:s5] =	ssyncset.done $0x0  }
0x280: {  	[sflag:s5] =	ssyncadd.s32 $0xFFFFC000  }
0x281: {  	[spmem:s2] =	stream.indirect.scatter.add.f32 [tilespmem:s3], [sflag:$0x1], $0x80, s17, s6, $0xb8;
	[tilespmem:$0x7008] =	vst v63  }
0x282: {  	_ =	swait.ge [sflag:s5], $0x4000  }
0x283: {  	[sflag:s5] =	ssyncset.done $0x0  }
0x284: {  	s18 =	rddreg [dreg:$0x15];
	[sflag:s5] =	ssyncadd.s32 $0xFFFFC000  }
0x285: {  	[tilespmem:s3], [sflag:$0x1] =	stream.linear.gather [hbm4b:s18+s3], $0x4000, $0x38;
	[tilespmem:$0x7008] =	vst v63  }
0x286: {  	_ =	swait.ge [sflag:s5], $0x4000  }
0x287: {  	[sflag:s5] =	ssyncset.done $0x0  }
0x288: {  	[sflag:s5] =	ssyncadd.s32 $0xFFFFC000  }
0x289: {  	[spmem:s2] =	stream.indirect.scatter.add.f32 [tilespmem:s3], [sflag:$0x1], $0x80, s16, s6, $0xb8;
	[tilespmem:$0x7008] =	vst v63  }
0x28a: {  	_ =	swait.ge [sflag:s5], $0x4000  }
0x28b: {  	[sflag:s5] =	ssyncset.done $0x0  }
0x28c: {  	s19 =	rddreg [dreg:$0x16];
	[sflag:s5] =	ssyncadd.s32 $0xFFFFC000  }
0x28d: {  	[tilespmem:s3], [sflag:$0x1] =	stream.linear.gather [hbm4b:s19+s3], $0x4000, $0x38;
	[tilespmem:$0x7008] =	vst v63  }
0x28e: {  	_ =	swait.ge [sflag:s5], $0x4000  }
0x28f: {  	[sflag:s5] =	ssyncset.done $0x0  }
0x290: {  	[sflag:s5] =	ssyncadd.s32 $0xFFFFC000  }
0x291: {  	[spmem:s2] =	stream.indirect.scatter.add.f32 [tilespmem:s3], [sflag:$0x1], $0x80, s15, s6, $0xb8;
	[tilespmem:$0x7008] =	vst v63  }
0x292: {  	_ =	swait.ge [sflag:s5], $0x4000  }
0x293: {  	[sflag:s5] =	ssyncset.done $0x0  }
0x294: {  	s20 =	rddreg [dreg:$0x17];
	[sflag:s5] =	ssyncadd.s32 $0xFFFFC000  }
0x295: {  	[tilespmem:s3], [sflag:$0x1] =	stream.linear.gather [hbm4b:s20+s3], $0x4000, $0x38;
	[tilespmem:$0x7008] =	vst v63  }
0x296: {  	_ =	swait.ge [sflag:s5], $0x4000  }
0x297: {  	[sflag:s5] =	ssyncset.done $0x0  }
0x298: {  	[sflag:s5] =	ssyncadd.s32 $0xFFFFC000  }
0x299: {  	[spmem:s2] =	stream.indirect.scatter.add.f32 [tilespmem:s3], [sflag:$0x1], $0x80, s14, s6, $0xb8;
	[tilespmem:$0x7008] =	vst v63  }
0x29a: {  	_ =	swait.ge [sflag:s5], $0x4000  }
0x29b: {  	[sflag:s5] =	ssyncset.done $0x0  }
0x29c: {  	s21 =	rddreg [dreg:$0x18];
	[sflag:s5] =	ssyncadd.s32 $0xFFFFC000  }
0x29d: {  	[tilespmem:s3], [sflag:$0x1] =	stream.linear.gather [hbm4b:s21+s3], $0x4000, $0x38;
	[tilespmem:$0x7008] =	vst v63  }
0x29e: {  	_ =	swait.ge [sflag:s5], $0x4000  }
0x29f: {  	[sflag:s5] =	ssyncset.done $0x0  }
0x2a0: {  	[sflag:s5] =	ssyncadd.s32 $0xFFFFC000  }
0x2a1: {  	[spmem:s2] =	stream.indirect.scatter.add.f32 [tilespmem:s3], [sflag:$0x1], $0x80, s13, s6, $0xb8;
	[tilespmem:$0x7008] =	vst v63  }
0x2a2: {  	_ =	swait.ge [sflag:s5], $0x4000  }
0x2a3: {  	[sflag:s5] =	ssyncset.done $0x0  }
0x2a4: {  	s22 =	rddreg [dreg:$0x19];
	[sflag:s5] =	ssyncadd.s32 $0xFFFFC000  }
0x2a5: {  	[tilespmem:s3], [sflag:$0x1] =	stream.linear.gather [hbm4b:s22+s3], $0x4000, $0x38;
	[tilespmem:$0x7008] =	vst v63  }
0x2a6: {  	_ =	swait.ge [sflag:s5], $0x4000  }
0x2a7: {  	[sflag:s5] =	ssyncset.done $0x0  }
0x2a8: {  	[sflag:s5] =	ssyncadd.s32 $0xFFFFC000  }
0x2a9: {  	[spmem:s2] =	stream.indirect.scatter.add.f32 [tilespmem:s3], [sflag:$0x1], $0x80, s12, s6, $0xb8;
	[tilespmem:$0x7008] =	vst v63  }
0x2aa: {  	_ =	swait.ge [sflag:s5], $0x4000  }
0x2ab: {  	[sflag:s5] =	ssyncset.done $0x0  }
0x2ac: {  	s23 =	rddreg [dreg:$0x1a];
	[sflag:s5] =	ssyncadd.s32 $0xFFFFC000  }
0x2ad: {  	[tilespmem:s3], [sflag:$0x1] =	stream.linear.gather [hbm4b:s23+s3], $0x4000, $0x38;
	[tilespmem:$0x7008] =	vst v63  }
0x2ae: {  	_ =	swait.ge [sflag:s5], $0x4000  }
0x2af: {  	[sflag:s5] =	ssyncset.done $0x0  }
0x2b0: {  	[sflag:s5] =	ssyncadd.s32 $0xFFFFC000  }
0x2b1: {  	[spmem:s2] =	stream.indirect.scatter.add.f32 [tilespmem:s3], [sflag:$0x1], $0x80, s11, s6, $0xb8;
	[tilespmem:$0x7008] =	vst v63  }
0x2b2: {  	_ =	swait.ge [sflag:s5], $0x4000  }
0x2b3: {  	[sflag:s5] =	ssyncset.done $0x0  }
0x2b4: {  	s24 =	rddreg [dreg:$0x1b];
	[sflag:s5] =	ssyncadd.s32 $0xFFFFC000  }
0x2b5: {  	[tilespmem:s3], [sflag:$0x1] =	stream.linear.gather [hbm4b:s24+s3], $0x4000, $0x38;
	[tilespmem:$0x7008] =	vst v63  }
0x2b6: {  	_ =	swait.ge [sflag:s5], $0x4000  }
0x2b7: {  	[sflag:s5] =	ssyncset.done $0x0  }
0x2b8: {  	[sflag:s5] =	ssyncadd.s32 $0xFFFFC000  }
0x2b9: {  	[spmem:s2] =	stream.indirect.scatter.add.f32 [tilespmem:s3], [sflag:$0x1], $0x80, s10, s6, $0xb8;
	[tilespmem:$0x7008] =	vst v63  }
0x2ba: {  	_ =	swait.ge [sflag:s5], $0x4000  }
0x2bb: {  	[sflag:s5] =	ssyncset.done $0x0  }
0x2bc: {  	s25 =	rddreg [dreg:$0x1c];
	[sflag:s5] =	ssyncadd.s32 $0xFFFFC000  }
0x2bd: {  	[tilespmem:s3], [sflag:$0x1] =	stream.linear.gather [hbm4b:s25+s3], $0x4000, $0x38;
	[tilespmem:$0x7008] =	vst v63  }
0x2be: {  	_ =	swait.ge [sflag:s5], $0x4000  }
0x2bf: {  	[sflag:s5] =	ssyncset.done $0x0  }
0x2c0: {  	[sflag:s5] =	ssyncadd.s32 $0xFFFFC000  }
0x2c1: {  	[spmem:s2] =	stream.indirect.scatter.add.f32 [tilespmem:s3], [sflag:$0x1], $0x80, s9, s6, $0xb8;
	[tilespmem:$0x7008] =	vst v63  }
0x2c2: {  	_ =	swait.ge [sflag:s5], $0x4000  }
0x2c3: {  	[sflag:s5] =	ssyncset.done $0x0  }
0x2c4: {  	s26 =	rddreg [dreg:$0x1d];
	[sflag:s5] =	ssyncadd.s32 $0xFFFFC000  }
0x2c5: {  	[tilespmem:s3], [sflag:$0x1] =	stream.linear.gather [hbm4b:s26+s3], $0x4000, $0x38;
	[tilespmem:$0x7008] =	vst v63  }
0x2c6: {  	_ =	swait.ge [sflag:s5], $0x4000  }
0x2c7: {  	[sflag:s5] =	ssyncset.done $0x0  }
0x2c8: {  	[sflag:s5] =	ssyncadd.s32 $0xFFFFC000  }
0x2c9: {  	[spmem:s2] =	stream.indirect.scatter.add.f32 [tilespmem:s3], [sflag:$0x1], $0x80, s8, s6, $0xb8;
	[tilespmem:$0x7008] =	vst v63  }
0x2ca: {  	_ =	swait.ge [sflag:s5], $0x4000  }
0x2cb: {  	[sflag:s5] =	ssyncset.done $0x0  }
0x2cc: {  	s28 =	rddreg [dreg:$0x1e];
	[sflag:s5] =	ssyncadd.s32 $0xFFFFC000  }
0x2cd: {  	[tilespmem:s3], [sflag:$0x1] =	stream.linear.gather [hbm4b:s28+s3], $0x4000, $0x38;
	[tilespmem:$0x7008] =	vst v63  }
0x2ce: {  	_ =	swait.ge [sflag:s5], $0x4000  }
0x2cf: {  	[sflag:s5] =	ssyncset.done $0x0  }
0x2d0: {  	[sflag:s5] =	ssyncadd.s32 $0xFFFFC000  }
0x2d1: {  	[spmem:s2] =	stream.indirect.scatter.add.f32 [tilespmem:s3], [sflag:$0x1], $0x80, s7, s6, $0xb8;
	[tilespmem:$0x7008] =	vst v63  }
0x2d2: {  	_ =	swait.ge [sflag:s5], $0x4000  }
0x2d3: {  	[sflag:s5] =	ssyncset.done $0x0  }
0x2d4: {  	[sflag:s5] =	ssyncadd.s32 $0xFFFFC000  }
0x2d5: {  	[bflag:$0x0] =	sbarrier.arrive $0xFFFF  }
0x2d6: {  	s29 =	rddreg [dreg:$0x1f]  }
0x2d7: {  	[hbm:s29], [sflag:s4] =	dma.local [spmem:s0], $0x400  }
0x2d8: {  	_ =	swait.ge [sflag:s5], $0x400  }
0x2d9: {  	[sflag:s5] =	ssyncset.done $0x0  }
0x2da: {  	[sflag:s5] =	ssyncadd.s32 $0xFFFFFC00  }
0x2db: {  	_ =	sfence.sel $0x180000  }
0x2dc: {  	[bflag:$0x0] =	sbarrier.arrive $0xFFFF  }
0x2dd: {  	p0 =	sne.s32 s31, $0x0;
	_ =	strace $0x90000047  }
0x2de: {  	s0 =	sadd.s32 @!p0 $0x100000, s30;
	[bflag:$0x2] =	sbarrier.arrive $0xFFFF  }
0x2df: {  	[sflag:s0] =	ssyncadd.tile.s32 @!p0 $0x1;
	_ =	shalt  }
.LBB2_2:
.Ltmp3:
0x2e0: {  	(pc) =	sbr.rel .LBB2_5-.Ltmp3, $2  }
0x2e1: {  	_ =	sdelay $0x2  }
0x2e2: {  	s30 =	rddreg [dreg:$0x3];
	s31 =	stileid.u32  }
.Lfunc_end2:
_tile_overlayer_lowered:
.L_overlay_start_2:
0x2e3: {  	(tag) =	ssettag $0x2  }
0x2e4: {  	s0 =	rddreg [dreg:$0x0];
	s2 =	stileid.u32  }
0x2e5: {  	s1 =	rddreg [dreg:$0x1];
	p0 =	sne.s32 s2, $0x0  }
0x2e6: {  	s3 =	rddreg [dreg:$0x2];
	[bflag:$0x3] =	sbarrier.arrive $0xFFFF;
	s2 =	simm.s32 @!p0 $0x1C01  }
0x2e7: {  	[timem:s3], [sflag:s2] =	dma.local @!p0 [hbm:s0], s1  }
0x2e8: {  	s0 =	simm.s32 @!p0 $0x1  }
0x2e9: {  	_ =	swait.ge @!p0 [sflag:s0], s1  }
0x2ea: {  	s1 =	ssub.s32 @!p0 $0x0, s1;
	[sflag:s0] =	ssyncset.done @!p0 $0x0  }
0x2eb: {  	[sflag:s0] =	ssyncadd.s32 @!p0 s1  }
0x2ec: {  	[bflag:$0x3] =	sbarrier.arrive $0xFFFF  }
0x2ed: {  	_ =	shalt  }

// kernel: kernel.9.cloned.1.call-start
scs
__scs_entry_jumppad:
0x0: {  	(pc) =	sbr.rel $0x88, $3  }
0x1: {  	(tag) =	ssettag $0x0;
	lr =	simm.s32 $0x1  }
0x2: {  	[smem:$0x3F97] =	sst lr;
	_ =	strace $0xD0000000  }
0x3: {  	_ = 	snop  }
0x4: {  	_ = 	snop  }
0x5: {  	_ = 	snop  }
0x6: {  	_ = 	snop  }
0x7: {  	_ = 	snop  }
__scs_overlays_trampoline_lowered:
0x8: {  	[smem:$0x3FA6] =	sst s0  }
0x9: {  	[smem:$0x3FA7] =	sst s1  }
0xa: {  	[smem:$0x3FA8] =	sst s2  }
0xb: {  	[smem:$0x3FA9] =	sst s3  }
0xc: {  	[smem:$0x3FAA] =	sst s4  }
0xd: {  	[smem:$0x3FAB] =	sst s5  }
0xe: {  	[smem:$0x3FAC] =	sst s6  }
0xf: {  	[smem:$0x3FAD] =	sst s7  }
0x10: {  	[smem:$0x3FAE] =	sst s8  }
0x11: {  	[smem:$0x3FAF] =	sst s9;
	s0 =	simm.s32 @!p0 $0x0  }
0x12: {  	s1 =	sld [smem:$0x3F95];
	s0 =	simm.s32 @p0 $0x1  }
0x13: {  	[smem:$0x3FB0] =	sst s0;
	s0 =	simm.s32 @!p1 $0x0  }
0x14: {  	s2 =	sld [smem:$0x3F94];
	s0 =	simm.s32 @p1 $0x1  }
0x15: {  	[smem:$0x3FB1] =	sst s0;
	s0 =	simm.s32 @!p2 $0x0  }
0x16: {  	s3 =	sld [smem:$0x3FDB];
	s0 =	simm.s32 @p2 $0x1  }
0x17: {  	s4 =	simm.s32 $0x1BF5;
	[smem:$0x3FB3] =	sst s0  }
0x18: {  	s0 =	sld [smem:$0x3F96];
	_ =	swait.ge [sflag:s4], $0x0  }
0x19: {  	s7 =	sld [smem:$0x3F97]  }
0x1a: {  	s8 =	sadd.s32 $0xFFFFE003, lr  }
0x1b: {  	s9 =	sadd.s32 $0xFFFFFEF7, lr;
	s5 =	simm.s32 $0xFFFFFFFF;
	p2 =	slt.u32 s8, $0xFFFFF086  }
0x1c: {  	p1 =	slt.u32 s9, $0xF7A;
	s5 =	simm.s32 @!p2 $0x0  }
0x1d: {  	s5 =	simm.s32 @p1 $0x1;
	p0 =	seq.s32 s7, s2  }
0x1e: {  	s7 =	smul.u32 @!p0 $0xF7A, s2;
	p2 =	seq.s32 @!p0 s5, $0x0  }
0x1f: {  	s9 =	smul.u32 $0xF7A, s1;
	s8 =	simm.s32 @!p0 $0x1BF5;
	p2 =	por !p2, p0  }
0x20: {  	[sflag:s8] =	ssyncset.s32 @!p0 $0xFFFFF086;
	s6 =	sadd.s32 @!p0 s3, s7;
	s7 =	simm.s32 @!p0 $0x108  }
0x21: {  	s3 =	sadd.s32 s3, s9;
	s6 =	sadd.s32 @!p0 $0x88, s6;
	s7 =	simm.s32 @p2 $0x1082  }
0x22: {  	[simem:s7], [sflag:s8] =	dma.local @!p0 [hbm:s6], $0xF7A  }
0x23: {  	s9 =	sor.u32 $0xD0000000, s2;
	s6 =	simm.s32 $0x108;
	_ =	swait.ge @!p0 [sflag:s8], $0x0  }
0x24: {  	s3 =	sadd.s32 $0x88, s3;
	s6 =	simm.s32 @!p1 $0x1082;
	[sflag:s4] =	ssyncset.s32 $0xFFFFF086  }
0x25: {  	[simem:s6], [sflag:s4] =	dma.local [hbm:s3], $0xF7A  }
0x26: {  	[smem:$0x3F97] =	sst s1;
	(tag) =	ssettag s2;
	_ =	strace s9  }
0x27: {  	s1 =	sld [smem:$0x3FA7]  }
0x28: {  	s2 =	sld [smem:$0x3FA8]  }
0x29: {  	s4 =	sld [smem:$0x3FAA]  }
0x2a: {  	p0 =	seq.s32 s5, $0x0;
	s5 =	sld [smem:$0x3FAB]  }
0x2b: {  	s6 =	sld [smem:$0x3FAC]  }
0x2c: {  	s7 =	sld [smem:$0x3FAD]  }
0x2d: {  	s3 =	simm.s32 $0x108;
	s8 =	sld [smem:$0x3FAE]  }
0x2e: {  	s3 =	simm.s32 @!p0 $0x1082;
	s9 =	sld [smem:$0x3FAF]  }
0x2f: {  	lr =	sadd.s32 s0, s3;
	s0 =	sld [smem:$0x3FA6]  }
0x30: {  	s3 =	sld [smem:$0x3FA9]  }
0x31: {  	[smem:$0x3FB2] =	sst s10  }
0x32: {  	s10 =	sld [smem:$0x3FB0];
	_ =	sdelay $0x3  }
0x33: {  	p0 =	seq.s32 s10, $0x1;
	s10 =	sld [smem:$0x3FB2];
	_ =	sdelay $0x3  }
0x34: {  	[smem:$0x3FB2] =	sst s10  }
0x35: {  	s10 =	sld [smem:$0x3FB1];
	_ =	sdelay $0x3  }
0x36: {  	p1 =	seq.s32 s10, $0x1;
	s10 =	sld [smem:$0x3FB2];
	_ =	sdelay $0x3  }
0x37: {  	[smem:$0x3FB2] =	sst s10  }
0x38: {  	s10 =	sld [smem:$0x3FB3]  }
0x39: {  	_ = 	snop;
	(pc) =	sbr.ind lr, $3  }
0x3a: {  	_ = 	snop  }
0x3b: {  	_ = 	snop  }
0x3c: {  	p2 =	seq.s32 s10, $0x1;
	s10 =	sld [smem:$0x3FB2]  }
0x3d: {  	_ =	shalt  }
0x3e: {  	_ =	shalt  }
0x3f: {  	_ =	shalt  }
0x40: {  	_ =	shalt  }
0x41: {  	_ =	shalt  }
0x42: {  	_ =	shalt  }
0x43: {  	_ =	shalt  }
0x44: {  	_ =	shalt  }
0x45: {  	_ =	shalt  }
0x46: {  	_ =	shalt  }
0x47: {  	_ =	shalt  }
0x48: {  	_ =	shalt  }
0x49: {  	_ =	shalt  }
0x4a: {  	_ =	shalt  }
0x4b: {  	_ =	shalt  }
0x4c: {  	_ =	shalt  }
0x4d: {  	_ =	shalt  }
0x4e: {  	_ =	shalt  }
0x4f: {  	_ =	shalt  }
0x50: {  	_ =	shalt  }
0x51: {  	_ =	shalt  }
0x52: {  	_ =	shalt  }
0x53: {  	_ =	shalt  }
0x54: {  	_ =	shalt  }
0x55: {  	_ =	shalt  }
0x56: {  	_ =	shalt  }
0x57: {  	_ =	shalt  }
0x58: {  	_ =	shalt  }
0x59: {  	_ =	shalt  }
0x5a: {  	_ =	shalt  }
0x5b: {  	_ =	shalt  }
0x5c: {  	_ =	shalt  }
0x5d: {  	_ =	shalt  }
0x5e: {  	_ =	shalt  }
0x5f: {  	_ =	shalt  }
0x60: {  	_ =	shalt  }
0x61: {  	_ =	shalt  }
0x62: {  	_ =	shalt  }
0x63: {  	_ =	shalt  }
0x64: {  	_ =	shalt  }
0x65: {  	_ =	shalt  }
0x66: {  	_ =	shalt  }
0x67: {  	_ =	shalt  }
0x68: {  	_ =	shalt  }
0x69: {  	_ =	shalt  }
0x6a: {  	_ =	shalt  }
0x6b: {  	_ =	shalt  }
0x6c: {  	_ =	shalt  }
0x6d: {  	_ =	shalt  }
0x6e: {  	_ =	shalt  }
0x6f: {  	_ =	shalt  }
0x70: {  	_ =	shalt  }
0x71: {  	_ =	shalt  }
0x72: {  	_ =	shalt  }
0x73: {  	_ =	shalt  }
0x74: {  	_ =	shalt  }
0x75: {  	_ =	shalt  }
0x76: {  	_ =	shalt  }
0x77: {  	_ =	shalt  }
0x78: {  	_ =	shalt  }
0x79: {  	_ =	shalt  }
0x7a: {  	_ =	shalt  }
0x7b: {  	_ =	shalt  }
0x7c: {  	_ =	shalt  }
0x7d: {  	_ =	shalt  }
0x7e: {  	_ =	shalt  }
0x7f: {  	_ =	shalt  }
0x80: {  	_ =	shalt  }
0x81: {  	_ =	shalt  }
0x82: {  	_ =	shalt  }
0x83: {  	_ =	shalt  }
0x84: {  	_ =	shalt  }
0x85: {  	_ =	shalt  }
0x86: {  	_ =	shalt  }
0x87: {  	_ =	shalt  }
.Lfunc_end0:
.L_simem_size_0:
called_computation.1_lowered:
.L_overlay_start_0:
0x88: {  	s2 =	sld [smem:$0x3FD9]  }
0x89: {  	s3 =	sld [smem:$0x3FFE];
	_ =	sdelay $0x1  }
0x8a: {  	s1 =	srdreg.scid  }
0x8b: {  	s0 =	sand.u32 $0x1, s1  }
0x8c: {  	s15 =	sshll.u32 s0, $0xA;
	s2 =	sadd.s32 s3, s2  }
0x8d: {  	s2 =	sadd.s32 s2, s15  }
0x8e: {  	[smem:$0x3FBE] =	sst s2  }
0x8f: {  	_ = 	snop  }
0x90: {  	s2 =	sld [smem:$0x3FD0];
	_ =	sdelay $0x2  }
0x91: {  	s4 =	simm.s32 $0xB;
	s16 =	simm.s32 $0x10  }
0x92: {  	[smem:s16], [sflag:s4] =	dma.local [hbm:s2], $0x1  }
0x93: {  	_ =	swait.eq [sflag:s4], $0x1  }
0x94: {  	[sflag:s4] =	ssyncset.done $0x0  }
0x95: {  	s17 =	sld [smem:$0x11];
	[sflag:s4] =	ssyncadd.s32 $0xFFFFFFFF  }
0x96: {  	s18 =	sld [smem:$0x12];
	(tm) =	ssettm $0x1  }
0x97: {  	s19 =	sld [smem:$0x3FFB];
	_ =	sdelay $0x3  }
0x98: {  	_ =	strace s19  }
0x99: {  	s2 =	sld [smem:$0x3FFC];
	_ =	sdelay $0x3  }
0x9a: {  	_ =	strace s2  }
0x9b: {  	s2 =	sld [smem:$0x3FFD];
	_ =	sdelay $0x3  }
0x9c: {  	_ =	strace s2  }
0x9d: {  	_ =	strace $0x8FFFFFFF  }
0x9e: {  	s20 =	sld [smem:$0x3FDB];
	_ =	sdelay $0x1  }
0x9f: {  	s5 =	simm.s32 $_scs_section_size  }
0xa0: {  	s6 =	simm.s32 $_size__tile_overlayer_lowered;
	s7 =	simm.s32 $_tile_overlayer_lowered  }
0xa1: {  	s8 =	simm.s32 $0x1BFF;
	s21 =	sshll.u32 s7, $0x1;
	s5 =	sadd.s32 s5, s20  }
0xa2: {  	s22 =	simm.s32 $0x0;
	s6 =	sshll.u32 s6, $0x1;
	s7 =	sadd.s32 s21, s5  }
0xa3: {  	[timem:s22], [sflag:s8] =	dma.local [hbm:s7], s6  }
0xa4: {  	_ =	swait.ge [sflag:s8], s6  }
0xa5: {  	s6 =	ssub.s32 $0x0, s6;
	[sflag:s8] =	ssyncset.done $0x0  }
0xa6: {  	[sflag:s8] =	ssyncadd.s32 s6;
	_ =	sdelay $0x1  }
0xa7: {  	s23 =	simm.s32 $0x1B8B  }
0xa8: {  	_ =	swait.ge [sflag:s23], $0x1  }
0xa9: {  	[sflag:s23] =	ssyncset.done $0x0  }
0xaa: {  	[sflag:s23] =	ssyncadd.s32 $0xFFFFFFFF  }
0xab: {  	s6 =	sld [smem:$0x0]  }
0xac: {  	s7 =	sand.u32 $0xFFFFFFFE, s1  }
0xad: {  	p0 =	sne.s32 s1, s7  }
0xae: {  	s7 =	sshll.u32 @p0 s7, $0xE  }
0xaf: {  	s7 =	sadd.s32 @p0 $0x11B8D, s7;
	s8 =	sshll.u32 @p0 s6, $0x11  }
0xb0: {  	s7 =	sor.u32 @p0 s8, s7  }
0xb1: {  	[sflag:s7] =	ssyncadd.remote.s32 @p0 $0x1;
	_ =	sdelay $0x1  }
0xb2: {  	s7 =	simm.s32 @p0 $0x1B8D  }
0xb3: {  	_ =	swait.eq @p0 [sflag:s7], $0x1  }
0xb4: {  	[sflag:s7] =	ssyncadd.s32 @p0 $0xFFFFFFFF  }
0xb5: {  	s8 =	sshll.u32 @!p0 s1, $0xE  }
0xb6: {  	s8 =	sor.u32 @!p0 $0x4000, s8;
	s7 =	simm.s32 @!p0 $0x1B8D  }
0xb7: {  	s6 =	sshll.u32 @!p0 s6, $0x11;
	s8 =	sadd.s32 @!p0 $0x11B8D, s8;
	_ =	swait.eq @!p0 [sflag:s7], $0x1  }
0xb8: {  	s6 =	sor.u32 @!p0 s6, s8;
	[sflag:s7] =	ssyncadd.s32 @!p0 $0xFFFFFFFF  }
0xb9: {  	s25 =	simm.s32 $0x1B8E;
	s24 =	sld [smem:$0x3FFE];
	[sflag:s6] =	ssyncadd.remote.s32 @!p0 $0x1  }
0xba: {  	s26 =	simm.s32 $execute0_lowered;
	[smem:$0x3FD2] =	sst s25  }
0xbb: {  	s7 =	sshll.u32 s26, $0x1;
	_ =	strace $0x80000049;
	[dreg:$0x1] =	wrdreg $0xFFFFFFFF  }
0xbc: {  	s28 =	simm.s32 $_size_execute0_lowered;
	s5 =	sadd.s32 s5, s7;
	[dreg:$0x0] =	wrdreg $0x0  }
0xbd: {  	s7 =	sshll.u32 s28, $0x1;
	[dreg:$0x2] =	wrdreg s5  }
0xbe: {  	[dreg:$0x3] =	wrdreg s7  }
0xbf: {  	[dreg:$0x4] =	wrdreg $0xC0  }
0xc0: {  	_ =	task [dreg:s22], $0x5FFFF  }
0xc1: {  	[dreg:$0x1] =	wrdreg $0xFFFFFFFF  }
0xc2: {  	[dreg:$0x0] =	wrdreg $0x60  }
0xc3: {  	[dreg:$0x2] =	wrdreg s24  }
0xc4: {  	[dreg:$0x3] =	wrdreg s18  }
0xc5: {  	[dreg:$0x4] =	wrdreg s17  }
0xc6: {  	[dreg:$0x5] =	wrdreg $0x50000  }
0xc7: {  	[dreg:$0x6] =	wrdreg $0xA  }
0xc8: {  	_ =	task.clear_ibuf [dreg:s22], $0x7FFFF;
	_ =	strace $0x90000049  }
0xc9: {  	s29 =	simm.s32 $0xA;
	_ =	strace $0x8000004B  }
0xca: {  	_ =	swait.ge [sflag:s29], $0x1  }
0xcb: {  	[sflag:s29] =	ssyncadd.s32 $0xFFFFFFFF  }
0xcc: {  	_ =	strace $0x9000004B  }
0xcd: {  	_ =	sfence  }
0xce: {  	s30 =	sld [smem:$0x0];
	_ =	sdelay $0x2  }
0xcf: {  	s31 =	sshll.u32 s1, $0xD;
	s1 =	sshrl.u32 s1, $0x2  }
0xd0: {  	s4 =	sand.u32 $0x4000, s31;
	s1 =	sadd.s32 s1, s30  }
0xd1: {  	s0 =	sor.u32 s4, s0;
	s1 =	sshll.u32 s1, $0x11  }
0xd2: {  	s0 =	sor.u32 s1, s0  }
0xd3: {  	s0 =	sadd.s32 $0x8F2B, s0  }
0xd4: {  	[sflag:s0] =	ssyncadd.remote.s32 $0x1  }
0xd5: {  	_ =	sfence.sel $0xFFFF  }
0xd6: {  	[dreg:$0x0] =	wrdreg $0xFFFFFFFF;
	(pc) =	sbr.abs _section_cstart, $3  }
0xd7: {  	[dreg:$0x1] =	wrdreg $0xFFFFFFFF  }
0xd8: {  	_ =	task.clear_ibuf [dreg:s22], $0x2FFFF;
	_ =	strace $0x9FFFFFFF  }
0xd9: {  	(tm) =	ssettm $0x7FFFFFFF  }
tec
execute0_lowered:
.L_overlay_start_1:
0x0: {  	(tag) =	ssettag $0x1  }
0x1: {  	s5 =	rddreg [dreg:$0x0]  }
0x2: {  	s0 =	rddreg [dreg:$0x1]  }
0x3: {  	s2 =	rddreg [dreg:$0x2]  }
0x4: {  	s3 =	rddreg [dreg:$0x3];
	s4 =	simm.s32 $0x0  }
0x5: {  	s1 =	stileid.u32;
	s15 =	srdreg.scid;
	s18 =	simm.s32 $0x4080  }
0x6: {  	s19 =	simm.s32 $0x4100;
	s21 =	simm.s32 $0x4180;
	[dreg:$0x5] =	wrdreg s0  }
0x7: {  	s22 =	simm.s32 $0x4200;
	[smem:$0x7FF] =	sst s4;
	s6 =	sshll.u32 s1, $0x9  }
0x8: {  	s0 =	sand.u32 $0x1, s15;
	s7 =	sshll.u32 s1, $0xA;
	p0 =	sne.s32 s1, $0xF  }
0x9: {  	_ =	strace $0x8000004A;
	s6 =	sadd.s32 s6, s5;
	[dreg:$0x9] =	wrdreg s18  }
0xa: {  	s8 =	sshll.u32 s0, $0xD;
	s5 =	sadd.s32 s7, s5;
	[dreg:$0xa] =	wrdreg s19  }
0xb: {  	s16 =	sshll.u32 s0, $0xE;
	[dreg:$0xb] =	wrdreg s21;
	s6 =	sadd.s32 s8, s6  }
0xc: {  	[dreg:$0xc] =	wrdreg s22;
	s5 =	sadd.s32 s16, s5;
	s6 =	sadd.s32 $0x30F400, s6  }
0xd: {  	s8 =	sadd.s32 $0x20000, s3;
	s5 =	sadd.s32 $0xA000, s5;
	[dreg:$0x6] =	wrdreg s6  }
0xe: {  	s17 =	sshll.u32 s1, $0xD;
	[dreg:$0x7] =	wrdreg s5;
	s5 =	sshrl.u32 @!p0 s8, $0x3  }
0xf: {  	s20 =	sshll.u32 s1, $0x6;
	s6 =	sadd.s32 s17, s3;
	[dreg:$0x8] =	wrdreg s5  }
0x10: {  	s5 =	sor.u32 $0x1C01, s20;
	s7 =	sshrl.u32 s6, $0x3;
	s6 =	simm.s32 $0x1  }
0x11: {  	[spmem:s7], [sflag:s5] =	dma.local [hbm:s2], $0x400  }
0x12: {  	_ =	swait.ge [sflag:s6], $0x400  }
0x13: {  	[sflag:s6] =	ssyncset.done $0x0  }
0x14: {  	s8 =	simm.s32 @!p0 $0x1;
	s9 =	rddreg [dreg:$0x8];
	[sflag:s6] =	ssyncadd.s32 $0xFFFFFC00  }
0x15: {  	[spmem:s9], [sflag:s5] =	dma.local @!p0 [hbm:s2], $0x10  }
0x16: {  	_ =	swait.ge @!p0 [sflag:s8], $0x10  }
0x17: {  	[sflag:s8] =	ssyncset.done @!p0 $0x0  }
0x18: {  	s9 =	simm.s32 $0x4000;
	s10 =	rddreg [dreg:$0x6];
	[sflag:s8] =	ssyncadd.s32 @!p0 $0xFFFFFFF0  }
0x19: {  	[tilespmem:s9], [sflag:$0x1] =	stream.linear.gather [hbm4b:s10+s4], $0xC80, $0x38;
	[tilespmem:$0x7008] =	vst v63  }
0x1a: {  	_ =	swait.ge [sflag:s6], $0xC80  }
0x1b: {  	[sflag:s6] =	ssyncset.done $0x0  }
0x1c: {  	s23 =	rddreg [dreg:$0x5];
	[sflag:s6] =	ssyncadd.s32 $0xFFFFF380  }
0x1d: {  	[tilespmem:s4], [sflag:$0x1] =	stream.linear.gather [hbm4b:s23+s4], $0x4000, $0x38;
	[tilespmem:$0x7008] =	vst v63  }
0x1e: {  	_ =	swait.ge [sflag:s6], $0x4000  }
0x1f: {  	[sflag:s6] =	ssyncset.done $0x0  }
0x20: {  	[sflag:s6] =	ssyncadd.s32 $0xFFFFC000  }
0x21: {  	s10 =	simm.s32 $0x80;
	[bflag:$0x0] =	sbarrier.arrive $0xFFFF  }
0x22: {  	[spmem:s3] =	stream.indirect.scatter.add.f32 [tilespmem:s4], [sflag:$0x1], $0x80, s9, s10, $0xb8;
	[tilespmem:$0x7008] =	vst v63  }
0x23: {  	_ =	swait.ge [sflag:s6], $0x4000  }
0x24: {  	[sflag:s6] =	ssyncset.done $0x0  }
0x25: {  	s11 =	rddreg [dreg:$0x9];
	[sflag:s6] =	ssyncadd.s32 $0xFFFFC000  }
0x26: {  	[spmem:s3] =	stream.indirect.scatter.add.f32 [tilespmem:s4], [sflag:$0x1], $0x80, s11, s10, $0xb8;
	[tilespmem:$0x7008] =	vst v63  }
0x27: {  	_ =	swait.ge [sflag:s6], $0x4000  }
0x28: {  	[sflag:s6] =	ssyncset.done $0x0  }
0x29: {  	s24 =	rddreg [dreg:$0xa];
	[sflag:s6] =	ssyncadd.s32 $0xFFFFC000  }
0x2a: {  	[spmem:s3] =	stream.indirect.scatter.add.f32 [tilespmem:s4], [sflag:$0x1], $0x80, s24, s10, $0xb8;
	[tilespmem:$0x7008] =	vst v63  }
0x2b: {  	_ =	swait.ge [sflag:s6], $0x4000  }
0x2c: {  	[sflag:s6] =	ssyncset.done $0x0  }
0x2d: {  	s25 =	rddreg [dreg:$0xb];
	[sflag:s6] =	ssyncadd.s32 $0xFFFFC000  }
0x2e: {  	[spmem:s3] =	stream.indirect.scatter.add.f32 [tilespmem:s4], [sflag:$0x1], $0x80, s25, s10, $0xb8;
	[tilespmem:$0x7008] =	vst v63  }
0x2f: {  	_ =	swait.ge [sflag:s6], $0x4000  }
0x30: {  	[sflag:s6] =	ssyncset.done $0x0  }
0x31: {  	s26 =	rddreg [dreg:$0xc];
	[sflag:s6] =	ssyncadd.s32 $0xFFFFC000  }
0x32: {  	[spmem:s3] =	stream.indirect.scatter.add.f32 [tilespmem:s4], [sflag:$0x1], $0x80, s26, s10, $0xb8;
	[tilespmem:$0x7008] =	vst v63  }
0x33: {  	_ =	swait.ge [sflag:s6], $0x4000  }
0x34: {  	[sflag:s6] =	ssyncset.done $0x0  }
0x35: {  	s11 =	simm.s32 $0x4280;
	[sflag:s6] =	ssyncadd.s32 $0xFFFFC000  }
0x36: {  	[spmem:s3] =	stream.indirect.scatter.add.f32 [tilespmem:s4], [sflag:$0x1], $0x80, s11, s10, $0xb8;
	[tilespmem:$0x7008] =	vst v63  }
0x37: {  	_ =	swait.ge [sflag:s6], $0x4000  }
0x38: {  	[sflag:s6] =	ssyncset.done $0x0  }
0x39: {  	s12 =	simm.s32 $0x4300;
	[sflag:s6] =	ssyncadd.s32 $0xFFFFC000  }
0x3a: {  	[spmem:s3] =	stream.indirect.scatter.add.f32 [tilespmem:s4], [sflag:$0x1], $0x80, s12, s10, $0xb8;
	[tilespmem:$0x7008] =	vst v63  }
0x3b: {  	_ =	swait.ge [sflag:s6], $0x4000  }
0x3c: {  	[sflag:s6] =	ssyncset.done $0x0  }
0x3d: {  	s13 =	simm.s32 $0x4380;
	[sflag:s6] =	ssyncadd.s32 $0xFFFFC000  }
0x3e: {  	[spmem:s3] =	stream.indirect.scatter.add.f32 [tilespmem:s4], [sflag:$0x1], $0x80, s13, s10, $0xb8;
	[tilespmem:$0x7008] =	vst v63  }
0x3f: {  	_ =	swait.ge [sflag:s6], $0x4000  }
0x40: {  	[sflag:s6] =	ssyncset.done $0x0  }
0x41: {  	s14 =	simm.s32 $0x4400;
	[sflag:s6] =	ssyncadd.s32 $0xFFFFC000  }
0x42: {  	[spmem:s3] =	stream.indirect.scatter.add.f32 [tilespmem:s4], [sflag:$0x1], $0x80, s14, s10, $0xb8;
	[tilespmem:$0x7008] =	vst v63  }
0x43: {  	_ =	swait.ge [sflag:s6], $0x4000  }
0x44: {  	[sflag:s6] =	ssyncset.done $0x0  }
0x45: {  	s15 =	simm.s32 $0x4480;
	[sflag:s6] =	ssyncadd.s32 $0xFFFFC000  }
0x46: {  	[spmem:s3] =	stream.indirect.scatter.add.f32 [tilespmem:s4], [sflag:$0x1], $0x80, s15, s10, $0xb8;
	[tilespmem:$0x7008] =	vst v63  }
0x47: {  	_ =	swait.ge [sflag:s6], $0x4000  }
0x48: {  	[sflag:s6] =	ssyncset.done $0x0  }
0x49: {  	s16 =	simm.s32 $0x4500;
	[sflag:s6] =	ssyncadd.s32 $0xFFFFC000  }
0x4a: {  	[spmem:s3] =	stream.indirect.scatter.add.f32 [tilespmem:s4], [sflag:$0x1], $0x80, s16, s10, $0xb8;
	[tilespmem:$0x7008] =	vst v63  }
0x4b: {  	_ =	swait.ge [sflag:s6], $0x4000  }
0x4c: {  	[sflag:s6] =	ssyncset.done $0x0  }
0x4d: {  	s17 =	simm.s32 $0x4580;
	[sflag:s6] =	ssyncadd.s32 $0xFFFFC000  }
0x4e: {  	[spmem:s3] =	stream.indirect.scatter.add.f32 [tilespmem:s4], [sflag:$0x1], $0x80, s17, s10, $0xb8;
	[tilespmem:$0x7008] =	vst v63  }
0x4f: {  	_ =	swait.ge [sflag:s6], $0x4000  }
0x50: {  	[sflag:s6] =	ssyncset.done $0x0  }
0x51: {  	s18 =	simm.s32 $0x4600;
	[sflag:s6] =	ssyncadd.s32 $0xFFFFC000  }
0x52: {  	[spmem:s3] =	stream.indirect.scatter.add.f32 [tilespmem:s4], [sflag:$0x1], $0x80, s18, s10, $0xb8;
	[tilespmem:$0x7008] =	vst v63  }
0x53: {  	_ =	swait.ge [sflag:s6], $0x4000  }
0x54: {  	[sflag:s6] =	ssyncset.done $0x0  }
0x55: {  	s19 =	simm.s32 $0x4680;
	[sflag:s6] =	ssyncadd.s32 $0xFFFFC000  }
0x56: {  	[spmem:s3] =	stream.indirect.scatter.add.f32 [tilespmem:s4], [sflag:$0x1], $0x80, s19, s10, $0xb8;
	[tilespmem:$0x7008] =	vst v63  }
0x57: {  	_ =	swait.ge [sflag:s6], $0x4000  }
0x58: {  	[sflag:s6] =	ssyncset.done $0x0  }
0x59: {  	s20 =	simm.s32 $0x4700;
	[sflag:s6] =	ssyncadd.s32 $0xFFFFC000  }
0x5a: {  	[spmem:s3] =	stream.indirect.scatter.add.f32 [tilespmem:s4], [sflag:$0x1], $0x80, s20, s10, $0xb8;
	[tilespmem:$0x7008] =	vst v63  }
0x5b: {  	_ =	swait.ge [sflag:s6], $0x4000  }
0x5c: {  	[sflag:s6] =	ssyncset.done $0x0  }
0x5d: {  	s21 =	simm.s32 $0x4780;
	[sflag:s6] =	ssyncadd.s32 $0xFFFFC000  }
0x5e: {  	[spmem:s3] =	stream.indirect.scatter.add.f32 [tilespmem:s4], [sflag:$0x1], $0x80, s21, s10, $0xb8;
	[tilespmem:$0x7008] =	vst v63  }
0x5f: {  	_ =	swait.ge [sflag:s6], $0x4000  }
0x60: {  	[sflag:s6] =	ssyncset.done $0x0  }
0x61: {  	s22 =	simm.s32 $0x4800;
	[sflag:s6] =	ssyncadd.s32 $0xFFFFC000  }
0x62: {  	[spmem:s3] =	stream.indirect.scatter.add.f32 [tilespmem:s4], [sflag:$0x1], $0x80, s22, s10, $0xb8;
	[tilespmem:$0x7008] =	vst v63  }
0x63: {  	_ =	swait.ge [sflag:s6], $0x4000  }
0x64: {  	[sflag:s6] =	ssyncset.done $0x0  }
0x65: {  	s23 =	simm.s32 $0x4880;
	[sflag:s6] =	ssyncadd.s32 $0xFFFFC000  }
0x66: {  	[spmem:s3] =	stream.indirect.scatter.add.f32 [tilespmem:s4], [sflag:$0x1], $0x80, s23, s10, $0xb8;
	[tilespmem:$0x7008] =	vst v63  }
0x67: {  	_ =	swait.ge [sflag:s6], $0x4000  }
0x68: {  	[sflag:s6] =	ssyncset.done $0x0  }
0x69: {  	s24 =	simm.s32 $0x4900;
	[sflag:s6] =	ssyncadd.s32 $0xFFFFC000  }
0x6a: {  	[spmem:s3] =	stream.indirect.scatter.add.f32 [tilespmem:s4], [sflag:$0x1], $0x80, s24, s10, $0xb8;
	[tilespmem:$0x7008] =	vst v63  }
0x6b: {  	_ =	swait.ge [sflag:s6], $0x4000  }
0x6c: {  	[sflag:s6] =	ssyncset.done $0x0  }
0x6d: {  	s25 =	simm.s32 $0x4980;
	[sflag:s6] =	ssyncadd.s32 $0xFFFFC000  }
0x6e: {  	[spmem:s3] =	stream.indirect.scatter.add.f32 [tilespmem:s4], [sflag:$0x1], $0x80, s25, s10, $0xb8;
	[tilespmem:$0x7008] =	vst v63  }
0x6f: {  	_ =	swait.ge [sflag:s6], $0x4000  }
0x70: {  	[sflag:s6] =	ssyncset.done $0x0  }
0x71: {  	s26 =	simm.s32 $0x4A00;
	[sflag:s6] =	ssyncadd.s32 $0xFFFFC000  }
0x72: {  	[spmem:s3] =	stream.indirect.scatter.add.f32 [tilespmem:s4], [sflag:$0x1], $0x80, s26, s10, $0xb8;
	[tilespmem:$0x7008] =	vst v63  }
0x73: {  	_ =	swait.ge [sflag:s6], $0x4000  }
0x74: {  	[sflag:s6] =	ssyncset.done $0x0  }
0x75: {  	s28 =	simm.s32 $0x4A80;
	[sflag:s6] =	ssyncadd.s32 $0xFFFFC000  }
0x76: {  	[spmem:s3] =	stream.indirect.scatter.add.f32 [tilespmem:s4], [sflag:$0x1], $0x80, s28, s10, $0xb8;
	[tilespmem:$0x7008] =	vst v63  }
0x77: {  	_ =	swait.ge [sflag:s6], $0x4000  }
0x78: {  	[sflag:s6] =	ssyncset.done $0x0  }
0x79: {  	s29 =	simm.s32 $0x4B00;
	[sflag:s6] =	ssyncadd.s32 $0xFFFFC000  }
0x7a: {  	[spmem:s3] =	stream.indirect.scatter.add.f32 [tilespmem:s4], [sflag:$0x1], $0x80, s29, s10, $0xb8;
	[tilespmem:$0x7008] =	vst v63  }
0x7b: {  	_ =	swait.ge [sflag:s6], $0x4000  }
0x7c: {  	[sflag:s6] =	ssyncset.done $0x0  }
0x7d: {  	s30 =	simm.s32 $0x4B80;
	[sflag:s6] =	ssyncadd.s32 $0xFFFFC000  }
0x7e: {  	[spmem:s3] =	stream.indirect.scatter.add.f32 [tilespmem:s4], [sflag:$0x1], $0x80, s30, s10, $0xb8;
	[tilespmem:$0x7008] =	vst v63  }
0x7f: {  	_ =	swait.ge [sflag:s6], $0x4000  }
0x80: {  	[sflag:s6] =	ssyncset.done $0x0  }
0x81: {  	s31 =	simm.s32 $0x4C00;
	[sflag:s6] =	ssyncadd.s32 $0xFFFFC000  }
0x82: {  	[spmem:s3] =	stream.indirect.scatter.add.f32 [tilespmem:s4], [sflag:$0x1], $0x80, s31, s10, $0xb8;
	[tilespmem:$0x7008] =	vst v63  }
0x83: {  	_ =	swait.ge [sflag:s6], $0x4000  }
0x84: {  	[sflag:s6] =	ssyncset.done $0x0  }
0x85: {  	[sflag:s6] =	ssyncadd.s32 $0xFFFFC000  }
0x86: {  	[bflag:$0x0] =	sbarrier.arrive $0xFFFF  }
0x87: {  	s0 =	ssub.s32 $0x2, s0;
	s1 =	rddreg [dreg:$0x7]  }
0x88: {  	[dreg:$0xd] =	wrdreg s1;
	s1 =	sshrl.u32 s0, $0x1  }
0x89: {  	s0 =	ssub.s32 s0, s1  }
0x8a: {  	s0 =	smax.u32 s0, $0x1  }
0x8b: {  	s0 =	sadd.s32 $0xFFFFFFFF, s0  }
0x8c: {  	p1 =	sne.s32 s0, $0x0  }
.Ltmp0:
0x8d: {  	_ = 	snop;
	(pc) =	sbr.rel @!p1 .LBB2_2-.Ltmp0, $4  }
0x8e: {  	s1 =	rddreg [dreg:$0xd]  }
0x8f: {  	[hbm:s1], [sflag:s5] =	dma.local [spmem:s7], $0x400  }
0x90: {  	_ =	swait.ge [sflag:s6], $0x400  }
0x91: {  	[sflag:s6] =	ssyncset.done $0x0  }
.LBB2_1:
0x92: {  	[sflag:s6] =	ssyncadd.s32 $0xFFFFFC00  }
0x93: {  	[spmem:s7], [sflag:s5] =	dma.local [hbm:s2], $0x400  }
0x94: {  	_ =	swait.ge [sflag:s6], $0x400  }
0x95: {  	[sflag:s6] =	ssyncset.done $0x0  }
0x96: {  	s1 =	rddreg [dreg:$0x8];
	[sflag:s6] =	ssyncadd.s32 $0xFFFFFC00  }
0x97: {  	[spmem:s1], [sflag:s5] =	dma.local @!p0 [hbm:s2], $0x10  }
0x98: {  	_ =	swait.ge @!p0 [sflag:s8], $0x10  }
0x99: {  	[sflag:s8] =	ssyncset.done @!p0 $0x0  }
0x9a: {  	s1 =	rddreg [dreg:$0x6];
	[sflag:s8] =	ssyncadd.s32 @!p0 $0xFFFFFFF0  }
0x9b: {  	[tilespmem:s9], [sflag:$0x1] =	stream.linear.gather [hbm4b:s1+s4], $0xC80, $0x38;
	[tilespmem:$0x7008] =	vst v63  }
0x9c: {  	_ =	swait.ge [sflag:s6], $0xC80  }
0x9d: {  	[sflag:s6] =	ssyncset.done $0x0  }
0x9e: {  	s1 =	rddreg [dreg:$0x5];
	[sflag:s6] =	ssyncadd.s32 $0xFFFFF380  }
0x9f: {  	[tilespmem:s4], [sflag:$0x1] =	stream.linear.gather [hbm4b:s1+s4], $0x4000, $0x38;
	[tilespmem:$0x7008] =	vst v63  }
0xa0: {  	_ =	swait.ge [sflag:s6], $0x4000  }
0xa1: {  	[sflag:s6] =	ssyncset.done $0x0  }
0xa2: {  	[sflag:s6] =	ssyncadd.s32 $0xFFFFC000  }
0xa3: {  	[bflag:$0x0] =	sbarrier.arrive $0xFFFF  }
0xa4: {  	[spmem:s3] =	stream.indirect.scatter.add.f32 [tilespmem:s4], [sflag:$0x1], $0x80, s9, s10, $0xb8;
	[tilespmem:$0x7008] =	vst v63  }
0xa5: {  	_ =	swait.ge [sflag:s6], $0x4000  }
0xa6: {  	[sflag:s6] =	ssyncset.done $0x0  }
0xa7: {  	s1 =	rddreg [dreg:$0x9];
	[sflag:s6] =	ssyncadd.s32 $0xFFFFC000  }
0xa8: {  	[spmem:s3] =	stream.indirect.scatter.add.f32 [tilespmem:s4], [sflag:$0x1], $0x80, s1, s10, $0xb8;
	[tilespmem:$0x7008] =	vst v63  }
0xa9: {  	_ =	swait.ge [sflag:s6], $0x4000  }
0xaa: {  	[sflag:s6] =	ssyncset.done $0x0  }
0xab: {  	s1 =	rddreg [dreg:$0xa];
	[sflag:s6] =	ssyncadd.s32 $0xFFFFC000  }
0xac: {  	[spmem:s3] =	stream.indirect.scatter.add.f32 [tilespmem:s4], [sflag:$0x1], $0x80, s1, s10, $0xb8;
	[tilespmem:$0x7008] =	vst v63  }
0xad: {  	_ =	swait.ge [sflag:s6], $0x4000  }
0xae: {  	[sflag:s6] =	ssyncset.done $0x0  }
0xaf: {  	s1 =	rddreg [dreg:$0xb];
	[sflag:s6] =	ssyncadd.s32 $0xFFFFC000  }
0xb0: {  	[spmem:s3] =	stream.indirect.scatter.add.f32 [tilespmem:s4], [sflag:$0x1], $0x80, s1, s10, $0xb8;
	[tilespmem:$0x7008] =	vst v63  }
0xb1: {  	_ =	swait.ge [sflag:s6], $0x4000  }
0xb2: {  	[sflag:s6] =	ssyncset.done $0x0  }
0xb3: {  	s1 =	rddreg [dreg:$0xc];
	[sflag:s6] =	ssyncadd.s32 $0xFFFFC000  }
0xb4: {  	[spmem:s3] =	stream.indirect.scatter.add.f32 [tilespmem:s4], [sflag:$0x1], $0x80, s1, s10, $0xb8;
	[tilespmem:$0x7008] =	vst v63  }
0xb5: {  	_ =	swait.ge [sflag:s6], $0x4000  }
0xb6: {  	[sflag:s6] =	ssyncset.done $0x0  }
0xb7: {  	[sflag:s6] =	ssyncadd.s32 $0xFFFFC000  }
0xb8: {  	[spmem:s3] =	stream.indirect.scatter.add.f32 [tilespmem:s4], [sflag:$0x1], $0x80, s11, s10, $0xb8;
	[tilespmem:$0x7008] =	vst v63  }
0xb9: {  	_ =	swait.ge [sflag:s6], $0x4000  }
0xba: {  	[sflag:s6] =	ssyncset.done $0x0  }
0xbb: {  	[sflag:s6] =	ssyncadd.s32 $0xFFFFC000  }
0xbc: {  	[spmem:s3] =	stream.indirect.scatter.add.f32 [tilespmem:s4], [sflag:$0x1], $0x80, s12, s10, $0xb8;
	[tilespmem:$0x7008] =	vst v63  }
0xbd: {  	_ =	swait.ge [sflag:s6], $0x4000  }
0xbe: {  	[sflag:s6] =	ssyncset.done $0x0  }
0xbf: {  	[sflag:s6] =	ssyncadd.s32 $0xFFFFC000  }
0xc0: {  	[spmem:s3] =	stream.indirect.scatter.add.f32 [tilespmem:s4], [sflag:$0x1], $0x80, s13, s10, $0xb8;
	[tilespmem:$0x7008] =	vst v63  }
0xc1: {  	_ =	swait.ge [sflag:s6], $0x4000  }
0xc2: {  	[sflag:s6] =	ssyncset.done $0x0  }
0xc3: {  	[sflag:s6] =	ssyncadd.s32 $0xFFFFC000  }
0xc4: {  	[spmem:s3] =	stream.indirect.scatter.add.f32 [tilespmem:s4], [sflag:$0x1], $0x80, s14, s10, $0xb8;
	[tilespmem:$0x7008] =	vst v63  }
0xc5: {  	_ =	swait.ge [sflag:s6], $0x4000  }
0xc6: {  	[sflag:s6] =	ssyncset.done $0x0  }
0xc7: {  	[sflag:s6] =	ssyncadd.s32 $0xFFFFC000  }
0xc8: {  	[spmem:s3] =	stream.indirect.scatter.add.f32 [tilespmem:s4], [sflag:$0x1], $0x80, s15, s10, $0xb8;
	[tilespmem:$0x7008] =	vst v63  }
0xc9: {  	_ =	swait.ge [sflag:s6], $0x4000  }
0xca: {  	[sflag:s6] =	ssyncset.done $0x0  }
0xcb: {  	[sflag:s6] =	ssyncadd.s32 $0xFFFFC000  }
0xcc: {  	[spmem:s3] =	stream.indirect.scatter.add.f32 [tilespmem:s4], [sflag:$0x1], $0x80, s16, s10, $0xb8;
	[tilespmem:$0x7008] =	vst v63  }
0xcd: {  	_ =	swait.ge [sflag:s6], $0x4000  }
0xce: {  	[sflag:s6] =	ssyncset.done $0x0  }
0xcf: {  	[sflag:s6] =	ssyncadd.s32 $0xFFFFC000  }
0xd0: {  	[spmem:s3] =	stream.indirect.scatter.add.f32 [tilespmem:s4], [sflag:$0x1], $0x80, s17, s10, $0xb8;
	[tilespmem:$0x7008] =	vst v63  }
0xd1: {  	_ =	swait.ge [sflag:s6], $0x4000  }
0xd2: {  	[sflag:s6] =	ssyncset.done $0x0  }
0xd3: {  	[sflag:s6] =	ssyncadd.s32 $0xFFFFC000  }
0xd4: {  	[spmem:s3] =	stream.indirect.scatter.add.f32 [tilespmem:s4], [sflag:$0x1], $0x80, s18, s10, $0xb8;
	[tilespmem:$0x7008] =	vst v63  }
0xd5: {  	_ =	swait.ge [sflag:s6], $0x4000  }
0xd6: {  	[sflag:s6] =	ssyncset.done $0x0  }
0xd7: {  	[sflag:s6] =	ssyncadd.s32 $0xFFFFC000  }
0xd8: {  	[spmem:s3] =	stream.indirect.scatter.add.f32 [tilespmem:s4], [sflag:$0x1], $0x80, s19, s10, $0xb8;
	[tilespmem:$0x7008] =	vst v63  }
0xd9: {  	_ =	swait.ge [sflag:s6], $0x4000  }
0xda: {  	[sflag:s6] =	ssyncset.done $0x0  }
0xdb: {  	[sflag:s6] =	ssyncadd.s32 $0xFFFFC000  }
0xdc: {  	[spmem:s3] =	stream.indirect.scatter.add.f32 [tilespmem:s4], [sflag:$0x1], $0x80, s20, s10, $0xb8;
	[tilespmem:$0x7008] =	vst v63  }
0xdd: {  	_ =	swait.ge [sflag:s6], $0x4000  }
0xde: {  	[sflag:s6] =	ssyncset.done $0x0  }
0xdf: {  	[sflag:s6] =	ssyncadd.s32 $0xFFFFC000  }
0xe0: {  	[spmem:s3] =	stream.indirect.scatter.add.f32 [tilespmem:s4], [sflag:$0x1], $0x80, s21, s10, $0xb8;
	[tilespmem:$0x7008] =	vst v63  }
0xe1: {  	_ =	swait.ge [sflag:s6], $0x4000  }
0xe2: {  	[sflag:s6] =	ssyncset.done $0x0  }
0xe3: {  	[sflag:s6] =	ssyncadd.s32 $0xFFFFC000  }
0xe4: {  	[spmem:s3] =	stream.indirect.scatter.add.f32 [tilespmem:s4], [sflag:$0x1], $0x80, s22, s10, $0xb8;
	[tilespmem:$0x7008] =	vst v63  }
0xe5: {  	_ =	swait.ge [sflag:s6], $0x4000  }
0xe6: {  	[sflag:s6] =	ssyncset.done $0x0  }
0xe7: {  	[sflag:s6] =	ssyncadd.s32 $0xFFFFC000  }
0xe8: {  	[spmem:s3] =	stream.indirect.scatter.add.f32 [tilespmem:s4], [sflag:$0x1], $0x80, s23, s10, $0xb8;
	[tilespmem:$0x7008] =	vst v63  }
0xe9: {  	_ =	swait.ge [sflag:s6], $0x4000  }
0xea: {  	[sflag:s6] =	ssyncset.done $0x0  }
0xeb: {  	[sflag:s6] =	ssyncadd.s32 $0xFFFFC000  }
0xec: {  	[spmem:s3] =	stream.indirect.scatter.add.f32 [tilespmem:s4], [sflag:$0x1], $0x80, s24, s10, $0xb8;
	[tilespmem:$0x7008] =	vst v63  }
0xed: {  	_ =	swait.ge [sflag:s6], $0x4000  }
0xee: {  	[sflag:s6] =	ssyncset.done $0x0  }
0xef: {  	[sflag:s6] =	ssyncadd.s32 $0xFFFFC000  }
0xf0: {  	[spmem:s3] =	stream.indirect.scatter.add.f32 [tilespmem:s4], [sflag:$0x1], $0x80, s25, s10, $0xb8;
	[tilespmem:$0x7008] =	vst v63  }
0xf1: {  	_ =	swait.ge [sflag:s6], $0x4000  }
0xf2: {  	[sflag:s6] =	ssyncset.done $0x0  }
0xf3: {  	[sflag:s6] =	ssyncadd.s32 $0xFFFFC000  }
0xf4: {  	[spmem:s3] =	stream.indirect.scatter.add.f32 [tilespmem:s4], [sflag:$0x1], $0x80, s26, s10, $0xb8;
	[tilespmem:$0x7008] =	vst v63  }
0xf5: {  	_ =	swait.ge [sflag:s6], $0x4000  }
0xf6: {  	[sflag:s6] =	ssyncset.done $0x0  }
0xf7: {  	[sflag:s6] =	ssyncadd.s32 $0xFFFFC000  }
0xf8: {  	[spmem:s3] =	stream.indirect.scatter.add.f32 [tilespmem:s4], [sflag:$0x1], $0x80, s28, s10, $0xb8;
	[tilespmem:$0x7008] =	vst v63  }
0xf9: {  	_ =	swait.ge [sflag:s6], $0x4000  }
0xfa: {  	[sflag:s6] =	ssyncset.done $0x0  }
0xfb: {  	[sflag:s6] =	ssyncadd.s32 $0xFFFFC000  }
0xfc: {  	[spmem:s3] =	stream.indirect.scatter.add.f32 [tilespmem:s4], [sflag:$0x1], $0x80, s29, s10, $0xb8;
	[tilespmem:$0x7008] =	vst v63  }
0xfd: {  	_ =	swait.ge [sflag:s6], $0x4000  }
0xfe: {  	[sflag:s6] =	ssyncset.done $0x0  }
0xff: {  	[sflag:s6] =	ssyncadd.s32 $0xFFFFC000  }
0x100: {  	[spmem:s3] =	stream.indirect.scatter.add.f32 [tilespmem:s4], [sflag:$0x1], $0x80, s30, s10, $0xb8;
	[tilespmem:$0x7008] =	vst v63  }
0x101: {  	_ =	swait.ge [sflag:s6], $0x4000  }
0x102: {  	[sflag:s6] =	ssyncset.done $0x0  }
0x103: {  	[sflag:s6] =	ssyncadd.s32 $0xFFFFC000  }
0x104: {  	[spmem:s3] =	stream.indirect.scatter.add.f32 [tilespmem:s4], [sflag:$0x1], $0x80, s31, s10, $0xb8;
	[tilespmem:$0x7008] =	vst v63  }
0x105: {  	_ =	swait.ge [sflag:s6], $0x4000  }
0x106: {  	s0 =	sadd.s32 $0xFFFFFFFF, s0;
	[sflag:s6] =	ssyncset.done $0x0  }
0x107: {  	p1 =	sne.s32 s0, $0x0;
	[sflag:s6] =	ssyncadd.s32 $0xFFFFC000  }
.Ltmp1:
0x108: {  	[bflag:$0x0] =	sbarrier.arrive $0xFFFF;
	(pc) =	sbr.rel @p1 .LBB2_1-.Ltmp1, $4  }
0x109: {  	s1 =	rddreg [dreg:$0x7]  }
0x10a: {  	[hbm:s1], [sflag:s5] =	dma.local [spmem:s7], $0x400  }
0x10b: {  	_ =	swait.ge [sflag:s6], $0x400  }
0x10c: {  	[sflag:s6] =	ssyncset.done $0x0  }
.LBB2_2:
0x10d: {  	[sflag:s6] =	ssyncadd.s32 $0xFFFFFC00  }
0x10e: {  	_ =	sfence.sel $0x180000  }
0x10f: {  	[bflag:$0x0] =	sbarrier.arrive $0xFFFF  }
0x110: {  	_ =	strace $0x9000004A  }
0x111: {  	s0 =	stileid.u32;
	[bflag:$0x2] =	sbarrier.arrive $0xFFFF  }
0x112: {  	p0 =	sne.s32 s0, $0x0;
	s0 =	rddreg [dreg:$0x4]  }
0x113: {  	s0 =	sadd.s32 @!p0 $0x100000, s0  }
0x114: {  	[sflag:s0] =	ssyncadd.tile.s32 @!p0 $0x1;
	_ =	shalt  }
.Lfunc_end2:
_tile_overlayer_lowered:
.L_overlay_start_2:
0x115: {  	(tag) =	ssettag $0x2  }
0x116: {  	s0 =	rddreg [dreg:$0x0];
	s2 =	stileid.u32  }
0x117: {  	s1 =	rddreg [dreg:$0x1];
	p0 =	sne.s32 s2, $0x0  }
0x118: {  	s3 =	rddreg [dreg:$0x2];
	[bflag:$0x3] =	sbarrier.arrive $0xFFFF;
	s2 =	simm.s32 @!p0 $0x1C01  }
0x119: {  	[timem:s3], [sflag:s2] =	dma.local @!p0 [hbm:s0], s1  }
0x11a: {  	s0 =	simm.s32 @!p0 $0x1  }
0x11b: {  	_ =	swait.ge @!p0 [sflag:s0], s1  }
0x11c: {  	s1 =	ssub.s32 @!p0 $0x0, s1;
	[sflag:s0] =	ssyncset.done @!p0 $0x0  }
0x11d: {  	[sflag:s0] =	ssyncadd.s32 @!p0 s1  }
0x11e: {  	[bflag:$0x3] =	sbarrier.arrive $0xFFFF  }
0x11f: {  	_ =	shalt  }

</sc_bundles>
